<compile_context>
chip_gen: v7x
topology: tpu7x:2x2x1
jax: 0.10.2.dev20260603
libtpu: 0.0.44.dev20260713+nightly
codegen_flags: <defaults>
</compile_context>

<pallas_src>
import functools

import jax
import jax.numpy as jnp
from jax import lax
from jax.experimental import pallas as pl
from jax.experimental.pallas import tpu as pltpu
from jax.experimental.pallas import tpu_sc as plsc

N_NODES = 10000
D = 128
N_EDGES = 320000

NC = 2
NS = 16
NW = NC * NS
CHUNK = 128
CPW = 80
NIB = 2
IBC = CPW // NIB
EPAD = NW * CPW * CHUNK
NPAD = 10112
RPT = NPAD // NS
NBUF = 2
_ZOFFS = sorted({*range(0, RPT - CHUNK + 1, CHUNK), RPT - CHUNK})



@functools.cache
def _build_deg_kernel():
    mesh = plsc.VectorSubcoreMesh(
        core_axis_name="c", subcore_axis_name="s", num_cores=NC, num_subcores=NS
    )
    return functools.partial(
        pl.kernel,
        out_type=jax.ShapeDtypeStruct((NC, NPAD, D), jnp.float32),
        mesh=mesh,
        scratch_types=[
            pltpu.VMEM((CPW, CHUNK), jnp.int32),
            pltpu.VMEM((CHUNK, D), jnp.float32),
            pltpu.VMEM_SHARED((NPAD, D), jnp.float32),
        ],
    )(_deg_body)


def _deg_body(dst_hbm, out_hbm, dst_v, buf_v, deg_sh):
    cid = lax.axis_index("c")
    sid = lax.axis_index("s")
    wid = cid * NS + sid
    zero16 = jnp.zeros((16,), jnp.float32)
    one16 = jnp.ones((16,), jnp.float32)

    def zfill(i, c):
        buf_v[i // 8, pl.ds((i % 8) * 16, 16)] = zero16
        return c

    lax.fori_loop(0, CHUNK * 8, zfill, 0)
    for off in _ZOFFS:
        pltpu.sync_copy(buf_v, deg_sh.at[pl.ds(sid * RPT + off, CHUNK)])
    plsc.subcore_barrier()

    def ofill(i, c):
        buf_v[i // 8, pl.ds((i % 8) * 16, 16)] = one16
        return c

    lax.fori_loop(0, CHUNK * 8, ofill, 0)
    pltpu.sync_copy(dst_hbm.at[wid], dst_v)

    def body(j, c):
        pltpu.sync_copy(buf_v, deg_sh.at[dst_v.at[j]], add=True)
        return c

    lax.fori_loop(0, CPW, body, 0)
    plsc.subcore_barrier()
    pltpu.sync_copy(
        deg_sh.at[pl.ds(sid * RPT, RPT)], out_hbm.at[cid, pl.ds(sid * RPT, RPT)]
    )


@functools.cache
def _build_prop_kernel():
    mesh = plsc.VectorSubcoreMesh(
        core_axis_name="c", subcore_axis_name="s", num_cores=NC, num_subcores=NS
    )
    return functools.partial(
        pl.kernel,
        out_type=jax.ShapeDtypeStruct((NC, NPAD, D), jnp.float32),
        mesh=mesh,
        scratch_types=[
            pltpu.VMEM((IBC, CHUNK), jnp.int32),
            pltpu.VMEM((IBC, CHUNK), jnp.int32),
            pltpu.VMEM((NBUF, CHUNK, D), jnp.float32),
            pltpu.VMEM_SHARED((NPAD, D), jnp.float32),
            pltpu.SemaphoreType.DMA((NBUF,)),
            pltpu.SemaphoreType.DMA((NBUF,)),
        ],
    )(_prop_body)


def _prop_body(
    lin_hbm, src_hbm, dst_hbm, out_hbm, src_v, dst_v, rows_v, acc_sh, gsem, ssem
):
    cid = lax.axis_index("c")
    sid = lax.axis_index("s")
    wid = cid * NS + sid
    zero16 = jnp.zeros((16,), jnp.float32)

    def zfill(i, c):
        rows_v[0, i // 8, pl.ds((i % 8) * 16, 16)] = zero16
        return c

    lax.fori_loop(0, CHUNK * 8, zfill, 0)
    for off in _ZOFFS:
        pltpu.sync_copy(rows_v.at[0], acc_sh.at[pl.ds(sid * RPT + off, CHUNK)])
    plsc.subcore_barrier()

    for ib in range(NIB):
        pltpu.sync_copy(src_hbm.at[wid, pl.ds(ib * IBC, IBC)], src_v)
        pltpu.sync_copy(dst_hbm.at[wid, pl.ds(ib * IBC, IBC)], dst_v)

        pltpu.async_copy(lin_hbm.at[src_v.at[0]], rows_v.at[0], gsem.at[0])

        def body(j, c):
            bs = lax.rem(j, NBUF)
            bg = lax.rem(j + 1, NBUF)

            @pl.when(j + 1 < IBC)
            def _prefetch():
                @pl.when(j >= 1)
                def _drain():
                    pltpu.make_async_copy(
                        rows_v.at[bg], acc_sh.at[dst_v.at[j]], ssem.at[bg]
                    ).wait()

                pltpu.async_copy(
                    lin_hbm.at[src_v.at[j + 1]], rows_v.at[bg], gsem.at[bg]
                )

            pltpu.make_async_copy(
                lin_hbm.at[src_v.at[j]], rows_v.at[bs], gsem.at[bs]
            ).wait()
            pltpu.async_copy(
                rows_v.at[bs], acc_sh.at[dst_v.at[j]], ssem.at[bs], add=True
            )
            return c

        lax.fori_loop(0, IBC, body, 0)
        for j in range(IBC - NBUF, IBC):
            pltpu.make_async_copy(
                rows_v.at[j % NBUF], acc_sh.at[dst_v.at[IBC - 1]], ssem.at[j % NBUF]
            ).wait()
    plsc.subcore_barrier()
    pltpu.sync_copy(
        acc_sh.at[pl.ds(sid * RPT, RPT)], out_hbm.at[cid, pl.ds(sid * RPT, RPT)]
    )



TBLK = 2000
NTB = N_NODES // TBLK


def _matmul(x, w):

    def body(x_ref, w_ref, o_ref):
        o_ref[...] = jnp.dot(x_ref[...], w_ref[...], preferred_element_type=jnp.float32)

    return pl.pallas_call(
        body,
        grid=(NTB,),
        in_specs=[
            pl.BlockSpec((TBLK, D), lambda i: (i, 0)),
            pl.BlockSpec((D, D), lambda i: (0, 0)),
        ],
        out_specs=pl.BlockSpec((TBLK, D), lambda i: (i, 0)),
        out_shape=jax.ShapeDtypeStruct((N_NODES, D), jnp.float32),
    )(x, w)


def _scale(lin, degp):

    def body(l_ref, dg_ref, dinv_ref, lins_ref):
        d = dg_ref[0, :, :16] + dg_ref[1, :, :16] + 1.0
        dinv = lax.rsqrt(d)
        dinv_ref[...] = dinv
        lins_ref[...] = l_ref[...] * dinv[:, 0:1]

    return pl.pallas_call(
        body,
        grid=(NTB,),
        in_specs=[
            pl.BlockSpec((TBLK, D), lambda i: (i, 0)),
            pl.BlockSpec((NC, TBLK, D), lambda i: (0, i, 0)),
        ],
        out_specs=[
            pl.BlockSpec((TBLK, 16), lambda i: (i, 0)),
            pl.BlockSpec((TBLK, D), lambda i: (i, 0)),
        ],
        out_shape=[
            jax.ShapeDtypeStruct((N_NODES, 16), jnp.float32),
            jax.ShapeDtypeStruct((N_NODES, D), jnp.float32),
        ],
    )(lin, degp)


def _mid_layer(q, lins, dinv, b, w):

    def body(q_ref, l_ref, dv_ref, b_ref, w_ref, o_ref):
        dv = dv_ref[...][:, 0:1]
        h = (q_ref[0] + q_ref[1] + l_ref[...]) * dv + b_ref[...][None, :]
        h = jnp.maximum(h, 0.0)
        o_ref[...] = jnp.dot(h, w_ref[...], preferred_element_type=jnp.float32) * dv

    return pl.pallas_call(
        body,
        grid=(NTB,),
        in_specs=[
            pl.BlockSpec((NC, TBLK, D), lambda i: (0, i, 0)),
            pl.BlockSpec((TBLK, D), lambda i: (i, 0)),
            pl.BlockSpec((TBLK, 16), lambda i: (i, 0)),
            pl.BlockSpec((D,), lambda i: (0,)),
            pl.BlockSpec((D, D), lambda i: (0, 0)),
        ],
        out_specs=pl.BlockSpec((TBLK, D), lambda i: (i, 0)),
        out_shape=jax.ShapeDtypeStruct((N_NODES, D), jnp.float32),
    )(q, lins, dinv, b, w)


def _final_layer(q, lins, dinv, b):

    def body(q_ref, l_ref, dv_ref, b_ref, o_ref):
        dv = dv_ref[...][:, 0:1]
        o_ref[...] = (q_ref[0] + q_ref[1] + l_ref[...]) * dv + b_ref[...][None, :]

    return pl.pallas_call(
        body,
        grid=(NTB,),
        in_specs=[
            pl.BlockSpec((NC, TBLK, D), lambda i: (0, i, 0)),
            pl.BlockSpec((TBLK, D), lambda i: (i, 0)),
            pl.BlockSpec((TBLK, 16), lambda i: (i, 0)),
            pl.BlockSpec((D,), lambda i: (0,)),
        ],
        out_specs=pl.BlockSpec((TBLK, D), lambda i: (i, 0)),
        out_shape=jax.ShapeDtypeStruct((N_NODES, D), jnp.float32),
    )(q, lins, dinv, b)



def kernel(x, edge_index, W1, b1, W2, b2):
    ei = edge_index.astype(jnp.int32)
    pad = EPAD - N_EDGES
    fill_dst = N_NODES + jnp.arange(pad, dtype=jnp.int32) % (NPAD - N_NODES)
    fill_src = jnp.arange(pad, dtype=jnp.int32) % N_NODES
    srcp = jnp.concatenate([ei[0], fill_src]).reshape(NW, CPW, CHUNK)
    dstp = jnp.concatenate([ei[1], fill_dst]).reshape(NW, CPW, CHUNK)

    lin1 = _matmul(x, W1)
    degp = _build_deg_kernel()(dstp)
    dinv, lins1 = _scale(lin1, degp)
    prop = _build_prop_kernel()
    q1 = prop(lins1, srcp, dstp)
    lins2 = _mid_layer(q1, lins1, dinv, b1, W2)
    q2 = prop(lins2, srcp, dstp)
    return _final_layer(q2, lins2, dinv, b2)

# --- scband reference (transcript-rebuilt; emitter-appended) ---
"""Pipeline reference for scband-baseline-gcn-541165879478 (READ-ONLY COPY).

The authoritative reference and input builder live on the scoring server;
editing this copy changes nothing except your own understanding.
"""

import jax, jax.numpy as jnp
import numpy as np

N_NODES = 10000
D_IN = 128
D_HID = 128
D_OUT = 128
N_EDGES = 320000


def setup_inputs(seed: int = 0) -> dict:
    key = jax.random.key(seed)
    k1, k2, k3, k4, k5, k6 = jax.random.split(key, 6)
    x = jax.random.normal(k1, (N_NODES, D_IN), dtype=jnp.float32)
    edge_index = jax.random.randint(k2, (2, N_EDGES), 0, N_NODES, dtype=jnp.int64)
    # Glorot init for GCNConv linear weights, zeros for bias (PyG defaults)
    s1 = float(np.sqrt(6.0 / (D_IN + D_HID)))
    W1 = jax.random.uniform(k3, (D_IN, D_HID), dtype=jnp.float32, minval=-s1, maxval=s1)
    b1 = jnp.zeros((D_HID,), dtype=jnp.float32)
    s2 = float(np.sqrt(6.0 / (D_HID + D_OUT)))
    W2 = jax.random.uniform(k4, (D_HID, D_OUT), dtype=jnp.float32, minval=-s2, maxval=s2)
    b2 = jnp.zeros((D_OUT,), dtype=jnp.float32)
    return {"x": x, "edge_index": edge_index, "W1": W1, "b1": b1, "W2": W2, "b2": b2}


def gcn_conv(x, edge_index, W, b, num_nodes):
    # x' = D^{-1/2} (A + I) D^{-1/2} (X W) + b  (PyG GCNConv default: add_self_loops=True, normalize=True)
    lin = x @ W
    src = edge_index[0]
    dst = edge_index[1]
    loop = jnp.arange(num_nodes, dtype=src.dtype)
    src = jnp.concatenate([src, loop])
    dst = jnp.concatenate([dst, loop])
    deg = jnp.zeros((num_nodes,), dtype=lin.dtype).at[dst].add(1.0)
    deg_inv_sqrt = jnp.where(deg > 0, 1.0 / jnp.sqrt(deg), 0.0)
    norm = deg_inv_sqrt[src] * deg_inv_sqrt[dst]
    msg = lin[src] * norm[:, None]
    out = jax.ops.segment_sum(msg, dst, num_segments=num_nodes)
    return out + b


def reference(x, edge_index, W1, b1, W2, b2):
    h = gcn_conv(x, edge_index, W1, b1, N_NODES)
    h = jax.nn.relu(h)
    # dropout is identity in eval mode (training=False)
    out = gcn_conv(h, edge_index, W2, b2, N_NODES)
    return out

if __name__ == "__main__":
    import jax
    _d = setup_inputs()
    print(jax.jit(kernel)(*tuple(_d.values())))

</pallas_src>

<mosaic_0001>
#map = affine_map<(d0, d1) -> (0, 0, 0)>
module attributes {stable_mosaic.version = 14 : i64} {
  func.func @_deg_body(%arg0: i32, %arg1: i32, %arg2: memref<32x80x128xi32, #tpu.memory_space<hbm>>, %arg3: memref<2x10112x128xf32, #tpu.memory_space<hbm>>, %arg4: memref<80x128xi32, #tpu.memory_space<vmem>>, %arg5: memref<128x128xf32, #tpu.memory_space<vmem>>, %arg6: memref<10112x128xf32, #tpu.memory_space<vmem_shared>>) attributes {dimension_semantics = [#tpu.dimension_semantics<core_parallel>, #tpu.dimension_semantics<subcore_parallel>], iteration_bounds = array<i64: 2, 16>, scalar_prefetch = 0 : i64, scratch_operands = 3 : i64, tpu.core_type = #tpu.core_type<sc_vector_subcore>, window_params = [{transform_indices = #map}, {transform_indices = #map}]} {
    %mul3A = arith.constant 16 : i32
    %mul3A_0 = arith.muli %arg0, %mul3A : i32
    %add3A = arith.addi %mul3A_0, %arg1 : i32
    %broadcast_in_dim3A = arith.constant 0.000000e+00 : f32
    %broadcast_in_dim3A_1 = vector.broadcast %broadcast_in_dim3A : f32 to vector<16xf32>
    %broadcast_in_dim3A_2 = arith.constant 1.000000e+00 : f32
    %broadcast_in_dim3A_3 = vector.broadcast %broadcast_in_dim3A_2 : f32 to vector<16xf32>
    %scan3A = arith.constant 0 : i32
    %scan3A_4 = arith.constant 0 : i32
    %scan3A_5 = arith.constant 1024 : i32
    %scan3A_6 = arith.addi %scan3A_4, %scan3A_5 : i32
    %scan3A_7 = arith.constant 1 : i32
    scf.for %scan3A_46 = %scan3A_4 to %scan3A_6 step %scan3A_7  : i32 {
      %jit3A = arith.constant 8 : i32
      %div3A = arith.divsi %scan3A_46, %jit3A : i32
      %sign3A = arith.constant 0 : i32
      %sign3A_47 = arith.cmpi sgt, %scan3A_46, %sign3A : i32
      %sign3A_48 = arith.extui %sign3A_47 : i1 to i32
      %sign3A_49 = arith.constant 0 : i32
      %sign3A_50 = arith.cmpi slt, %scan3A_46, %sign3A_49 : i32
      %sign3A_51 = arith.extui %sign3A_50 : i1 to i32
      %sign3A_52 = arith.subi %sign3A_48, %sign3A_51 : i32
      %sign3A_53 = arith.constant 0 : i32
      %sign3A_54 = arith.cmpi sgt, %jit3A, %sign3A_53 : i32
      %sign3A_55 = arith.extui %sign3A_54 : i1 to i32
      %sign3A_56 = arith.constant 0 : i32
      %sign3A_57 = arith.cmpi slt, %jit3A, %sign3A_56 : i32
      %sign3A_58 = arith.extui %sign3A_57 : i1 to i32
      %sign3A_59 = arith.subi %sign3A_55, %sign3A_58 : i32
      %ne3A = arith.cmpi ne, %sign3A_52, %sign3A_59 : i32
      %rem3A = arith.remsi %scan3A_46, %jit3A : i32
      %ne3A_60 = arith.constant 0 : i32
      %ne3A_61 = arith.cmpi ne, %rem3A, %ne3A_60 : i32
      %and3A = arith.andi %ne3A, %ne3A_61 : i1
      %sub3A = arith.constant 1 : i32
      %sub3A_62 = arith.subi %div3A, %sub3A : i32
      %select_n3A = arith.select %and3A, %sub3A_62, %div3A : i32
      %jit3A_63 = arith.constant 8 : i32
      %eq3A = arith.constant 0 : i32
      %eq3A_64 = arith.cmpi eq, %jit3A_63, %eq3A : i32
      %jit3A_65 = arith.constant 1 : i32
      %select_n3A_66 = arith.select %eq3A_64, %jit3A_65, %jit3A_63 : i32
      %rem3A_67 = arith.remsi %scan3A_46, %select_n3A_66 : i32
      %ne3A_68 = arith.constant 0 : i32
      %ne3A_69 = arith.cmpi ne, %rem3A_67, %ne3A_68 : i32
      %lt3A = arith.constant 0 : i32
      %lt3A_70 = arith.cmpi slt, %rem3A_67, %lt3A : i32
      %lt3A_71 = arith.constant 0 : i32
      %lt3A_72 = arith.cmpi slt, %select_n3A_66, %lt3A_71 : i32
      %ne3A_73 = arith.xori %lt3A_70, %lt3A_72 : i1
      %and3A_74 = arith.andi %ne3A_73, %ne3A_69 : i1
      %add3A_75 = arith.addi %rem3A_67, %select_n3A_66 : i32
      %select_n3A_76 = arith.select %and3A_74, %add3A_75, %rem3A_67 : i32
      %mul3A_77 = arith.constant 16 : i32
      %mul3A_78 = arith.muli %select_n3A_76, %mul3A_77 : i32
      %swap3A = arith.index_cast %select_n3A : i32 to index
      %swap3A_79 = arith.index_cast %mul3A_78 : i32 to index
      %swap3A_80 = tpu.vector_load %arg5[%swap3A, %swap3A_79] {strides = array<i32>} : memref<128x128xf32, #tpu.memory_space<vmem>>, vector<1x16xf32>,
      %swap3A_81 = vector.shape_cast %swap3A_80 : vector<1x16xf32> to vector<16xf32>
      %swap3A_82 = vector.shape_cast %broadcast_in_dim3A_1 : vector<16xf32> to vector<1x16xf32>
      tpu.vector_store %arg5[%swap3A, %swap3A_79], %swap3A_82 {strides = array<i32>} : memref<128x128xf32, #tpu.memory_space<vmem>>, vector<1x16xf32>,
    }
    %scan3A_8 = arith.constant 1024 : i32
    %mul3A_9 = arith.constant 632 : i32
    %mul3A_10 = arith.muli %arg1, %mul3A_9 : i32
    %add3A_11 = arith.constant 0 : i32
    %add3A_12 = arith.addi %mul3A_10, %add3A_11 : i32
    "tpu.region"() ({
      %run_scoped3A = tpu.sem_alloc : memref<!tpu.dma_semaphore, #tpu.memory_space<semaphore_mem>>
      %dma_start3A = arith.constant 0 : i32
      %dma_start3A_46 = tpu.memref_slice %arg6[%add3A_12, %dma_start3A] : memref<10112x128xf32, #tpu.memory_space<vmem_shared>> -> memref<128x128xf32, #tpu.memory_space<vmem_shared>>
      %dma_start3A_47 = arith.constant 0 : i32
      %dma_start3A_48 = tpu.memref_slice %arg6[%add3A_12, %dma_start3A_47] : memref<10112x128xf32, #tpu.memory_space<vmem_shared>> -> memref<128x128xf32, #tpu.memory_space<vmem_shared>>
      tpu.enqueue_dma source(%arg5 : memref<128x128xf32, #tpu.memory_space<vmem>>) target(%dma_start3A_48 : memref<128x128xf32, #tpu.memory_space<vmem_shared>>) target_semaphore(%run_scoped3A : memref<!tpu.dma_semaphore, #tpu.memory_space<semaphore_mem>>)
      %dma_wait3A = arith.constant 0 : i32
      %dma_wait3A_49 = tpu.memref_slice %arg6[%add3A_12, %dma_wait3A] : memref<10112x128xf32, #tpu.memory_space<vmem_shared>> -> memref<128x128xf32, #tpu.memory_space<vmem_shared>>
      %dma_wait3A_50 = arith.constant 0 : i32
      %dma_wait3A_51 = tpu.memref_slice %arg6[%add3A_12, %dma_wait3A_50] : memref<10112x128xf32, #tpu.memory_space<vmem_shared>> -> memref<128x128xf32, #tpu.memory_space<vmem_shared>>
      tpu.wait_dma2 semaphore(%run_scoped3A : memref<!tpu.dma_semaphore, #tpu.memory_space<semaphore_mem>>) src(%arg5 : memref<128x128xf32, #tpu.memory_space<vmem>>) dst(%dma_wait3A_51 : memref<128x128xf32, #tpu.memory_space<vmem_shared>>)
      tpu.yield
    }) : () -> ()
    %mul3A_13 = arith.constant 632 : i32
    %mul3A_14 = arith.muli %arg1, %mul3A_13 : i32
    %add3A_15 = arith.constant 128 : i32
    %add3A_16 = arith.addi %mul3A_14, %add3A_15 : i32
    "tpu.region"() ({
      %run_scoped3A = tpu.sem_alloc : memref<!tpu.dma_semaphore, #tpu.memory_space<semaphore_mem>>
      %dma_start3A = arith.constant 0 : i32
      %dma_start3A_46 = tpu.memref_slice %arg6[%add3A_16, %dma_start3A] : memref<10112x128xf32, #tpu.memory_space<vmem_shared>> -> memref<128x128xf32, #tpu.memory_space<vmem_shared>>
      %dma_start3A_47 = arith.constant 0 : i32
      %dma_start3A_48 = tpu.memref_slice %arg6[%add3A_16, %dma_start3A_47] : memref<10112x128xf32, #tpu.memory_space<vmem_shared>> -> memref<128x128xf32, #tpu.memory_space<vmem_shared>>
      tpu.enqueue_dma source(%arg5 : memref<128x128xf32, #tpu.memory_space<vmem>>) target(%dma_start3A_48 : memref<128x128xf32, #tpu.memory_space<vmem_shared>>) target_semaphore(%run_scoped3A : memref<!tpu.dma_semaphore, #tpu.memory_space<semaphore_mem>>)
      %dma_wait3A = arith.constant 0 : i32
      %dma_wait3A_49 = tpu.memref_slice %arg6[%add3A_16, %dma_wait3A] : memref<10112x128xf32, #tpu.memory_space<vmem_shared>> -> memref<128x128xf32, #tpu.memory_space<vmem_shared>>
      %dma_wait3A_50 = arith.constant 0 : i32
      %dma_wait3A_51 = tpu.memref_slice %arg6[%add3A_16, %dma_wait3A_50] : memref<10112x128xf32, #tpu.memory_space<vmem_shared>> -> memref<128x128xf32, #tpu.memory_space<vmem_shared>>
      tpu.wait_dma2 semaphore(%run_scoped3A : memref<!tpu.dma_semaphore, #tpu.memory_space<semaphore_mem>>) src(%arg5 : memref<128x128xf32, #tpu.memory_space<vmem>>) dst(%dma_wait3A_51 : memref<128x128xf32, #tpu.memory_space<vmem_shared>>)
      tpu.yield
    }) : () -> ()
    %mul3A_17 = arith.constant 632 : i32
    %mul3A_18 = arith.muli %arg1, %mul3A_17 : i32
    %add3A_19 = arith.constant 256 : i32
    %add3A_20 = arith.addi %mul3A_18, %add3A_19 : i32
    "tpu.region"() ({
      %run_scoped3A = tpu.sem_alloc : memref<!tpu.dma_semaphore, #tpu.memory_space<semaphore_mem>>
      %dma_start3A = arith.constant 0 : i32
      %dma_start3A_46 = tpu.memref_slice %arg6[%add3A_20, %dma_start3A] : memref<10112x128xf32, #tpu.memory_space<vmem_shared>> -> memref<128x128xf32, #tpu.memory_space<vmem_shared>>
      %dma_start3A_47 = arith.constant 0 : i32
      %dma_start3A_48 = tpu.memref_slice %arg6[%add3A_20, %dma_start3A_47] : memref<10112x128xf32, #tpu.memory_space<vmem_shared>> -> memref<128x128xf32, #tpu.memory_space<vmem_shared>>
      tpu.enqueue_dma source(%arg5 : memref<128x128xf32, #tpu.memory_space<vmem>>) target(%dma_start3A_48 : memref<128x128xf32, #tpu.memory_space<vmem_shared>>) target_semaphore(%run_scoped3A : memref<!tpu.dma_semaphore, #tpu.memory_space<semaphore_mem>>)
      %dma_wait3A = arith.constant 0 : i32
      %dma_wait3A_49 = tpu.memref_slice %arg6[%add3A_20, %dma_wait3A] : memref<10112x128xf32, #tpu.memory_space<vmem_shared>> -> memref<128x128xf32, #tpu.memory_space<vmem_shared>>
      %dma_wait3A_50 = arith.constant 0 : i32
      %dma_wait3A_51 = tpu.memref_slice %arg6[%add3A_20, %dma_wait3A_50] : memref<10112x128xf32, #tpu.memory_space<vmem_shared>> -> memref<128x128xf32, #tpu.memory_space<vmem_shared>>
      tpu.wait_dma2 semaphore(%run_scoped3A : memref<!tpu.dma_semaphore, #tpu.memory_space<semaphore_mem>>) src(%arg5 : memref<128x128xf32, #tpu.memory_space<vmem>>) dst(%dma_wait3A_51 : memref<128x128xf32, #tpu.memory_space<vmem_shared>>)
      tpu.yield
    }) : () -> ()
    %mul3A_21 = arith.constant 632 : i32
    %mul3A_22 = arith.muli %arg1, %mul3A_21 : i32
    %add3A_23 = arith.constant 384 : i32
    %add3A_24 = arith.addi %mul3A_22, %add3A_23 : i32
    "tpu.region"() ({
      %run_scoped3A = tpu.sem_alloc : memref<!tpu.dma_semaphore, #tpu.memory_space<semaphore_mem>>
      %dma_start3A = arith.constant 0 : i32
      %dma_start3A_46 = tpu.memref_slice %arg6[%add3A_24, %dma_start3A] : memref<10112x128xf32, #tpu.memory_space<vmem_shared>> -> memref<128x128xf32, #tpu.memory_space<vmem_shared>>
      %dma_start3A_47 = arith.constant 0 : i32
      %dma_start3A_48 = tpu.memref_slice %arg6[%add3A_24, %dma_start3A_47] : memref<10112x128xf32, #tpu.memory_space<vmem_shared>> -> memref<128x128xf32, #tpu.memory_space<vmem_shared>>
      tpu.enqueue_dma source(%arg5 : memref<128x128xf32, #tpu.memory_space<vmem>>) target(%dma_start3A_48 : memref<128x128xf32, #tpu.memory_space<vmem_shared>>) target_semaphore(%run_scoped3A : memref<!tpu.dma_semaphore, #tpu.memory_space<semaphore_mem>>)
      %dma_wait3A = arith.constant 0 : i32
      %dma_wait3A_49 = tpu.memref_slice %arg6[%add3A_24, %dma_wait3A] : memref<10112x128xf32, #tpu.memory_space<vmem_shared>> -> memref<128x128xf32, #tpu.memory_space<vmem_shared>>
      %dma_wait3A_50 = arith.constant 0 : i32
      %dma_wait3A_51 = tpu.memref_slice %arg6[%add3A_24, %dma_wait3A_50] : memref<10112x128xf32, #tpu.memory_space<vmem_shared>> -> memref<128x128xf32, #tpu.memory_space<vmem_shared>>
      tpu.wait_dma2 semaphore(%run_scoped3A : memref<!tpu.dma_semaphore, #tpu.memory_space<semaphore_mem>>) src(%arg5 : memref<128x128xf32, #tpu.memory_space<vmem>>) dst(%dma_wait3A_51 : memref<128x128xf32, #tpu.memory_space<vmem_shared>>)
      tpu.yield
    }) : () -> ()
    %mul3A_25 = arith.constant 632 : i32
    %mul3A_26 = arith.muli %arg1, %mul3A_25 : i32
    %add3A_27 = arith.constant 504 : i32
    %add3A_28 = arith.addi %mul3A_26, %add3A_27 : i32
    "tpu.region"() ({
      %run_scoped3A = tpu.sem_alloc : memref<!tpu.dma_semaphore, #tpu.memory_space<semaphore_mem>>
      %dma_start3A = arith.constant 0 : i32
      %dma_start3A_46 = tpu.memref_slice %arg6[%add3A_28, %dma_start3A] : memref<10112x128xf32, #tpu.memory_space<vmem_shared>> -> memref<128x128xf32, #tpu.memory_space<vmem_shared>>
      %dma_start3A_47 = arith.constant 0 : i32
      %dma_start3A_48 = tpu.memref_slice %arg6[%add3A_28, %dma_start3A_47] : memref<10112x128xf32, #tpu.memory_space<vmem_shared>> -> memref<128x128xf32, #tpu.memory_space<vmem_shared>>
      tpu.enqueue_dma source(%arg5 : memref<128x128xf32, #tpu.memory_space<vmem>>) target(%dma_start3A_48 : memref<128x128xf32, #tpu.memory_space<vmem_shared>>) target_semaphore(%run_scoped3A : memref<!tpu.dma_semaphore, #tpu.memory_space<semaphore_mem>>)
      %dma_wait3A = arith.constant 0 : i32
      %dma_wait3A_49 = tpu.memref_slice %arg6[%add3A_28, %dma_wait3A] : memref<10112x128xf32, #tpu.memory_space<vmem_shared>> -> memref<128x128xf32, #tpu.memory_space<vmem_shared>>
      %dma_wait3A_50 = arith.constant 0 : i32
      %dma_wait3A_51 = tpu.memref_slice %arg6[%add3A_28, %dma_wait3A_50] : memref<10112x128xf32, #tpu.memory_space<vmem_shared>> -> memref<128x128xf32, #tpu.memory_space<vmem_shared>>
      tpu.wait_dma2 semaphore(%run_scoped3A : memref<!tpu.dma_semaphore, #tpu.memory_space<semaphore_mem>>) src(%arg5 : memref<128x128xf32, #tpu.memory_space<vmem>>) dst(%dma_wait3A_51 : memref<128x128xf32, #tpu.memory_space<vmem_shared>>)
      tpu.yield
    }) : () -> ()
    %barrier3A = arith.constant 0 : index
    tpu.barrier barrier_id(%barrier3A)
    %scan3A_29 = arith.constant 0 : i32
    %scan3A_30 = arith.constant 0 : i32
    %scan3A_31 = arith.constant 1024 : i32
    %scan3A_32 = arith.addi %scan3A_30, %scan3A_31 : i32
    %scan3A_33 = arith.constant 1 : i32
    scf.for %scan3A_46 = %scan3A_30 to %scan3A_32 step %scan3A_33  : i32 {
      %jit3A = arith.constant 8 : i32
      %div3A = arith.divsi %scan3A_46, %jit3A : i32
      %sign3A = arith.constant 0 : i32
      %sign3A_47 = arith.cmpi sgt, %scan3A_46, %sign3A : i32
      %sign3A_48 = arith.extui %sign3A_47 : i1 to i32
      %sign3A_49 = arith.constant 0 : i32
      %sign3A_50 = arith.cmpi slt, %scan3A_46, %sign3A_49 : i32
      %sign3A_51 = arith.extui %sign3A_50 : i1 to i32
      %sign3A_52 = arith.subi %sign3A_48, %sign3A_51 : i32
      %sign3A_53 = arith.constant 0 : i32
      %sign3A_54 = arith.cmpi sgt, %jit3A, %sign3A_53 : i32
      %sign3A_55 = arith.extui %sign3A_54 : i1 to i32
      %sign3A_56 = arith.constant 0 : i32
      %sign3A_57 = arith.cmpi slt, %jit3A, %sign3A_56 : i32
      %sign3A_58 = arith.extui %sign3A_57 : i1 to i32
      %sign3A_59 = arith.subi %sign3A_55, %sign3A_58 : i32
      %ne3A = arith.cmpi ne, %sign3A_52, %sign3A_59 : i32
      %rem3A = arith.remsi %scan3A_46, %jit3A : i32
      %ne3A_60 = arith.constant 0 : i32
      %ne3A_61 = arith.cmpi ne, %rem3A, %ne3A_60 : i32
      %and3A = arith.andi %ne3A, %ne3A_61 : i1
      %sub3A = arith.constant 1 : i32
      %sub3A_62 = arith.subi %div3A, %sub3A : i32
      %select_n3A = arith.select %and3A, %sub3A_62, %div3A : i32
      %jit3A_63 = arith.constant 8 : i32
      %eq3A = arith.constant 0 : i32
      %eq3A_64 = arith.cmpi eq, %jit3A_63, %eq3A : i32
      %jit3A_65 = arith.constant 1 : i32
      %select_n3A_66 = arith.select %eq3A_64, %jit3A_65, %jit3A_63 : i32
      %rem3A_67 = arith.remsi %scan3A_46, %select_n3A_66 : i32
      %ne3A_68 = arith.constant 0 : i32
      %ne3A_69 = arith.cmpi ne, %rem3A_67, %ne3A_68 : i32
      %lt3A = arith.constant 0 : i32
      %lt3A_70 = arith.cmpi slt, %rem3A_67, %lt3A : i32
      %lt3A_71 = arith.constant 0 : i32
      %lt3A_72 = arith.cmpi slt, %select_n3A_66, %lt3A_71 : i32
      %ne3A_73 = arith.xori %lt3A_70, %lt3A_72 : i1
      %and3A_74 = arith.andi %ne3A_73, %ne3A_69 : i1
      %add3A_75 = arith.addi %rem3A_67, %select_n3A_66 : i32
      %select_n3A_76 = arith.select %and3A_74, %add3A_75, %rem3A_67 : i32
      %mul3A_77 = arith.constant 16 : i32
      %mul3A_78 = arith.muli %select_n3A_76, %mul3A_77 : i32
      %swap3A = arith.index_cast %select_n3A : i32 to index
      %swap3A_79 = arith.index_cast %mul3A_78 : i32 to index
      %swap3A_80 = tpu.vector_load %arg5[%swap3A, %swap3A_79] {strides = array<i32>} : memref<128x128xf32, #tpu.memory_space<vmem>>, vector<1x16xf32>,
      %swap3A_81 = vector.shape_cast %swap3A_80 : vector<1x16xf32> to vector<16xf32>
      %swap3A_82 = vector.shape_cast %broadcast_in_dim3A_3 : vector<16xf32> to vector<1x16xf32>
      tpu.vector_store %arg5[%swap3A, %swap3A_79], %swap3A_82 {strides = array<i32>} : memref<128x128xf32, #tpu.memory_space<vmem>>, vector<1x16xf32>,
    }
    %scan3A_34 = arith.constant 1024 : i32
    "tpu.region"() ({
      %run_scoped3A = tpu.sem_alloc : memref<!tpu.dma_semaphore, #tpu.memory_space<semaphore_mem>>
      %dma_start3A = arith.constant 0 : i32
      %dma_start3A_46 = arith.constant 0 : i32
      %dma_start3A_47 = tpu.memref_slice %arg2[%add3A, %dma_start3A, %dma_start3A_46] : memref<32x80x128xi32, #tpu.memory_space<hbm>> -> memref<1x80x128xi32, #tpu.memory_space<hbm>>
      %dma_start3A_48 = tpu.memref_squeeze %dma_start3A_47 : memref<1x80x128xi32, #tpu.memory_space<hbm>> -> memref<80x128xi32, #tpu.memory_space<hbm>>
      %dma_start3A_49 = arith.constant 0 : i32
      %dma_start3A_50 = arith.constant 0 : i32
      %dma_start3A_51 = tpu.memref_slice %arg2[%add3A, %dma_start3A_49, %dma_start3A_50] : memref<32x80x128xi32, #tpu.memory_space<hbm>> -> memref<1x80x128xi32, #tpu.memory_space<hbm>>
      %dma_start3A_52 = tpu.memref_squeeze %dma_start3A_51 : memref<1x80x128xi32, #tpu.memory_space<hbm>> -> memref<80x128xi32, #tpu.memory_space<hbm>>
      tpu.enqueue_dma source(%dma_start3A_52 : memref<80x128xi32, #tpu.memory_space<hbm>>) target(%arg4 : memref<80x128xi32, #tpu.memory_space<vmem>>) target_semaphore(%run_scoped3A : memref<!tpu.dma_semaphore, #tpu.memory_space<semaphore_mem>>)
      %dma_wait3A = arith.constant 0 : i32
      %dma_wait3A_53 = arith.constant 0 : i32
      %dma_wait3A_54 = tpu.memref_slice %arg2[%add3A, %dma_wait3A, %dma_wait3A_53] : memref<32x80x128xi32, #tpu.memory_space<hbm>> -> memref<1x80x128xi32, #tpu.memory_space<hbm>>
      %dma_wait3A_55 = tpu.memref_squeeze %dma_wait3A_54 : memref<1x80x128xi32, #tpu.memory_space<hbm>> -> memref<80x128xi32, #tpu.memory_space<hbm>>
      %dma_wait3A_56 = arith.constant 0 : i32
      %dma_wait3A_57 = arith.constant 0 : i32
      %dma_wait3A_58 = tpu.memref_slice %arg2[%add3A, %dma_wait3A_56, %dma_wait3A_57] : memref<32x80x128xi32, #tpu.memory_space<hbm>> -> memref<1x80x128xi32, #tpu.memory_space<hbm>>
      %dma_wait3A_59 = tpu.memref_squeeze %dma_wait3A_58 : memref<1x80x128xi32, #tpu.memory_space<hbm>> -> memref<80x128xi32, #tpu.memory_space<hbm>>
      tpu.wait_dma2 semaphore(%run_scoped3A : memref<!tpu.dma_semaphore, #tpu.memory_space<semaphore_mem>>) src(%dma_wait3A_59 : memref<80x128xi32, #tpu.memory_space<hbm>>) dst(%arg4 : memref<80x128xi32, #tpu.memory_space<vmem>>)
      tpu.yield
    }) : () -> ()
    %scan3A_35 = arith.constant 0 : i32
    %scan3A_36 = arith.constant 0 : i32
    %scan3A_37 = arith.constant 80 : i32
    %scan3A_38 = arith.addi %scan3A_36, %scan3A_37 : i32
    %scan3A_39 = arith.constant 1 : i32
    scf.for %scan3A_46 = %scan3A_36 to %scan3A_38 step %scan3A_39  : i32 {
      "tpu.region"() ({
        %run_scoped3A = tpu.sem_alloc : memref<!tpu.dma_semaphore, #tpu.memory_space<semaphore_mem>>
        %dma_start3A = arith.constant 0 : i32
        %dma_start3A_47 = tpu.memref_slice %arg4[%scan3A_46, %dma_start3A] : memref<80x128xi32, #tpu.memory_space<vmem>> -> memref<1x128xi32, #tpu.memory_space<vmem>>
        %dma_start3A_48 = tpu.memref_squeeze %dma_start3A_47 : memref<1x128xi32, #tpu.memory_space<vmem>> -> memref<128xi32, #tpu.memory_space<vmem>>
        %dma_start3A_49 = arith.constant 0 : i32
        %dma_start3A_50 = arith.constant 0 : i32
        %dma_start3A_51 = tpu.memref_slice %arg6[%dma_start3A_49, %dma_start3A_50] : memref<10112x128xf32, #tpu.memory_space<vmem_shared>> -> memref<10112x128xf32, #tpu.memory_space<vmem_shared>>
        tpu.enqueue_indirect_dma source(%arg5 : memref<128x128xf32, #tpu.memory_space<vmem>>) target(%dma_start3A_51 : memref<10112x128xf32, #tpu.memory_space<vmem_shared>>) offsets(%dma_start3A_48 : memref<128xi32, #tpu.memory_space<vmem>>) semaphore(%run_scoped3A : memref<!tpu.dma_semaphore, #tpu.memory_space<semaphore_mem>>) {add = true}
        %dma_wait3A = arith.constant 0 : i32
        %dma_wait3A_52 = tpu.memref_slice %arg4[%scan3A_46, %dma_wait3A] : memref<80x128xi32, #tpu.memory_space<vmem>> -> memref<1x128xi32, #tpu.memory_space<vmem>>
        %dma_wait3A_53 = tpu.memref_squeeze %dma_wait3A_52 : memref<1x128xi32, #tpu.memory_space<vmem>> -> memref<128xi32, #tpu.memory_space<vmem>>
        %dma_wait3A_54 = arith.constant 0 : i32
        %dma_wait3A_55 = arith.constant 0 : i32
        %dma_wait3A_56 = tpu.memref_slice %arg6[%dma_wait3A_54, %dma_wait3A_55] : memref<10112x128xf32, #tpu.memory_space<vmem_shared>> -> memref<10112x128xf32, #tpu.memory_space<vmem_shared>>
        tpu.wait_indirect_dma semaphore(%run_scoped3A : memref<!tpu.dma_semaphore, #tpu.memory_space<semaphore_mem>>) src(%arg5 : memref<128x128xf32, #tpu.memory_space<vmem>>) dst(%dma_wait3A_56 : memref<10112x128xf32, #tpu.memory_space<vmem_shared>>)
        tpu.yield
      }) : () -> ()
    }
    %scan3A_40 = arith.constant 80 : i32
    %barrier3A_41 = arith.constant 0 : index
    tpu.barrier barrier_id(%barrier3A_41)
    %mul3A_42 = arith.constant 632 : i32
    %mul3A_43 = arith.muli %arg1, %mul3A_42 : i32
    %mul3A_44 = arith.constant 632 : i32
    %mul3A_45 = arith.muli %arg1, %mul3A_44 : i32
    "tpu.region"() ({
      %run_scoped3A = tpu.sem_alloc : memref<!tpu.dma_semaphore, #tpu.memory_space<semaphore_mem>>
      %dma_start3A = arith.constant 0 : i32
      %dma_start3A_46 = tpu.memref_slice %arg3[%arg0, %mul3A_45, %dma_start3A] : memref<2x10112x128xf32, #tpu.memory_space<hbm>> -> memref<1x632x128xf32, #tpu.memory_space<hbm>>
      %dma_start3A_47 = tpu.memref_squeeze %dma_start3A_46 : memref<1x632x128xf32, #tpu.memory_space<hbm>> -> memref<632x128xf32, #tpu.memory_space<hbm>>
      %dma_start3A_48 = arith.constant 0 : i32
      %dma_start3A_49 = tpu.memref_slice %arg6[%mul3A_43, %dma_start3A_48] : memref<10112x128xf32, #tpu.memory_space<vmem_shared>> -> memref<632x128xf32, #tpu.memory_space<vmem_shared>>
      tpu.enqueue_dma source(%dma_start3A_49 : memref<632x128xf32, #tpu.memory_space<vmem_shared>>) target(%dma_start3A_47 : memref<632x128xf32, #tpu.memory_space<hbm>>) target_semaphore(%run_scoped3A : memref<!tpu.dma_semaphore, #tpu.memory_space<semaphore_mem>>)
      %dma_wait3A = arith.constant 0 : i32
      %dma_wait3A_50 = tpu.memref_slice %arg3[%arg0, %mul3A_45, %dma_wait3A] : memref<2x10112x128xf32, #tpu.memory_space<hbm>> -> memref<1x632x128xf32, #tpu.memory_space<hbm>>
      %dma_wait3A_51 = tpu.memref_squeeze %dma_wait3A_50 : memref<1x632x128xf32, #tpu.memory_space<hbm>> -> memref<632x128xf32, #tpu.memory_space<hbm>>
      %dma_wait3A_52 = arith.constant 0 : i32
      %dma_wait3A_53 = tpu.memref_slice %arg6[%mul3A_43, %dma_wait3A_52] : memref<10112x128xf32, #tpu.memory_space<vmem_shared>> -> memref<632x128xf32, #tpu.memory_space<vmem_shared>>
      tpu.wait_dma2 semaphore(%run_scoped3A : memref<!tpu.dma_semaphore, #tpu.memory_space<semaphore_mem>>) src(%dma_wait3A_53 : memref<632x128xf32, #tpu.memory_space<vmem_shared>>) dst(%dma_wait3A_51 : memref<632x128xf32, #tpu.memory_space<hbm>>)
      tpu.yield
    }) : () -> ()
    return
  }
}

#map = affine_map<(d0, d1) -> (0, 0)>
#map1 = affine_map<(d0, d1) -> (0, 0, 0)>
module attributes {stable_mosaic.version = 14 : i64} {
  func.func @_prop_body(%arg0: i32, %arg1: i32, %arg2: memref<10000x128xf32, #tpu.memory_space<hbm>>, %arg3: memref<32x80x128xi32, #tpu.memory_space<hbm>>, %arg4: memref<32x80x128xi32, #tpu.memory_space<hbm>>, %arg5: memref<2x10112x128xf32, #tpu.memory_space<hbm>>, %arg6: memref<40x128xi32, #tpu.memory_space<vmem>>, %arg7: memref<40x128xi32, #tpu.memory_space<vmem>>, %arg8: memref<2x128x128xf32, #tpu.memory_space<vmem>>, %arg9: memref<10112x128xf32, #tpu.memory_space<vmem_shared>>, %arg10: memref<2x!tpu.dma_semaphore, #tpu.memory_space<semaphore_mem>>, %arg11: memref<2x!tpu.dma_semaphore, #tpu.memory_space<semaphore_mem>>) attributes {dimension_semantics = [#tpu.dimension_semantics<core_parallel>, #tpu.dimension_semantics<subcore_parallel>], iteration_bounds = array<i64: 2, 16>, scalar_prefetch = 0 : i64, scratch_operands = 6 : i64, tpu.core_type = #tpu.core_type<sc_vector_subcore>, window_params = [{transform_indices = #map}, {transform_indices = #map1}, {transform_indices = #map1}, {transform_indices = #map1}]} {
    %mul3A = arith.constant 16 : i32
    %mul3A_0 = arith.muli %arg0, %mul3A : i32
    %add3A = arith.addi %mul3A_0, %arg1 : i32
    %broadcast_in_dim3A = arith.constant 0.000000e+00 : f32
    %broadcast_in_dim3A_1 = vector.broadcast %broadcast_in_dim3A : f32 to vector<16xf32>
    %scan3A = arith.constant 0 : i32
    %scan3A_2 = arith.constant 0 : i32
    %scan3A_3 = arith.constant 1024 : i32
    %scan3A_4 = arith.addi %scan3A_2, %scan3A_3 : i32
    %scan3A_5 = arith.constant 1 : i32
    scf.for %scan3A_136 = %scan3A_2 to %scan3A_4 step %scan3A_5  : i32 {
      %jit3A = arith.constant 8 : i32
      %div3A = arith.divsi %scan3A_136, %jit3A : i32
      %sign3A = arith.constant 0 : i32
      %sign3A_137 = arith.cmpi sgt, %scan3A_136, %sign3A : i32
      %sign3A_138 = arith.extui %sign3A_137 : i1 to i32
      %sign3A_139 = arith.constant 0 : i32
      %sign3A_140 = arith.cmpi slt, %scan3A_136, %sign3A_139 : i32
      %sign3A_141 = arith.extui %sign3A_140 : i1 to i32
      %sign3A_142 = arith.subi %sign3A_138, %sign3A_141 : i32
      %sign3A_143 = arith.constant 0 : i32
      %sign3A_144 = arith.cmpi sgt, %jit3A, %sign3A_143 : i32
      %sign3A_145 = arith.extui %sign3A_144 : i1 to i32
      %sign3A_146 = arith.constant 0 : i32
      %sign3A_147 = arith.cmpi slt, %jit3A, %sign3A_146 : i32
      %sign3A_148 = arith.extui %sign3A_147 : i1 to i32
      %sign3A_149 = arith.subi %sign3A_145, %sign3A_148 : i32
      %ne3A = arith.cmpi ne, %sign3A_142, %sign3A_149 : i32
      %rem3A = arith.remsi %scan3A_136, %jit3A : i32
      %ne3A_150 = arith.constant 0 : i32
      %ne3A_151 = arith.cmpi ne, %rem3A, %ne3A_150 : i32
      %and3A = arith.andi %ne3A, %ne3A_151 : i1
      %sub3A = arith.constant 1 : i32
      %sub3A_152 = arith.subi %div3A, %sub3A : i32
      %select_n3A = arith.select %and3A, %sub3A_152, %div3A : i32
      %jit3A_153 = arith.constant 8 : i32
      %eq3A = arith.constant 0 : i32
      %eq3A_154 = arith.cmpi eq, %jit3A_153, %eq3A : i32
      %jit3A_155 = arith.constant 1 : i32
      %select_n3A_156 = arith.select %eq3A_154, %jit3A_155, %jit3A_153 : i32
      %rem3A_157 = arith.remsi %scan3A_136, %select_n3A_156 : i32
      %ne3A_158 = arith.constant 0 : i32
      %ne3A_159 = arith.cmpi ne, %rem3A_157, %ne3A_158 : i32
      %lt3A = arith.constant 0 : i32
      %lt3A_160 = arith.cmpi slt, %rem3A_157, %lt3A : i32
      %lt3A_161 = arith.constant 0 : i32
      %lt3A_162 = arith.cmpi slt, %select_n3A_156, %lt3A_161 : i32
      %ne3A_163 = arith.xori %lt3A_160, %lt3A_162 : i1
      %and3A_164 = arith.andi %ne3A_163, %ne3A_159 : i1
      %add3A_165 = arith.addi %rem3A_157, %select_n3A_156 : i32
      %select_n3A_166 = arith.select %and3A_164, %add3A_165, %rem3A_157 : i32
      %mul3A_167 = arith.constant 16 : i32
      %mul3A_168 = arith.muli %select_n3A_166, %mul3A_167 : i32
      %swap3A = arith.constant 0 : i32
      %swap3A_169 = arith.index_cast %swap3A : i32 to index
      %swap3A_170 = arith.index_cast %select_n3A : i32 to index
      %swap3A_171 = arith.index_cast %mul3A_168 : i32 to index
      %swap3A_172 = tpu.vector_load %arg8[%swap3A_169, %swap3A_170, %swap3A_171] {strides = array<i32>} : memref<2x128x128xf32, #tpu.memory_space<vmem>>, vector<1x1x16xf32>,
      %swap3A_173 = vector.shape_cast %swap3A_172 : vector<1x1x16xf32> to vector<16xf32>
      %swap3A_174 = vector.shape_cast %broadcast_in_dim3A_1 : vector<16xf32> to vector<1x1x16xf32>
      tpu.vector_store %arg8[%swap3A_169, %swap3A_170, %swap3A_171], %swap3A_174 {strides = array<i32>} : memref<2x128x128xf32, #tpu.memory_space<vmem>>, vector<1x1x16xf32>,
    }
    %scan3A_6 = arith.constant 1024 : i32
    %mul3A_7 = arith.constant 632 : i32
    %mul3A_8 = arith.muli %arg1, %mul3A_7 : i32
    %add3A_9 = arith.constant 0 : i32
    %add3A_10 = arith.addi %mul3A_8, %add3A_9 : i32
    %run_scoped3A = arith.constant 0 : i32
    "tpu.region"() ({
      %run_scoped3A_136 = tpu.sem_alloc : memref<!tpu.dma_semaphore, #tpu.memory_space<semaphore_mem>>
      %dma_start3A_137 = arith.constant 0 : i32
      %dma_start3A_138 = arith.constant 0 : i32
      %dma_start3A_139 = tpu.memref_slice %arg8[%run_scoped3A, %dma_start3A_137, %dma_start3A_138] : memref<2x128x128xf32, #tpu.memory_space<vmem>> -> memref<1x128x128xf32, #tpu.memory_space<vmem>>
      %dma_start3A_140 = tpu.memref_squeeze %dma_start3A_139 : memref<1x128x128xf32, #tpu.memory_space<vmem>> -> memref<128x128xf32, #tpu.memory_space<vmem>>
      %dma_start3A_141 = arith.constant 0 : i32
      %dma_start3A_142 = tpu.memref_slice %arg9[%add3A_10, %dma_start3A_141] : memref<10112x128xf32, #tpu.memory_space<vmem_shared>> -> memref<128x128xf32, #tpu.memory_space<vmem_shared>>
      %dma_start3A_143 = arith.constant 0 : i32
      %dma_start3A_144 = tpu.memref_slice %arg9[%add3A_10, %dma_start3A_143] : memref<10112x128xf32, #tpu.memory_space<vmem_shared>> -> memref<128x128xf32, #tpu.memory_space<vmem_shared>>
      %dma_start3A_145 = arith.constant 0 : i32
      %dma_start3A_146 = arith.constant 0 : i32
      %dma_start3A_147 = tpu.memref_slice %arg8[%run_scoped3A, %dma_start3A_145, %dma_start3A_146] : memref<2x128x128xf32, #tpu.memory_space<vmem>> -> memref<1x128x128xf32, #tpu.memory_space<vmem>>
      %dma_start3A_148 = tpu.memref_squeeze %dma_start3A_147 : memref<1x128x128xf32, #tpu.memory_space<vmem>> -> memref<128x128xf32, #tpu.memory_space<vmem>>
      tpu.enqueue_dma source(%dma_start3A_148 : memref<128x128xf32, #tpu.memory_space<vmem>>) target(%dma_start3A_144 : memref<128x128xf32, #tpu.memory_space<vmem_shared>>) target_semaphore(%run_scoped3A_136 : memref<!tpu.dma_semaphore, #tpu.memory_space<semaphore_mem>>)
      %dma_wait3A_149 = arith.constant 0 : i32
      %dma_wait3A_150 = arith.constant 0 : i32
      %dma_wait3A_151 = tpu.memref_slice %arg8[%run_scoped3A, %dma_wait3A_149, %dma_wait3A_150] : memref<2x128x128xf32, #tpu.memory_space<vmem>> -> memref<1x128x128xf32, #tpu.memory_space<vmem>>
      %dma_wait3A_152 = tpu.memref_squeeze %dma_wait3A_151 : memref<1x128x128xf32, #tpu.memory_space<vmem>> -> memref<128x128xf32, #tpu.memory_space<vmem>>
      %dma_wait3A_153 = arith.constant 0 : i32
      %dma_wait3A_154 = tpu.memref_slice %arg9[%add3A_10, %dma_wait3A_153] : memref<10112x128xf32, #tpu.memory_space<vmem_shared>> -> memref<128x128xf32, #tpu.memory_space<vmem_shared>>
      %dma_wait3A_155 = arith.constant 0 : i32
      %dma_wait3A_156 = tpu.memref_slice %arg9[%add3A_10, %dma_wait3A_155] : memref<10112x128xf32, #tpu.memory_space<vmem_shared>> -> memref<128x128xf32, #tpu.memory_space<vmem_shared>>
      %dma_wait3A_157 = arith.constant 0 : i32
      %dma_wait3A_158 = arith.constant 0 : i32
      %dma_wait3A_159 = tpu.memref_slice %arg8[%run_scoped3A, %dma_wait3A_157, %dma_wait3A_158] : memref<2x128x128xf32, #tpu.memory_space<vmem>> -> memref<1x128x128xf32, #tpu.memory_space<vmem>>
      %dma_wait3A_160 = tpu.memref_squeeze %dma_wait3A_159 : memref<1x128x128xf32, #tpu.memory_space<vmem>> -> memref<128x128xf32, #tpu.memory_space<vmem>>
      tpu.wait_dma2 semaphore(%run_scoped3A_136 : memref<!tpu.dma_semaphore, #tpu.memory_space<semaphore_mem>>) src(%dma_wait3A_160 : memref<128x128xf32, #tpu.memory_space<vmem>>) dst(%dma_wait3A_156 : memref<128x128xf32, #tpu.memory_space<vmem_shared>>)
      tpu.yield
    }) : () -> ()
    %mul3A_11 = arith.constant 632 : i32
    %mul3A_12 = arith.muli %arg1, %mul3A_11 : i32
    %add3A_13 = arith.constant 128 : i32
    %add3A_14 = arith.addi %mul3A_12, %add3A_13 : i32
    %run_scoped3A_15 = arith.constant 0 : i32
    "tpu.region"() ({
      %run_scoped3A_136 = tpu.sem_alloc : memref<!tpu.dma_semaphore, #tpu.memory_space<semaphore_mem>>
      %dma_start3A_137 = arith.constant 0 : i32
      %dma_start3A_138 = arith.constant 0 : i32
      %dma_start3A_139 = tpu.memref_slice %arg8[%run_scoped3A_15, %dma_start3A_137, %dma_start3A_138] : memref<2x128x128xf32, #tpu.memory_space<vmem>> -> memref<1x128x128xf32, #tpu.memory_space<vmem>>
      %dma_start3A_140 = tpu.memref_squeeze %dma_start3A_139 : memref<1x128x128xf32, #tpu.memory_space<vmem>> -> memref<128x128xf32, #tpu.memory_space<vmem>>
      %dma_start3A_141 = arith.constant 0 : i32
      %dma_start3A_142 = tpu.memref_slice %arg9[%add3A_14, %dma_start3A_141] : memref<10112x128xf32, #tpu.memory_space<vmem_shared>> -> memref<128x128xf32, #tpu.memory_space<vmem_shared>>
      %dma_start3A_143 = arith.constant 0 : i32
      %dma_start3A_144 = tpu.memref_slice %arg9[%add3A_14, %dma_start3A_143] : memref<10112x128xf32, #tpu.memory_space<vmem_shared>> -> memref<128x128xf32, #tpu.memory_space<vmem_shared>>
      %dma_start3A_145 = arith.constant 0 : i32
      %dma_start3A_146 = arith.constant 0 : i32
      %dma_start3A_147 = tpu.memref_slice %arg8[%run_scoped3A_15, %dma_start3A_145, %dma_start3A_146] : memref<2x128x128xf32, #tpu.memory_space<vmem>> -> memref<1x128x128xf32, #tpu.memory_space<vmem>>
      %dma_start3A_148 = tpu.memref_squeeze %dma_start3A_147 : memref<1x128x128xf32, #tpu.memory_space<vmem>> -> memref<128x128xf32, #tpu.memory_space<vmem>>
      tpu.enqueue_dma source(%dma_start3A_148 : memref<128x128xf32, #tpu.memory_space<vmem>>) target(%dma_start3A_144 : memref<128x128xf32, #tpu.memory_space<vmem_shared>>) target_semaphore(%run_scoped3A_136 : memref<!tpu.dma_semaphore, #tpu.memory_space<semaphore_mem>>)
      %dma_wait3A_149 = arith.constant 0 : i32
      %dma_wait3A_150 = arith.constant 0 : i32
      %dma_wait3A_151 = tpu.memref_slice %arg8[%run_scoped3A_15, %dma_wait3A_149, %dma_wait3A_150] : memref<2x128x128xf32, #tpu.memory_space<vmem>> -> memref<1x128x128xf32, #tpu.memory_space<vmem>>
      %dma_wait3A_152 = tpu.memref_squeeze %dma_wait3A_151 : memref<1x128x128xf32, #tpu.memory_space<vmem>> -> memref<128x128xf32, #tpu.memory_space<vmem>>
      %dma_wait3A_153 = arith.constant 0 : i32
      %dma_wait3A_154 = tpu.memref_slice %arg9[%add3A_14, %dma_wait3A_153] : memref<10112x128xf32, #tpu.memory_space<vmem_shared>> -> memref<128x128xf32, #tpu.memory_space<vmem_shared>>
      %dma_wait3A_155 = arith.constant 0 : i32
      %dma_wait3A_156 = tpu.memref_slice %arg9[%add3A_14, %dma_wait3A_155] : memref<10112x128xf32, #tpu.memory_space<vmem_shared>> -> memref<128x128xf32, #tpu.memory_space<vmem_shared>>
      %dma_wait3A_157 = arith.constant 0 : i32
      %dma_wait3A_158 = arith.constant 0 : i32
      %dma_wait3A_159 = tpu.memref_slice %arg8[%run_scoped3A_15, %dma_wait3A_157, %dma_wait3A_158] : memref<2x128x128xf32, #tpu.memory_space<vmem>> -> memref<1x128x128xf32, #tpu.memory_space<vmem>>
      %dma_wait3A_160 = tpu.memref_squeeze %dma_wait3A_159 : memref<1x128x128xf32, #tpu.memory_space<vmem>> -> memref<128x128xf32, #tpu.memory_space<vmem>>
      tpu.wait_dma2 semaphore(%run_scoped3A_136 : memref<!tpu.dma_semaphore, #tpu.memory_space<semaphore_mem>>) src(%dma_wait3A_160 : memref<128x128xf32, #tpu.memory_space<vmem>>) dst(%dma_wait3A_156 : memref<128x128xf32, #tpu.memory_space<vmem_shared>>)
      tpu.yield
    }) : () -> ()
    %mul3A_16 = arith.constant 632 : i32
    %mul3A_17 = arith.muli %arg1, %mul3A_16 : i32
    %add3A_18 = arith.constant 256 : i32
    %add3A_19 = arith.addi %mul3A_17, %add3A_18 : i32
    %run_scoped3A_20 = arith.constant 0 : i32
    "tpu.region"() ({
      %run_scoped3A_136 = tpu.sem_alloc : memref<!tpu.dma_semaphore, #tpu.memory_space<semaphore_mem>>
      %dma_start3A_137 = arith.constant 0 : i32
      %dma_start3A_138 = arith.constant 0 : i32
      %dma_start3A_139 = tpu.memref_slice %arg8[%run_scoped3A_20, %dma_start3A_137, %dma_start3A_138] : memref<2x128x128xf32, #tpu.memory_space<vmem>> -> memref<1x128x128xf32, #tpu.memory_space<vmem>>
      %dma_start3A_140 = tpu.memref_squeeze %dma_start3A_139 : memref<1x128x128xf32, #tpu.memory_space<vmem>> -> memref<128x128xf32, #tpu.memory_space<vmem>>
      %dma_start3A_141 = arith.constant 0 : i32
      %dma_start3A_142 = tpu.memref_slice %arg9[%add3A_19, %dma_start3A_141] : memref<10112x128xf32, #tpu.memory_space<vmem_shared>> -> memref<128x128xf32, #tpu.memory_space<vmem_shared>>
      %dma_start3A_143 = arith.constant 0 : i32
      %dma_start3A_144 = tpu.memref_slice %arg9[%add3A_19, %dma_start3A_143] : memref<10112x128xf32, #tpu.memory_space<vmem_shared>> -> memref<128x128xf32, #tpu.memory_space<vmem_shared>>
      %dma_start3A_145 = arith.constant 0 : i32
      %dma_start3A_146 = arith.constant 0 : i32
      %dma_start3A_147 = tpu.memref_slice %arg8[%run_scoped3A_20, %dma_start3A_145, %dma_start3A_146] : memref<2x128x128xf32, #tpu.memory_space<vmem>> -> memref<1x128x128xf32, #tpu.memory_space<vmem>>
      %dma_start3A_148 = tpu.memref_squeeze %dma_start3A_147 : memref<1x128x128xf32, #tpu.memory_space<vmem>> -> memref<128x128xf32, #tpu.memory_space<vmem>>
      tpu.enqueue_dma source(%dma_start3A_148 : memref<128x128xf32, #tpu.memory_space<vmem>>) target(%dma_start3A_144 : memref<128x128xf32, #tpu.memory_space<vmem_shared>>) target_semaphore(%run_scoped3A_136 : memref<!tpu.dma_semaphore, #tpu.memory_space<semaphore_mem>>)
      %dma_wait3A_149 = arith.constant 0 : i32
      %dma_wait3A_150 = arith.constant 0 : i32
      %dma_wait3A_151 = tpu.memref_slice %arg8[%run_scoped3A_20, %dma_wait3A_149, %dma_wait3A_150] : memref<2x128x128xf32, #tpu.memory_space<vmem>> -> memref<1x128x128xf32, #tpu.memory_space<vmem>>
      %dma_wait3A_152 = tpu.memref_squeeze %dma_wait3A_151 : memref<1x128x128xf32, #tpu.memory_space<vmem>> -> memref<128x128xf32, #tpu.memory_space<vmem>>
      %dma_wait3A_153 = arith.constant 0 : i32
      %dma_wait3A_154 = tpu.memref_slice %arg9[%add3A_19, %dma_wait3A_153] : memref<10112x128xf32, #tpu.memory_space<vmem_shared>> -> memref<128x128xf32, #tpu.memory_space<vmem_shared>>
      %dma_wait3A_155 = arith.constant 0 : i32
      %dma_wait3A_156 = tpu.memref_slice %arg9[%add3A_19, %dma_wait3A_155] : memref<10112x128xf32, #tpu.memory_space<vmem_shared>> -> memref<128x128xf32, #tpu.memory_space<vmem_shared>>
      %dma_wait3A_157 = arith.constant 0 : i32
      %dma_wait3A_158 = arith.constant 0 : i32
      %dma_wait3A_159 = tpu.memref_slice %arg8[%run_scoped3A_20, %dma_wait3A_157, %dma_wait3A_158] : memref<2x128x128xf32, #tpu.memory_space<vmem>> -> memref<1x128x128xf32, #tpu.memory_space<vmem>>
      %dma_wait3A_160 = tpu.memref_squeeze %dma_wait3A_159 : memref<1x128x128xf32, #tpu.memory_space<vmem>> -> memref<128x128xf32, #tpu.memory_space<vmem>>
      tpu.wait_dma2 semaphore(%run_scoped3A_136 : memref<!tpu.dma_semaphore, #tpu.memory_space<semaphore_mem>>) src(%dma_wait3A_160 : memref<128x128xf32, #tpu.memory_space<vmem>>) dst(%dma_wait3A_156 : memref<128x128xf32, #tpu.memory_space<vmem_shared>>)
      tpu.yield
    }) : () -> ()
    %mul3A_21 = arith.constant 632 : i32
    %mul3A_22 = arith.muli %arg1, %mul3A_21 : i32
    %add3A_23 = arith.constant 384 : i32
    %add3A_24 = arith.addi %mul3A_22, %add3A_23 : i32
    %run_scoped3A_25 = arith.constant 0 : i32
    "tpu.region"() ({
      %run_scoped3A_136 = tpu.sem_alloc : memref<!tpu.dma_semaphore, #tpu.memory_space<semaphore_mem>>
      %dma_start3A_137 = arith.constant 0 : i32
      %dma_start3A_138 = arith.constant 0 : i32
      %dma_start3A_139 = tpu.memref_slice %arg8[%run_scoped3A_25, %dma_start3A_137, %dma_start3A_138] : memref<2x128x128xf32, #tpu.memory_space<vmem>> -> memref<1x128x128xf32, #tpu.memory_space<vmem>>
      %dma_start3A_140 = tpu.memref_squeeze %dma_start3A_139 : memref<1x128x128xf32, #tpu.memory_space<vmem>> -> memref<128x128xf32, #tpu.memory_space<vmem>>
      %dma_start3A_141 = arith.constant 0 : i32
      %dma_start3A_142 = tpu.memref_slice %arg9[%add3A_24, %dma_start3A_141] : memref<10112x128xf32, #tpu.memory_space<vmem_shared>> -> memref<128x128xf32, #tpu.memory_space<vmem_shared>>
      %dma_start3A_143 = arith.constant 0 : i32
      %dma_start3A_144 = tpu.memref_slice %arg9[%add3A_24, %dma_start3A_143] : memref<10112x128xf32, #tpu.memory_space<vmem_shared>> -> memref<128x128xf32, #tpu.memory_space<vmem_shared>>
      %dma_start3A_145 = arith.constant 0 : i32
      %dma_start3A_146 = arith.constant 0 : i32
      %dma_start3A_147 = tpu.memref_slice %arg8[%run_scoped3A_25, %dma_start3A_145, %dma_start3A_146] : memref<2x128x128xf32, #tpu.memory_space<vmem>> -> memref<1x128x128xf32, #tpu.memory_space<vmem>>
      %dma_start3A_148 = tpu.memref_squeeze %dma_start3A_147 : memref<1x128x128xf32, #tpu.memory_space<vmem>> -> memref<128x128xf32, #tpu.memory_space<vmem>>
      tpu.enqueue_dma source(%dma_start3A_148 : memref<128x128xf32, #tpu.memory_space<vmem>>) target(%dma_start3A_144 : memref<128x128xf32, #tpu.memory_space<vmem_shared>>) target_semaphore(%run_scoped3A_136 : memref<!tpu.dma_semaphore, #tpu.memory_space<semaphore_mem>>)
      %dma_wait3A_149 = arith.constant 0 : i32
      %dma_wait3A_150 = arith.constant 0 : i32
      %dma_wait3A_151 = tpu.memref_slice %arg8[%run_scoped3A_25, %dma_wait3A_149, %dma_wait3A_150] : memref<2x128x128xf32, #tpu.memory_space<vmem>> -> memref<1x128x128xf32, #tpu.memory_space<vmem>>
      %dma_wait3A_152 = tpu.memref_squeeze %dma_wait3A_151 : memref<1x128x128xf32, #tpu.memory_space<vmem>> -> memref<128x128xf32, #tpu.memory_space<vmem>>
      %dma_wait3A_153 = arith.constant 0 : i32
      %dma_wait3A_154 = tpu.memref_slice %arg9[%add3A_24, %dma_wait3A_153] : memref<10112x128xf32, #tpu.memory_space<vmem_shared>> -> memref<128x128xf32, #tpu.memory_space<vmem_shared>>
      %dma_wait3A_155 = arith.constant 0 : i32
      %dma_wait3A_156 = tpu.memref_slice %arg9[%add3A_24, %dma_wait3A_155] : memref<10112x128xf32, #tpu.memory_space<vmem_shared>> -> memref<128x128xf32, #tpu.memory_space<vmem_shared>>
      %dma_wait3A_157 = arith.constant 0 : i32
      %dma_wait3A_158 = arith.constant 0 : i32
      %dma_wait3A_159 = tpu.memref_slice %arg8[%run_scoped3A_25, %dma_wait3A_157, %dma_wait3A_158] : memref<2x128x128xf32, #tpu.memory_space<vmem>> -> memref<1x128x128xf32, #tpu.memory_space<vmem>>
      %dma_wait3A_160 = tpu.memref_squeeze %dma_wait3A_159 : memref<1x128x128xf32, #tpu.memory_space<vmem>> -> memref<128x128xf32, #tpu.memory_space<vmem>>
      tpu.wait_dma2 semaphore(%run_scoped3A_136 : memref<!tpu.dma_semaphore, #tpu.memory_space<semaphore_mem>>) src(%dma_wait3A_160 : memref<128x128xf32, #tpu.memory_space<vmem>>) dst(%dma_wait3A_156 : memref<128x128xf32, #tpu.memory_space<vmem_shared>>)
      tpu.yield
    }) : () -> ()
    %mul3A_26 = arith.constant 632 : i32
    %mul3A_27 = arith.muli %arg1, %mul3A_26 : i32
    %add3A_28 = arith.constant 504 : i32
    %add3A_29 = arith.addi %mul3A_27, %add3A_28 : i32
    %run_scoped3A_30 = arith.constant 0 : i32
    "tpu.region"() ({
      %run_scoped3A_136 = tpu.sem_alloc : memref<!tpu.dma_semaphore, #tpu.memory_space<semaphore_mem>>
      %dma_start3A_137 = arith.constant 0 : i32
      %dma_start3A_138 = arith.constant 0 : i32
      %dma_start3A_139 = tpu.memref_slice %arg8[%run_scoped3A_30, %dma_start3A_137, %dma_start3A_138] : memref<2x128x128xf32, #tpu.memory_space<vmem>> -> memref<1x128x128xf32, #tpu.memory_space<vmem>>
      %dma_start3A_140 = tpu.memref_squeeze %dma_start3A_139 : memref<1x128x128xf32, #tpu.memory_space<vmem>> -> memref<128x128xf32, #tpu.memory_space<vmem>>
      %dma_start3A_141 = arith.constant 0 : i32
      %dma_start3A_142 = tpu.memref_slice %arg9[%add3A_29, %dma_start3A_141] : memref<10112x128xf32, #tpu.memory_space<vmem_shared>> -> memref<128x128xf32, #tpu.memory_space<vmem_shared>>
      %dma_start3A_143 = arith.constant 0 : i32
      %dma_start3A_144 = tpu.memref_slice %arg9[%add3A_29, %dma_start3A_143] : memref<10112x128xf32, #tpu.memory_space<vmem_shared>> -> memref<128x128xf32, #tpu.memory_space<vmem_shared>>
      %dma_start3A_145 = arith.constant 0 : i32
      %dma_start3A_146 = arith.constant 0 : i32
      %dma_start3A_147 = tpu.memref_slice %arg8[%run_scoped3A_30, %dma_start3A_145, %dma_start3A_146] : memref<2x128x128xf32, #tpu.memory_space<vmem>> -> memref<1x128x128xf32, #tpu.memory_space<vmem>>
      %dma_start3A_148 = tpu.memref_squeeze %dma_start3A_147 : memref<1x128x128xf32, #tpu.memory_space<vmem>> -> memref<128x128xf32, #tpu.memory_space<vmem>>
      tpu.enqueue_dma source(%dma_start3A_148 : memref<128x128xf32, #tpu.memory_space<vmem>>) target(%dma_start3A_144 : memref<128x128xf32, #tpu.memory_space<vmem_shared>>) target_semaphore(%run_scoped3A_136 : memref<!tpu.dma_semaphore, #tpu.memory_space<semaphore_mem>>)
      %dma_wait3A_149 = arith.constant 0 : i32
      %dma_wait3A_150 = arith.constant 0 : i32
      %dma_wait3A_151 = tpu.memref_slice %arg8[%run_scoped3A_30, %dma_wait3A_149, %dma_wait3A_150] : memref<2x128x128xf32, #tpu.memory_space<vmem>> -> memref<1x128x128xf32, #tpu.memory_space<vmem>>
      %dma_wait3A_152 = tpu.memref_squeeze %dma_wait3A_151 : memref<1x128x128xf32, #tpu.memory_space<vmem>> -> memref<128x128xf32, #tpu.memory_space<vmem>>
      %dma_wait3A_153 = arith.constant 0 : i32
      %dma_wait3A_154 = tpu.memref_slice %arg9[%add3A_29, %dma_wait3A_153] : memref<10112x128xf32, #tpu.memory_space<vmem_shared>> -> memref<128x128xf32, #tpu.memory_space<vmem_shared>>
      %dma_wait3A_155 = arith.constant 0 : i32
      %dma_wait3A_156 = tpu.memref_slice %arg9[%add3A_29, %dma_wait3A_155] : memref<10112x128xf32, #tpu.memory_space<vmem_shared>> -> memref<128x128xf32, #tpu.memory_space<vmem_shared>>
      %dma_wait3A_157 = arith.constant 0 : i32
      %dma_wait3A_158 = arith.constant 0 : i32
      %dma_wait3A_159 = tpu.memref_slice %arg8[%run_scoped3A_30, %dma_wait3A_157, %dma_wait3A_158] : memref<2x128x128xf32, #tpu.memory_space<vmem>> -> memref<1x128x128xf32, #tpu.memory_space<vmem>>
      %dma_wait3A_160 = tpu.memref_squeeze %dma_wait3A_159 : memref<1x128x128xf32, #tpu.memory_space<vmem>> -> memref<128x128xf32, #tpu.memory_space<vmem>>
      tpu.wait_dma2 semaphore(%run_scoped3A_136 : memref<!tpu.dma_semaphore, #tpu.memory_space<semaphore_mem>>) src(%dma_wait3A_160 : memref<128x128xf32, #tpu.memory_space<vmem>>) dst(%dma_wait3A_156 : memref<128x128xf32, #tpu.memory_space<vmem_shared>>)
      tpu.yield
    }) : () -> ()
    %barrier3A = arith.constant 0 : index
    tpu.barrier barrier_id(%barrier3A)
    "tpu.region"() ({
      %run_scoped3A_136 = tpu.sem_alloc : memref<!tpu.dma_semaphore, #tpu.memory_space<semaphore_mem>>
      %dma_start3A_137 = arith.constant 0 : i32
      %dma_start3A_138 = arith.constant 0 : i32
      %dma_start3A_139 = tpu.memref_slice %arg3[%add3A, %dma_start3A_137, %dma_start3A_138] : memref<32x80x128xi32, #tpu.memory_space<hbm>> -> memref<1x40x128xi32, #tpu.memory_space<hbm>>
      %dma_start3A_140 = tpu.memref_squeeze %dma_start3A_139 : memref<1x40x128xi32, #tpu.memory_space<hbm>> -> memref<40x128xi32, #tpu.memory_space<hbm>>
      %dma_start3A_141 = arith.constant 0 : i32
      %dma_start3A_142 = arith.constant 0 : i32
      %dma_start3A_143 = tpu.memref_slice %arg3[%add3A, %dma_start3A_141, %dma_start3A_142] : memref<32x80x128xi32, #tpu.memory_space<hbm>> -> memref<1x40x128xi32, #tpu.memory_space<hbm>>
      %dma_start3A_144 = tpu.memref_squeeze %dma_start3A_143 : memref<1x40x128xi32, #tpu.memory_space<hbm>> -> memref<40x128xi32, #tpu.memory_space<hbm>>
      tpu.enqueue_dma source(%dma_start3A_144 : memref<40x128xi32, #tpu.memory_space<hbm>>) target(%arg6 : memref<40x128xi32, #tpu.memory_space<vmem>>) target_semaphore(%run_scoped3A_136 : memref<!tpu.dma_semaphore, #tpu.memory_space<semaphore_mem>>)
      %dma_wait3A_145 = arith.constant 0 : i32
      %dma_wait3A_146 = arith.constant 0 : i32
      %dma_wait3A_147 = tpu.memref_slice %arg3[%add3A, %dma_wait3A_145, %dma_wait3A_146] : memref<32x80x128xi32, #tpu.memory_space<hbm>> -> memref<1x40x128xi32, #tpu.memory_space<hbm>>
      %dma_wait3A_148 = tpu.memref_squeeze %dma_wait3A_147 : memref<1x40x128xi32, #tpu.memory_space<hbm>> -> memref<40x128xi32, #tpu.memory_space<hbm>>
      %dma_wait3A_149 = arith.constant 0 : i32
      %dma_wait3A_150 = arith.constant 0 : i32
      %dma_wait3A_151 = tpu.memref_slice %arg3[%add3A, %dma_wait3A_149, %dma_wait3A_150] : memref<32x80x128xi32, #tpu.memory_space<hbm>> -> memref<1x40x128xi32, #tpu.memory_space<hbm>>
      %dma_wait3A_152 = tpu.memref_squeeze %dma_wait3A_151 : memref<1x40x128xi32, #tpu.memory_space<hbm>> -> memref<40x128xi32, #tpu.memory_space<hbm>>
      tpu.wait_dma2 semaphore(%run_scoped3A_136 : memref<!tpu.dma_semaphore, #tpu.memory_space<semaphore_mem>>) src(%dma_wait3A_152 : memref<40x128xi32, #tpu.memory_space<hbm>>) dst(%arg6 : memref<40x128xi32, #tpu.memory_space<vmem>>)
      tpu.yield
    }) : () -> ()
    "tpu.region"() ({
      %run_scoped3A_136 = tpu.sem_alloc : memref<!tpu.dma_semaphore, #tpu.memory_space<semaphore_mem>>
      %dma_start3A_137 = arith.constant 0 : i32
      %dma_start3A_138 = arith.constant 0 : i32
      %dma_start3A_139 = tpu.memref_slice %arg4[%add3A, %dma_start3A_137, %dma_start3A_138] : memref<32x80x128xi32, #tpu.memory_space<hbm>> -> memref<1x40x128xi32, #tpu.memory_space<hbm>>
      %dma_start3A_140 = tpu.memref_squeeze %dma_start3A_139 : memref<1x40x128xi32, #tpu.memory_space<hbm>> -> memref<40x128xi32, #tpu.memory_space<hbm>>
      %dma_start3A_141 = arith.constant 0 : i32
      %dma_start3A_142 = arith.constant 0 : i32
      %dma_start3A_143 = tpu.memref_slice %arg4[%add3A, %dma_start3A_141, %dma_start3A_142] : memref<32x80x128xi32, #tpu.memory_space<hbm>> -> memref<1x40x128xi32, #tpu.memory_space<hbm>>
      %dma_start3A_144 = tpu.memref_squeeze %dma_start3A_143 : memref<1x40x128xi32, #tpu.memory_space<hbm>> -> memref<40x128xi32, #tpu.memory_space<hbm>>
      tpu.enqueue_dma source(%dma_start3A_144 : memref<40x128xi32, #tpu.memory_space<hbm>>) target(%arg7 : memref<40x128xi32, #tpu.memory_space<vmem>>) target_semaphore(%run_scoped3A_136 : memref<!tpu.dma_semaphore, #tpu.memory_space<semaphore_mem>>)
      %dma_wait3A_145 = arith.constant 0 : i32
      %dma_wait3A_146 = arith.constant 0 : i32
      %dma_wait3A_147 = tpu.memref_slice %arg4[%add3A, %dma_wait3A_145, %dma_wait3A_146] : memref<32x80x128xi32, #tpu.memory_space<hbm>> -> memref<1x40x128xi32, #tpu.memory_space<hbm>>
      %dma_wait3A_148 = tpu.memref_squeeze %dma_wait3A_147 : memref<1x40x128xi32, #tpu.memory_space<hbm>> -> memref<40x128xi32, #tpu.memory_space<hbm>>
      %dma_wait3A_149 = arith.constant 0 : i32
      %dma_wait3A_150 = arith.constant 0 : i32
      %dma_wait3A_151 = tpu.memref_slice %arg4[%add3A, %dma_wait3A_149, %dma_wait3A_150] : memref<32x80x128xi32, #tpu.memory_space<hbm>> -> memref<1x40x128xi32, #tpu.memory_space<hbm>>
      %dma_wait3A_152 = tpu.memref_squeeze %dma_wait3A_151 : memref<1x40x128xi32, #tpu.memory_space<hbm>> -> memref<40x128xi32, #tpu.memory_space<hbm>>
      tpu.wait_dma2 semaphore(%run_scoped3A_136 : memref<!tpu.dma_semaphore, #tpu.memory_space<semaphore_mem>>) src(%dma_wait3A_152 : memref<40x128xi32, #tpu.memory_space<hbm>>) dst(%arg7 : memref<40x128xi32, #tpu.memory_space<vmem>>)
      tpu.yield
    }) : () -> ()
    %dma_start3A = arith.constant 0 : i32
    %dma_start3A_31 = arith.constant 0 : i32
    %dma_start3A_32 = arith.constant 0 : i32
    %dma_start3A_33 = arith.constant 0 : i32
    %dma_start3A_34 = arith.constant 0 : i32
    %dma_start3A_35 = tpu.memref_slice %arg8[%dma_start3A_31, %dma_start3A_33, %dma_start3A_34] : memref<2x128x128xf32, #tpu.memory_space<vmem>> -> memref<1x128x128xf32, #tpu.memory_space<vmem>>
    %dma_start3A_36 = tpu.memref_squeeze %dma_start3A_35 : memref<1x128x128xf32, #tpu.memory_space<vmem>> -> memref<128x128xf32, #tpu.memory_space<vmem>>
    %dma_start3A_37 = arith.constant 0 : i32
    %dma_start3A_38 = tpu.memref_slice %arg6[%dma_start3A, %dma_start3A_37] : memref<40x128xi32, #tpu.memory_space<vmem>> -> memref<1x128xi32, #tpu.memory_space<vmem>>
    %dma_start3A_39 = tpu.memref_squeeze %dma_start3A_38 : memref<1x128xi32, #tpu.memory_space<vmem>> -> memref<128xi32, #tpu.memory_space<vmem>>
    %dma_start3A_40 = arith.constant 0 : i32
    %dma_start3A_41 = arith.constant 0 : i32
    %dma_start3A_42 = tpu.memref_slice %arg2[%dma_start3A_40, %dma_start3A_41] : memref<10000x128xf32, #tpu.memory_space<hbm>> -> memref<10000x128xf32, #tpu.memory_space<hbm>>
    %dma_start3A_43 = tpu.memref_slice %arg10[%dma_start3A_32] : memref<2x!tpu.dma_semaphore, #tpu.memory_space<semaphore_mem>> -> memref<1x!tpu.dma_semaphore, #tpu.memory_space<semaphore_mem>>
    %dma_start3A_44 = tpu.memref_squeeze %dma_start3A_43 : memref<1x!tpu.dma_semaphore, #tpu.memory_space<semaphore_mem>> -> memref<!tpu.dma_semaphore, #tpu.memory_space<semaphore_mem>>
    tpu.enqueue_indirect_dma source(%dma_start3A_42 : memref<10000x128xf32, #tpu.memory_space<hbm>>) target(%dma_start3A_36 : memref<128x128xf32, #tpu.memory_space<vmem>>) offsets(%dma_start3A_39 : memref<128xi32, #tpu.memory_space<vmem>>) semaphore(%dma_start3A_44 : memref<!tpu.dma_semaphore, #tpu.memory_space<semaphore_mem>>)
    %scan3A_45 = arith.constant 0 : i32
    %scan3A_46 = arith.constant 0 : i32
    %scan3A_47 = arith.constant 40 : i32
    %scan3A_48 = arith.addi %scan3A_46, %scan3A_47 : i32
    %scan3A_49 = arith.constant 1 : i32
    scf.for %scan3A_136 = %scan3A_46 to %scan3A_48 step %scan3A_49  : i32 {
      %rem3A = arith.constant 2 : i32
      %rem3A_137 = arith.remsi %scan3A_136, %rem3A : i32
      %add3A_138 = arith.constant 1 : i32
      %add3A_139 = arith.addi %scan3A_136, %add3A_138 : i32
      %rem3A_140 = arith.constant 2 : i32
      %rem3A_141 = arith.remsi %add3A_139, %rem3A_140 : i32
      %add3A_142 = arith.constant 1 : i32
      %add3A_143 = arith.addi %scan3A_136, %add3A_142 : i32
      %lt3A = arith.constant 40 : i32
      %lt3A_144 = arith.cmpi slt, %add3A_143, %lt3A : i32
      %convert_element_type3A = arith.extui %lt3A_144 : i1 to i32
      %cond3A = arith.constant 0 : i32
      %cond3A_145 = arith.cmpi ne, %convert_element_type3A, %cond3A : i32
      scf.if %cond3A_145 {
        %ge3A = arith.constant 1 : i32
        %ge3A_170 = arith.cmpi sge, %scan3A_136, %ge3A : i32
        %convert_element_type3A_171 = arith.extui %ge3A_170 : i1 to i32
        %cond3A_172 = arith.constant 0 : i32
        %cond3A_173 = arith.cmpi ne, %convert_element_type3A_171, %cond3A_172 : i32
        scf.if %cond3A_173 {
          %dma_wait3A_188 = arith.constant 0 : i32
          %dma_wait3A_189 = arith.constant 0 : i32
          %dma_wait3A_190 = tpu.memref_slice %arg8[%rem3A_141, %dma_wait3A_188, %dma_wait3A_189] : memref<2x128x128xf32, #tpu.memory_space<vmem>> -> memref<1x128x128xf32, #tpu.memory_space<vmem>>
          %dma_wait3A_191 = tpu.memref_squeeze %dma_wait3A_190 : memref<1x128x128xf32, #tpu.memory_space<vmem>> -> memref<128x128xf32, #tpu.memory_space<vmem>>
          %dma_wait3A_192 = arith.constant 0 : i32
          %dma_wait3A_193 = tpu.memref_slice %arg7[%scan3A_136, %dma_wait3A_192] : memref<40x128xi32, #tpu.memory_space<vmem>> -> memref<1x128xi32, #tpu.memory_space<vmem>>
          %dma_wait3A_194 = tpu.memref_squeeze %dma_wait3A_193 : memref<1x128xi32, #tpu.memory_space<vmem>> -> memref<128xi32, #tpu.memory_space<vmem>>
          %dma_wait3A_195 = arith.constant 0 : i32
          %dma_wait3A_196 = arith.constant 0 : i32
          %dma_wait3A_197 = tpu.memref_slice %arg9[%dma_wait3A_195, %dma_wait3A_196] : memref<10112x128xf32, #tpu.memory_space<vmem_shared>> -> memref<10112x128xf32, #tpu.memory_space<vmem_shared>>
          %dma_wait3A_198 = tpu.memref_slice %arg11[%rem3A_141] : memref<2x!tpu.dma_semaphore, #tpu.memory_space<semaphore_mem>> -> memref<1x!tpu.dma_semaphore, #tpu.memory_space<semaphore_mem>>
          %dma_wait3A_199 = tpu.memref_squeeze %dma_wait3A_198 : memref<1x!tpu.dma_semaphore, #tpu.memory_space<semaphore_mem>> -> memref<!tpu.dma_semaphore, #tpu.memory_space<semaphore_mem>>
          tpu.wait_indirect_dma semaphore(%dma_wait3A_199 : memref<!tpu.dma_semaphore, #tpu.memory_space<semaphore_mem>>) src(%dma_wait3A_191 : memref<128x128xf32, #tpu.memory_space<vmem>>) dst(%dma_wait3A_197 : memref<10112x128xf32, #tpu.memory_space<vmem_shared>>)
        } else {
        }
        %add3A_174 = arith.constant 1 : i32
        %add3A_175 = arith.addi %scan3A_136, %add3A_174 : i32
        %dma_start3A_176 = arith.constant 0 : i32
        %dma_start3A_177 = arith.constant 0 : i32
        %dma_start3A_178 = tpu.memref_slice %arg8[%rem3A_141, %dma_start3A_176, %dma_start3A_177] : memref<2x128x128xf32, #tpu.memory_space<vmem>> -> memref<1x128x128xf32, #tpu.memory_space<vmem>>
        %dma_start3A_179 = tpu.memref_squeeze %dma_start3A_178 : memref<1x128x128xf32, #tpu.memory_space<vmem>> -> memref<128x128xf32, #tpu.memory_space<vmem>>
        %dma_start3A_180 = arith.constant 0 : i32
        %dma_start3A_181 = tpu.memref_slice %arg6[%add3A_175, %dma_start3A_180] : memref<40x128xi32, #tpu.memory_space<vmem>> -> memref<1x128xi32, #tpu.memory_space<vmem>>
        %dma_start3A_182 = tpu.memref_squeeze %dma_start3A_181 : memref<1x128xi32, #tpu.memory_space<vmem>> -> memref<128xi32, #tpu.memory_space<vmem>>
        %dma_start3A_183 = arith.constant 0 : i32
        %dma_start3A_184 = arith.constant 0 : i32
        %dma_start3A_185 = tpu.memref_slice %arg2[%dma_start3A_183, %dma_start3A_184] : memref<10000x128xf32, #tpu.memory_space<hbm>> -> memref<10000x128xf32, #tpu.memory_space<hbm>>
        %dma_start3A_186 = tpu.memref_slice %arg10[%rem3A_141] : memref<2x!tpu.dma_semaphore, #tpu.memory_space<semaphore_mem>> -> memref<1x!tpu.dma_semaphore, #tpu.memory_space<semaphore_mem>>
        %dma_start3A_187 = tpu.memref_squeeze %dma_start3A_186 : memref<1x!tpu.dma_semaphore, #tpu.memory_space<semaphore_mem>> -> memref<!tpu.dma_semaphore, #tpu.memory_space<semaphore_mem>>
        tpu.enqueue_indirect_dma source(%dma_start3A_185 : memref<10000x128xf32, #tpu.memory_space<hbm>>) target(%dma_start3A_179 : memref<128x128xf32, #tpu.memory_space<vmem>>) offsets(%dma_start3A_182 : memref<128xi32, #tpu.memory_space<vmem>>) semaphore(%dma_start3A_187 : memref<!tpu.dma_semaphore, #tpu.memory_space<semaphore_mem>>)
      } else {
      }
      %dma_wait3A_146 = arith.constant 0 : i32
      %dma_wait3A_147 = arith.constant 0 : i32
      %dma_wait3A_148 = tpu.memref_slice %arg8[%rem3A_137, %dma_wait3A_146, %dma_wait3A_147] : memref<2x128x128xf32, #tpu.memory_space<vmem>> -> memref<1x128x128xf32, #tpu.memory_space<vmem>>
      %dma_wait3A_149 = tpu.memref_squeeze %dma_wait3A_148 : memref<1x128x128xf32, #tpu.memory_space<vmem>> -> memref<128x128xf32, #tpu.memory_space<vmem>>
      %dma_wait3A_150 = arith.constant 0 : i32
      %dma_wait3A_151 = tpu.memref_slice %arg6[%scan3A_136, %dma_wait3A_150] : memref<40x128xi32, #tpu.memory_space<vmem>> -> memref<1x128xi32, #tpu.memory_space<vmem>>
      %dma_wait3A_152 = tpu.memref_squeeze %dma_wait3A_151 : memref<1x128xi32, #tpu.memory_space<vmem>> -> memref<128xi32, #tpu.memory_space<vmem>>
      %dma_wait3A_153 = arith.constant 0 : i32
      %dma_wait3A_154 = arith.constant 0 : i32
      %dma_wait3A_155 = tpu.memref_slice %arg2[%dma_wait3A_153, %dma_wait3A_154] : memref<10000x128xf32, #tpu.memory_space<hbm>> -> memref<10000x128xf32, #tpu.memory_space<hbm>>
      %dma_wait3A_156 = tpu.memref_slice %arg10[%rem3A_137] : memref<2x!tpu.dma_semaphore, #tpu.memory_space<semaphore_mem>> -> memref<1x!tpu.dma_semaphore, #tpu.memory_space<semaphore_mem>>
      %dma_wait3A_157 = tpu.memref_squeeze %dma_wait3A_156 : memref<1x!tpu.dma_semaphore, #tpu.memory_space<semaphore_mem>> -> memref<!tpu.dma_semaphore, #tpu.memory_space<semaphore_mem>>
      tpu.wait_indirect_dma semaphore(%dma_wait3A_157 : memref<!tpu.dma_semaphore, #tpu.memory_space<semaphore_mem>>) src(%dma_wait3A_155 : memref<10000x128xf32, #tpu.memory_space<hbm>>) dst(%dma_wait3A_149 : memref<128x128xf32, #tpu.memory_space<vmem>>)
      %dma_start3A_158 = arith.constant 0 : i32
      %dma_start3A_159 = arith.constant 0 : i32
      %dma_start3A_160 = tpu.memref_slice %arg8[%rem3A_137, %dma_start3A_158, %dma_start3A_159] : memref<2x128x128xf32, #tpu.memory_space<vmem>> -> memref<1x128x128xf32, #tpu.memory_space<vmem>>
      %dma_start3A_161 = tpu.memref_squeeze %dma_start3A_160 : memref<1x128x128xf32, #tpu.memory_space<vmem>> -> memref<128x128xf32, #tpu.memory_space<vmem>>
      %dma_start3A_162 = arith.constant 0 : i32
      %dma_start3A_163 = tpu.memref_slice %arg7[%scan3A_136, %dma_start3A_162] : memref<40x128xi32, #tpu.memory_space<vmem>> -> memref<1x128xi32, #tpu.memory_space<vmem>>
      %dma_start3A_164 = tpu.memref_squeeze %dma_start3A_163 : memref<1x128xi32, #tpu.memory_space<vmem>> -> memref<128xi32, #tpu.memory_space<vmem>>
      %dma_start3A_165 = arith.constant 0 : i32
      %dma_start3A_166 = arith.constant 0 : i32
      %dma_start3A_167 = tpu.memref_slice %arg9[%dma_start3A_165, %dma_start3A_166] : memref<10112x128xf32, #tpu.memory_space<vmem_shared>> -> memref<10112x128xf32, #tpu.memory_space<vmem_shared>>
      %dma_start3A_168 = tpu.memref_slice %arg11[%rem3A_137] : memref<2x!tpu.dma_semaphore, #tpu.memory_space<semaphore_mem>> -> memref<1x!tpu.dma_semaphore, #tpu.memory_space<semaphore_mem>>
      %dma_start3A_169 = tpu.memref_squeeze %dma_start3A_168 : memref<1x!tpu.dma_semaphore, #tpu.memory_space<semaphore_mem>> -> memref<!tpu.dma_semaphore, #tpu.memory_space<semaphore_mem>>
      tpu.enqueue_indirect_dma source(%dma_start3A_161 : memref<128x128xf32, #tpu.memory_space<vmem>>) target(%dma_start3A_167 : memref<10112x128xf32, #tpu.memory_space<vmem_shared>>) offsets(%dma_start3A_164 : memref<128xi32, #tpu.memory_space<vmem>>) semaphore(%dma_start3A_169 : memref<!tpu.dma_semaphore, #tpu.memory_space<semaphore_mem>>) {add = true}
    }
    %scan3A_50 = arith.constant 40 : i32
    %dma_wait3A = arith.constant 0 : i32
    %dma_wait3A_51 = arith.constant 39 : i32
    %dma_wait3A_52 = arith.constant 0 : i32
    %dma_wait3A_53 = arith.constant 0 : i32
    %dma_wait3A_54 = arith.constant 0 : i32
    %dma_wait3A_55 = tpu.memref_slice %arg8[%dma_wait3A, %dma_wait3A_53, %dma_wait3A_54] : memref<2x128x128xf32, #tpu.memory_space<vmem>> -> memref<1x128x128xf32, #tpu.memory_space<vmem>>
    %dma_wait3A_56 = tpu.memref_squeeze %dma_wait3A_55 : memref<1x128x128xf32, #tpu.memory_space<vmem>> -> memref<128x128xf32, #tpu.memory_space<vmem>>
    %dma_wait3A_57 = arith.constant 0 : i32
    %dma_wait3A_58 = tpu.memref_slice %arg7[%dma_wait3A_51, %dma_wait3A_57] : memref<40x128xi32, #tpu.memory_space<vmem>> -> memref<1x128xi32, #tpu.memory_space<vmem>>
    %dma_wait3A_59 = tpu.memref_squeeze %dma_wait3A_58 : memref<1x128xi32, #tpu.memory_space<vmem>> -> memref<128xi32, #tpu.memory_space<vmem>>
    %dma_wait3A_60 = arith.constant 0 : i32
    %dma_wait3A_61 = arith.constant 0 : i32
    %dma_wait3A_62 = tpu.memref_slice %arg9[%dma_wait3A_60, %dma_wait3A_61] : memref<10112x128xf32, #tpu.memory_space<vmem_shared>> -> memref<10112x128xf32, #tpu.memory_space<vmem_shared>>
    %dma_wait3A_63 = tpu.memref_slice %arg11[%dma_wait3A_52] : memref<2x!tpu.dma_semaphore, #tpu.memory_space<semaphore_mem>> -> memref<1x!tpu.dma_semaphore, #tpu.memory_space<semaphore_mem>>
    %dma_wait3A_64 = tpu.memref_squeeze %dma_wait3A_63 : memref<1x!tpu.dma_semaphore, #tpu.memory_space<semaphore_mem>> -> memref<!tpu.dma_semaphore, #tpu.memory_space<semaphore_mem>>
    tpu.wait_indirect_dma semaphore(%dma_wait3A_64 : memref<!tpu.dma_semaphore, #tpu.memory_space<semaphore_mem>>) src(%dma_wait3A_56 : memref<128x128xf32, #tpu.memory_space<vmem>>) dst(%dma_wait3A_62 : memref<10112x128xf32, #tpu.memory_space<vmem_shared>>)
    %dma_wait3A_65 = arith.constant 1 : i32
    %dma_wait3A_66 = arith.constant 39 : i32
    %dma_wait3A_67 = arith.constant 1 : i32
    %dma_wait3A_68 = arith.constant 0 : i32
    %dma_wait3A_69 = arith.constant 0 : i32
    %dma_wait3A_70 = tpu.memref_slice %arg8[%dma_wait3A_65, %dma_wait3A_68, %dma_wait3A_69] : memref<2x128x128xf32, #tpu.memory_space<vmem>> -> memref<1x128x128xf32, #tpu.memory_space<vmem>>
    %dma_wait3A_71 = tpu.memref_squeeze %dma_wait3A_70 : memref<1x128x128xf32, #tpu.memory_space<vmem>> -> memref<128x128xf32, #tpu.memory_space<vmem>>
    %dma_wait3A_72 = arith.constant 0 : i32
    %dma_wait3A_73 = tpu.memref_slice %arg7[%dma_wait3A_66, %dma_wait3A_72] : memref<40x128xi32, #tpu.memory_space<vmem>> -> memref<1x128xi32, #tpu.memory_space<vmem>>
    %dma_wait3A_74 = tpu.memref_squeeze %dma_wait3A_73 : memref<1x128xi32, #tpu.memory_space<vmem>> -> memref<128xi32, #tpu.memory_space<vmem>>
    %dma_wait3A_75 = arith.constant 0 : i32
    %dma_wait3A_76 = arith.constant 0 : i32
    %dma_wait3A_77 = tpu.memref_slice %arg9[%dma_wait3A_75, %dma_wait3A_76] : memref<10112x128xf32, #tpu.memory_space<vmem_shared>> -> memref<10112x128xf32, #tpu.memory_space<vmem_shared>>
    %dma_wait3A_78 = tpu.memref_slice %arg11[%dma_wait3A_67] : memref<2x!tpu.dma_semaphore, #tpu.memory_space<semaphore_mem>> -> memref<1x!tpu.dma_semaphore, #tpu.memory_space<semaphore_mem>>
    %dma_wait3A_79 = tpu.memref_squeeze %dma_wait3A_78 : memref<1x!tpu.dma_semaphore, #tpu.memory_space<semaphore_mem>> -> memref<!tpu.dma_semaphore, #tpu.memory_space<semaphore_mem>>
    tpu.wait_indirect_dma semaphore(%dma_wait3A_79 : memref<!tpu.dma_semaphore, #tpu.memory_space<semaphore_mem>>) src(%dma_wait3A_71 : memref<128x128xf32, #tpu.memory_space<vmem>>) dst(%dma_wait3A_77 : memref<10112x128xf32, #tpu.memory_space<vmem_shared>>)
    "tpu.region"() ({
      %run_scoped3A_136 = tpu.sem_alloc : memref<!tpu.dma_semaphore, #tpu.memory_space<semaphore_mem>>
      %dma_start3A_137 = arith.constant 40 : i32
      %dma_start3A_138 = arith.constant 0 : i32
      %dma_start3A_139 = tpu.memref_slice %arg3[%add3A, %dma_start3A_137, %dma_start3A_138] : memref<32x80x128xi32, #tpu.memory_space<hbm>> -> memref<1x40x128xi32, #tpu.memory_space<hbm>>
      %dma_start3A_140 = tpu.memref_squeeze %dma_start3A_139 : memref<1x40x128xi32, #tpu.memory_space<hbm>> -> memref<40x128xi32, #tpu.memory_space<hbm>>
      %dma_start3A_141 = arith.constant 40 : i32
      %dma_start3A_142 = arith.constant 0 : i32
      %dma_start3A_143 = tpu.memref_slice %arg3[%add3A, %dma_start3A_141, %dma_start3A_142] : memref<32x80x128xi32, #tpu.memory_space<hbm>> -> memref<1x40x128xi32, #tpu.memory_space<hbm>>
      %dma_start3A_144 = tpu.memref_squeeze %dma_start3A_143 : memref<1x40x128xi32, #tpu.memory_space<hbm>> -> memref<40x128xi32, #tpu.memory_space<hbm>>
      tpu.enqueue_dma source(%dma_start3A_144 : memref<40x128xi32, #tpu.memory_space<hbm>>) target(%arg6 : memref<40x128xi32, #tpu.memory_space<vmem>>) target_semaphore(%run_scoped3A_136 : memref<!tpu.dma_semaphore, #tpu.memory_space<semaphore_mem>>)
      %dma_wait3A_145 = arith.constant 40 : i32
      %dma_wait3A_146 = arith.constant 0 : i32
      %dma_wait3A_147 = tpu.memref_slice %arg3[%add3A, %dma_wait3A_145, %dma_wait3A_146] : memref<32x80x128xi32, #tpu.memory_space<hbm>> -> memref<1x40x128xi32, #tpu.memory_space<hbm>>
      %dma_wait3A_148 = tpu.memref_squeeze %dma_wait3A_147 : memref<1x40x128xi32, #tpu.memory_space<hbm>> -> memref<40x128xi32, #tpu.memory_space<hbm>>
      %dma_wait3A_149 = arith.constant 40 : i32
      %dma_wait3A_150 = arith.constant 0 : i32
      %dma_wait3A_151 = tpu.memref_slice %arg3[%add3A, %dma_wait3A_149, %dma_wait3A_150] : memref<32x80x128xi32, #tpu.memory_space<hbm>> -> memref<1x40x128xi32, #tpu.memory_space<hbm>>
      %dma_wait3A_152 = tpu.memref_squeeze %dma_wait3A_151 : memref<1x40x128xi32, #tpu.memory_space<hbm>> -> memref<40x128xi32, #tpu.memory_space<hbm>>
      tpu.wait_dma2 semaphore(%run_scoped3A_136 : memref<!tpu.dma_semaphore, #tpu.memory_space<semaphore_mem>>) src(%dma_wait3A_152 : memref<40x128xi32, #tpu.memory_space<hbm>>) dst(%arg6 : memref<40x128xi32, #tpu.memory_space<vmem>>)
      tpu.yield
    }) : () -> ()
    "tpu.region"() ({
      %run_scoped3A_136 = tpu.sem_alloc : memref<!tpu.dma_semaphore, #tpu.memory_space<semaphore_mem>>
      %dma_start3A_137 = arith.constant 40 : i32
      %dma_start3A_138 = arith.constant 0 : i32
      %dma_start3A_139 = tpu.memref_slice %arg4[%add3A, %dma_start3A_137, %dma_start3A_138] : memref<32x80x128xi32, #tpu.memory_space<hbm>> -> memref<1x40x128xi32, #tpu.memory_space<hbm>>
      %dma_start3A_140 = tpu.memref_squeeze %dma_start3A_139 : memref<1x40x128xi32, #tpu.memory_space<hbm>> -> memref<40x128xi32, #tpu.memory_space<hbm>>
      %dma_start3A_141 = arith.constant 40 : i32
      %dma_start3A_142 = arith.constant 0 : i32
      %dma_start3A_143 = tpu.memref_slice %arg4[%add3A, %dma_start3A_141, %dma_start3A_142] : memref<32x80x128xi32, #tpu.memory_space<hbm>> -> memref<1x40x128xi32, #tpu.memory_space<hbm>>
      %dma_start3A_144 = tpu.memref_squeeze %dma_start3A_143 : memref<1x40x128xi32, #tpu.memory_space<hbm>> -> memref<40x128xi32, #tpu.memory_space<hbm>>
      tpu.enqueue_dma source(%dma_start3A_144 : memref<40x128xi32, #tpu.memory_space<hbm>>) target(%arg7 : memref<40x128xi32, #tpu.memory_space<vmem>>) target_semaphore(%run_scoped3A_136 : memref<!tpu.dma_semaphore, #tpu.memory_space<semaphore_mem>>)
      %dma_wait3A_145 = arith.constant 40 : i32
      %dma_wait3A_146 = arith.constant 0 : i32
      %dma_wait3A_147 = tpu.memref_slice %arg4[%add3A, %dma_wait3A_145, %dma_wait3A_146] : memref<32x80x128xi32, #tpu.memory_space<hbm>> -> memref<1x40x128xi32, #tpu.memory_space<hbm>>
      %dma_wait3A_148 = tpu.memref_squeeze %dma_wait3A_147 : memref<1x40x128xi32, #tpu.memory_space<hbm>> -> memref<40x128xi32, #tpu.memory_space<hbm>>
      %dma_wait3A_149 = arith.constant 40 : i32
      %dma_wait3A_150 = arith.constant 0 : i32
      %dma_wait3A_151 = tpu.memref_slice %arg4[%add3A, %dma_wait3A_149, %dma_wait3A_150] : memref<32x80x128xi32, #tpu.memory_space<hbm>> -> memref<1x40x128xi32, #tpu.memory_space<hbm>>
      %dma_wait3A_152 = tpu.memref_squeeze %dma_wait3A_151 : memref<1x40x128xi32, #tpu.memory_space<hbm>> -> memref<40x128xi32, #tpu.memory_space<hbm>>
      tpu.wait_dma2 semaphore(%run_scoped3A_136 : memref<!tpu.dma_semaphore, #tpu.memory_space<semaphore_mem>>) src(%dma_wait3A_152 : memref<40x128xi32, #tpu.memory_space<hbm>>) dst(%arg7 : memref<40x128xi32, #tpu.memory_space<vmem>>)
      tpu.yield
    }) : () -> ()
    %dma_start3A_80 = arith.constant 0 : i32
    %dma_start3A_81 = arith.constant 0 : i32
    %dma_start3A_82 = arith.constant 0 : i32
    %dma_start3A_83 = arith.constant 0 : i32
    %dma_start3A_84 = arith.constant 0 : i32
    %dma_start3A_85 = tpu.memref_slice %arg8[%dma_start3A_81, %dma_start3A_83, %dma_start3A_84] : memref<2x128x128xf32, #tpu.memory_space<vmem>> -> memref<1x128x128xf32, #tpu.memory_space<vmem>>
    %dma_start3A_86 = tpu.memref_squeeze %dma_start3A_85 : memref<1x128x128xf32, #tpu.memory_space<vmem>> -> memref<128x128xf32, #tpu.memory_space<vmem>>
    %dma_start3A_87 = arith.constant 0 : i32
    %dma_start3A_88 = tpu.memref_slice %arg6[%dma_start3A_80, %dma_start3A_87] : memref<40x128xi32, #tpu.memory_space<vmem>> -> memref<1x128xi32, #tpu.memory_space<vmem>>
    %dma_start3A_89 = tpu.memref_squeeze %dma_start3A_88 : memref<1x128xi32, #tpu.memory_space<vmem>> -> memref<128xi32, #tpu.memory_space<vmem>>
    %dma_start3A_90 = arith.constant 0 : i32
    %dma_start3A_91 = arith.constant 0 : i32
    %dma_start3A_92 = tpu.memref_slice %arg2[%dma_start3A_90, %dma_start3A_91] : memref<10000x128xf32, #tpu.memory_space<hbm>> -> memref<10000x128xf32, #tpu.memory_space<hbm>>
    %dma_start3A_93 = tpu.memref_slice %arg10[%dma_start3A_82] : memref<2x!tpu.dma_semaphore, #tpu.memory_space<semaphore_mem>> -> memref<1x!tpu.dma_semaphore, #tpu.memory_space<semaphore_mem>>
    %dma_start3A_94 = tpu.memref_squeeze %dma_start3A_93 : memref<1x!tpu.dma_semaphore, #tpu.memory_space<semaphore_mem>> -> memref<!tpu.dma_semaphore, #tpu.memory_space<semaphore_mem>>
    tpu.enqueue_indirect_dma source(%dma_start3A_92 : memref<10000x128xf32, #tpu.memory_space<hbm>>) target(%dma_start3A_86 : memref<128x128xf32, #tpu.memory_space<vmem>>) offsets(%dma_start3A_89 : memref<128xi32, #tpu.memory_space<vmem>>) semaphore(%dma_start3A_94 : memref<!tpu.dma_semaphore, #tpu.memory_space<semaphore_mem>>)
    %scan3A_95 = arith.constant 0 : i32
    %scan3A_96 = arith.constant 0 : i32
    %scan3A_97 = arith.constant 40 : i32
    %scan3A_98 = arith.addi %scan3A_96, %scan3A_97 : i32
    %scan3A_99 = arith.constant 1 : i32
    scf.for %scan3A_136 = %scan3A_96 to %scan3A_98 step %scan3A_99  : i32 {
      %rem3A = arith.constant 2 : i32
      %rem3A_137 = arith.remsi %scan3A_136, %rem3A : i32
      %add3A_138 = arith.constant 1 : i32
      %add3A_139 = arith.addi %scan3A_136, %add3A_138 : i32
      %rem3A_140 = arith.constant 2 : i32
      %rem3A_141 = arith.remsi %add3A_139, %rem3A_140 : i32
      %add3A_142 = arith.constant 1 : i32
      %add3A_143 = arith.addi %scan3A_136, %add3A_142 : i32
      %lt3A = arith.constant 40 : i32
      %lt3A_144 = arith.cmpi slt, %add3A_143, %lt3A : i32
      %convert_element_type3A = arith.extui %lt3A_144 : i1 to i32
      %cond3A = arith.constant 0 : i32
      %cond3A_145 = arith.cmpi ne, %convert_element_type3A, %cond3A : i32
      scf.if %cond3A_145 {
        %ge3A = arith.constant 1 : i32
        %ge3A_170 = arith.cmpi sge, %scan3A_136, %ge3A : i32
        %convert_element_type3A_171 = arith.extui %ge3A_170 : i1 to i32
        %cond3A_172 = arith.constant 0 : i32
        %cond3A_173 = arith.cmpi ne, %convert_element_type3A_171, %cond3A_172 : i32
        scf.if %cond3A_173 {
          %dma_wait3A_188 = arith.constant 0 : i32
          %dma_wait3A_189 = arith.constant 0 : i32
          %dma_wait3A_190 = tpu.memref_slice %arg8[%rem3A_141, %dma_wait3A_188, %dma_wait3A_189] : memref<2x128x128xf32, #tpu.memory_space<vmem>> -> memref<1x128x128xf32, #tpu.memory_space<vmem>>
          %dma_wait3A_191 = tpu.memref_squeeze %dma_wait3A_190 : memref<1x128x128xf32, #tpu.memory_space<vmem>> -> memref<128x128xf32, #tpu.memory_space<vmem>>
          %dma_wait3A_192 = arith.constant 0 : i32
          %dma_wait3A_193 = tpu.memref_slice %arg7[%scan3A_136, %dma_wait3A_192] : memref<40x128xi32, #tpu.memory_space<vmem>> -> memref<1x128xi32, #tpu.memory_space<vmem>>
          %dma_wait3A_194 = tpu.memref_squeeze %dma_wait3A_193 : memref<1x128xi32, #tpu.memory_space<vmem>> -> memref<128xi32, #tpu.memory_space<vmem>>
          %dma_wait3A_195 = arith.constant 0 : i32
          %dma_wait3A_196 = arith.constant 0 : i32
          %dma_wait3A_197 = tpu.memref_slice %arg9[%dma_wait3A_195, %dma_wait3A_196] : memref<10112x128xf32, #tpu.memory_space<vmem_shared>> -> memref<10112x128xf32, #tpu.memory_space<vmem_shared>>
          %dma_wait3A_198 = tpu.memref_slice %arg11[%rem3A_141] : memref<2x!tpu.dma_semaphore, #tpu.memory_space<semaphore_mem>> -> memref<1x!tpu.dma_semaphore, #tpu.memory_space<semaphore_mem>>
          %dma_wait3A_199 = tpu.memref_squeeze %dma_wait3A_198 : memref<1x!tpu.dma_semaphore, #tpu.memory_space<semaphore_mem>> -> memref<!tpu.dma_semaphore, #tpu.memory_space<semaphore_mem>>
          tpu.wait_indirect_dma semaphore(%dma_wait3A_199 : memref<!tpu.dma_semaphore, #tpu.memory_space<semaphore_mem>>) src(%dma_wait3A_191 : memref<128x128xf32, #tpu.memory_space<vmem>>) dst(%dma_wait3A_197 : memref<10112x128xf32, #tpu.memory_space<vmem_shared>>)
        } else {
        }
        %add3A_174 = arith.constant 1 : i32
        %add3A_175 = arith.addi %scan3A_136, %add3A_174 : i32
        %dma_start3A_176 = arith.constant 0 : i32
        %dma_start3A_177 = arith.constant 0 : i32
        %dma_start3A_178 = tpu.memref_slice %arg8[%rem3A_141, %dma_start3A_176, %dma_start3A_177] : memref<2x128x128xf32, #tpu.memory_space<vmem>> -> memref<1x128x128xf32, #tpu.memory_space<vmem>>
        %dma_start3A_179 = tpu.memref_squeeze %dma_start3A_178 : memref<1x128x128xf32, #tpu.memory_space<vmem>> -> memref<128x128xf32, #tpu.memory_space<vmem>>
        %dma_start3A_180 = arith.constant 0 : i32
        %dma_start3A_181 = tpu.memref_slice %arg6[%add3A_175, %dma_start3A_180] : memref<40x128xi32, #tpu.memory_space<vmem>> -> memref<1x128xi32, #tpu.memory_space<vmem>>
        %dma_start3A_182 = tpu.memref_squeeze %dma_start3A_181 : memref<1x128xi32, #tpu.memory_space<vmem>> -> memref<128xi32, #tpu.memory_space<vmem>>
        %dma_start3A_183 = arith.constant 0 : i32
        %dma_start3A_184 = arith.constant 0 : i32
        %dma_start3A_185 = tpu.memref_slice %arg2[%dma_start3A_183, %dma_start3A_184] : memref<10000x128xf32, #tpu.memory_space<hbm>> -> memref<10000x128xf32, #tpu.memory_space<hbm>>
        %dma_start3A_186 = tpu.memref_slice %arg10[%rem3A_141] : memref<2x!tpu.dma_semaphore, #tpu.memory_space<semaphore_mem>> -> memref<1x!tpu.dma_semaphore, #tpu.memory_space<semaphore_mem>>
        %dma_start3A_187 = tpu.memref_squeeze %dma_start3A_186 : memref<1x!tpu.dma_semaphore, #tpu.memory_space<semaphore_mem>> -> memref<!tpu.dma_semaphore, #tpu.memory_space<semaphore_mem>>
        tpu.enqueue_indirect_dma source(%dma_start3A_185 : memref<10000x128xf32, #tpu.memory_space<hbm>>) target(%dma_start3A_179 : memref<128x128xf32, #tpu.memory_space<vmem>>) offsets(%dma_start3A_182 : memref<128xi32, #tpu.memory_space<vmem>>) semaphore(%dma_start3A_187 : memref<!tpu.dma_semaphore, #tpu.memory_space<semaphore_mem>>)
      } else {
      }
      %dma_wait3A_146 = arith.constant 0 : i32
      %dma_wait3A_147 = arith.constant 0 : i32
      %dma_wait3A_148 = tpu.memref_slice %arg8[%rem3A_137, %dma_wait3A_146, %dma_wait3A_147] : memref<2x128x128xf32, #tpu.memory_space<vmem>> -> memref<1x128x128xf32, #tpu.memory_space<vmem>>
      %dma_wait3A_149 = tpu.memref_squeeze %dma_wait3A_148 : memref<1x128x128xf32, #tpu.memory_space<vmem>> -> memref<128x128xf32, #tpu.memory_space<vmem>>
      %dma_wait3A_150 = arith.constant 0 : i32
      %dma_wait3A_151 = tpu.memref_slice %arg6[%scan3A_136, %dma_wait3A_150] : memref<40x128xi32, #tpu.memory_space<vmem>> -> memref<1x128xi32, #tpu.memory_space<vmem>>
      %dma_wait3A_152 = tpu.memref_squeeze %dma_wait3A_151 : memref<1x128xi32, #tpu.memory_space<vmem>> -> memref<128xi32, #tpu.memory_space<vmem>>
      %dma_wait3A_153 = arith.constant 0 : i32
      %dma_wait3A_154 = arith.constant 0 : i32
      %dma_wait3A_155 = tpu.memref_slice %arg2[%dma_wait3A_153, %dma_wait3A_154] : memref<10000x128xf32, #tpu.memory_space<hbm>> -> memref<10000x128xf32, #tpu.memory_space<hbm>>
      %dma_wait3A_156 = tpu.memref_slice %arg10[%rem3A_137] : memref<2x!tpu.dma_semaphore, #tpu.memory_space<semaphore_mem>> -> memref<1x!tpu.dma_semaphore, #tpu.memory_space<semaphore_mem>>
      %dma_wait3A_157 = tpu.memref_squeeze %dma_wait3A_156 : memref<1x!tpu.dma_semaphore, #tpu.memory_space<semaphore_mem>> -> memref<!tpu.dma_semaphore, #tpu.memory_space<semaphore_mem>>
      tpu.wait_indirect_dma semaphore(%dma_wait3A_157 : memref<!tpu.dma_semaphore, #tpu.memory_space<semaphore_mem>>) src(%dma_wait3A_155 : memref<10000x128xf32, #tpu.memory_space<hbm>>) dst(%dma_wait3A_149 : memref<128x128xf32, #tpu.memory_space<vmem>>)
      %dma_start3A_158 = arith.constant 0 : i32
      %dma_start3A_159 = arith.constant 0 : i32
      %dma_start3A_160 = tpu.memref_slice %arg8[%rem3A_137, %dma_start3A_158, %dma_start3A_159] : memref<2x128x128xf32, #tpu.memory_space<vmem>> -> memref<1x128x128xf32, #tpu.memory_space<vmem>>
      %dma_start3A_161 = tpu.memref_squeeze %dma_start3A_160 : memref<1x128x128xf32, #tpu.memory_space<vmem>> -> memref<128x128xf32, #tpu.memory_space<vmem>>
      %dma_start3A_162 = arith.constant 0 : i32
      %dma_start3A_163 = tpu.memref_slice %arg7[%scan3A_136, %dma_start3A_162] : memref<40x128xi32, #tpu.memory_space<vmem>> -> memref<1x128xi32, #tpu.memory_space<vmem>>
      %dma_start3A_164 = tpu.memref_squeeze %dma_start3A_163 : memref<1x128xi32, #tpu.memory_space<vmem>> -> memref<128xi32, #tpu.memory_space<vmem>>
      %dma_start3A_165 = arith.constant 0 : i32
      %dma_start3A_166 = arith.constant 0 : i32
      %dma_start3A_167 = tpu.memref_slice %arg9[%dma_start3A_165, %dma_start3A_166] : memref<10112x128xf32, #tpu.memory_space<vmem_shared>> -> memref<10112x128xf32, #tpu.memory_space<vmem_shared>>
      %dma_start3A_168 = tpu.memref_slice %arg11[%rem3A_137] : memref<2x!tpu.dma_semaphore, #tpu.memory_space<semaphore_mem>> -> memref<1x!tpu.dma_semaphore, #tpu.memory_space<semaphore_mem>>
      %dma_start3A_169 = tpu.memref_squeeze %dma_start3A_168 : memref<1x!tpu.dma_semaphore, #tpu.memory_space<semaphore_mem>> -> memref<!tpu.dma_semaphore, #tpu.memory_space<semaphore_mem>>
      tpu.enqueue_indirect_dma source(%dma_start3A_161 : memref<128x128xf32, #tpu.memory_space<vmem>>) target(%dma_start3A_167 : memref<10112x128xf32, #tpu.memory_space<vmem_shared>>) offsets(%dma_start3A_164 : memref<128xi32, #tpu.memory_space<vmem>>) semaphore(%dma_start3A_169 : memref<!tpu.dma_semaphore, #tpu.memory_space<semaphore_mem>>) {add = true}
    }
    %scan3A_100 = arith.constant 40 : i32
    %dma_wait3A_101 = arith.constant 0 : i32
    %dma_wait3A_102 = arith.constant 39 : i32
    %dma_wait3A_103 = arith.constant 0 : i32
    %dma_wait3A_104 = arith.constant 0 : i32
    %dma_wait3A_105 = arith.constant 0 : i32
    %dma_wait3A_106 = tpu.memref_slice %arg8[%dma_wait3A_101, %dma_wait3A_104, %dma_wait3A_105] : memref<2x128x128xf32, #tpu.memory_space<vmem>> -> memref<1x128x128xf32, #tpu.memory_space<vmem>>
    %dma_wait3A_107 = tpu.memref_squeeze %dma_wait3A_106 : memref<1x128x128xf32, #tpu.memory_space<vmem>> -> memref<128x128xf32, #tpu.memory_space<vmem>>
    %dma_wait3A_108 = arith.constant 0 : i32
    %dma_wait3A_109 = tpu.memref_slice %arg7[%dma_wait3A_102, %dma_wait3A_108] : memref<40x128xi32, #tpu.memory_space<vmem>> -> memref<1x128xi32, #tpu.memory_space<vmem>>
    %dma_wait3A_110 = tpu.memref_squeeze %dma_wait3A_109 : memref<1x128xi32, #tpu.memory_space<vmem>> -> memref<128xi32, #tpu.memory_space<vmem>>
    %dma_wait3A_111 = arith.constant 0 : i32
    %dma_wait3A_112 = arith.constant 0 : i32
    %dma_wait3A_113 = tpu.memref_slice %arg9[%dma_wait3A_111, %dma_wait3A_112] : memref<10112x128xf32, #tpu.memory_space<vmem_shared>> -> memref<10112x128xf32, #tpu.memory_space<vmem_shared>>
    %dma_wait3A_114 = tpu.memref_slice %arg11[%dma_wait3A_103] : memref<2x!tpu.dma_semaphore, #tpu.memory_space<semaphore_mem>> -> memref<1x!tpu.dma_semaphore, #tpu.memory_space<semaphore_mem>>
    %dma_wait3A_115 = tpu.memref_squeeze %dma_wait3A_114 : memref<1x!tpu.dma_semaphore, #tpu.memory_space<semaphore_mem>> -> memref<!tpu.dma_semaphore, #tpu.memory_space<semaphore_mem>>
    tpu.wait_indirect_dma semaphore(%dma_wait3A_115 : memref<!tpu.dma_semaphore, #tpu.memory_space<semaphore_mem>>) src(%dma_wait3A_107 : memref<128x128xf32, #tpu.memory_space<vmem>>) dst(%dma_wait3A_113 : memref<10112x128xf32, #tpu.memory_space<vmem_shared>>)
    %dma_wait3A_116 = arith.constant 1 : i32
    %dma_wait3A_117 = arith.constant 39 : i32
    %dma_wait3A_118 = arith.constant 1 : i32
    %dma_wait3A_119 = arith.constant 0 : i32
    %dma_wait3A_120 = arith.constant 0 : i32
    %dma_wait3A_121 = tpu.memref_slice %arg8[%dma_wait3A_116, %dma_wait3A_119, %dma_wait3A_120] : memref<2x128x128xf32, #tpu.memory_space<vmem>> -> memref<1x128x128xf32, #tpu.memory_space<vmem>>
    %dma_wait3A_122 = tpu.memref_squeeze %dma_wait3A_121 : memref<1x128x128xf32, #tpu.memory_space<vmem>> -> memref<128x128xf32, #tpu.memory_space<vmem>>
    %dma_wait3A_123 = arith.constant 0 : i32
    %dma_wait3A_124 = tpu.memref_slice %arg7[%dma_wait3A_117, %dma_wait3A_123] : memref<40x128xi32, #tpu.memory_space<vmem>> -> memref<1x128xi32, #tpu.memory_space<vmem>>
    %dma_wait3A_125 = tpu.memref_squeeze %dma_wait3A_124 : memref<1x128xi32, #tpu.memory_space<vmem>> -> memref<128xi32, #tpu.memory_space<vmem>>
    %dma_wait3A_126 = arith.constant 0 : i32
    %dma_wait3A_127 = arith.constant 0 : i32
    %dma_wait3A_128 = tpu.memref_slice %arg9[%dma_wait3A_126, %dma_wait3A_127] : memref<10112x128xf32, #tpu.memory_space<vmem_shared>> -> memref<10112x128xf32, #tpu.memory_space<vmem_shared>>
    %dma_wait3A_129 = tpu.memref_slice %arg11[%dma_wait3A_118] : memref<2x!tpu.dma_semaphore, #tpu.memory_space<semaphore_mem>> -> memref<1x!tpu.dma_semaphore, #tpu.memory_space<semaphore_mem>>
    %dma_wait3A_130 = tpu.memref_squeeze %dma_wait3A_129 : memref<1x!tpu.dma_semaphore, #tpu.memory_space<semaphore_mem>> -> memref<!tpu.dma_semaphore, #tpu.memory_space<semaphore_mem>>
    tpu.wait_indirect_dma semaphore(%dma_wait3A_130 : memref<!tpu.dma_semaphore, #tpu.memory_space<semaphore_mem>>) src(%dma_wait3A_122 : memref<128x128xf32, #tpu.memory_space<vmem>>) dst(%dma_wait3A_128 : memref<10112x128xf32, #tpu.memory_space<vmem_shared>>)
    %barrier3A_131 = arith.constant 0 : index
    tpu.barrier barrier_id(%barrier3A_131)
    %mul3A_132 = arith.constant 632 : i32
    %mul3A_133 = arith.muli %arg1, %mul3A_132 : i32
    %mul3A_134 = arith.constant 632 : i32
    %mul3A_135 = arith.muli %arg1, %mul3A_134 : i32
    "tpu.region"() ({
      %run_scoped3A_136 = tpu.sem_alloc : memref<!tpu.dma_semaphore, #tpu.memory_space<semaphore_mem>>
      %dma_start3A_137 = arith.constant 0 : i32
      %dma_start3A_138 = tpu.memref_slice %arg5[%arg0, %mul3A_135, %dma_start3A_137] : memref<2x10112x128xf32, #tpu.memory_space<hbm>> -> memref<1x632x128xf32, #tpu.memory_space<hbm>>
      %dma_start3A_139 = tpu.memref_squeeze %dma_start3A_138 : memref<1x632x128xf32, #tpu.memory_space<hbm>> -> memref<632x128xf32, #tpu.memory_space<hbm>>
      %dma_start3A_140 = arith.constant 0 : i32
      %dma_start3A_141 = tpu.memref_slice %arg9[%mul3A_133, %dma_start3A_140] : memref<10112x128xf32, #tpu.memory_space<vmem_shared>> -> memref<632x128xf32, #tpu.memory_space<vmem_shared>>
      tpu.enqueue_dma source(%dma_start3A_141 : memref<632x128xf32, #tpu.memory_space<vmem_shared>>) target(%dma_start3A_139 : memref<632x128xf32, #tpu.memory_space<hbm>>) target_semaphore(%run_scoped3A_136 : memref<!tpu.dma_semaphore, #tpu.memory_space<semaphore_mem>>)
      %dma_wait3A_142 = arith.constant 0 : i32
      %dma_wait3A_143 = tpu.memref_slice %arg5[%arg0, %mul3A_135, %dma_wait3A_142] : memref<2x10112x128xf32, #tpu.memory_space<hbm>> -> memref<1x632x128xf32, #tpu.memory_space<hbm>>
      %dma_wait3A_144 = tpu.memref_squeeze %dma_wait3A_143 : memref<1x632x128xf32, #tpu.memory_space<hbm>> -> memref<632x128xf32, #tpu.memory_space<hbm>>
      %dma_wait3A_145 = arith.constant 0 : i32
      %dma_wait3A_146 = tpu.memref_slice %arg9[%mul3A_133, %dma_wait3A_145] : memref<10112x128xf32, #tpu.memory_space<vmem_shared>> -> memref<632x128xf32, #tpu.memory_space<vmem_shared>>
      tpu.wait_dma2 semaphore(%run_scoped3A_136 : memref<!tpu.dma_semaphore, #tpu.memory_space<semaphore_mem>>) src(%dma_wait3A_146 : memref<632x128xf32, #tpu.memory_space<vmem_shared>>) dst(%dma_wait3A_144 : memref<632x128xf32, #tpu.memory_space<hbm>>)
      tpu.yield
    }) : () -> ()
    return
  }
}

#map = affine_map<(d0, d1) -> (0, 0)>
#map1 = affine_map<(d0, d1) -> (0, 0, 0)>
module attributes {stable_mosaic.version = 14 : i64} {
  func.func @_prop_body(%arg0: i32, %arg1: i32, %arg2: memref<10000x128xf32, #tpu.memory_space<hbm>>, %arg3: memref<32x80x128xi32, #tpu.memory_space<hbm>>, %arg4: memref<32x80x128xi32, #tpu.memory_space<hbm>>, %arg5: memref<2x10112x128xf32, #tpu.memory_space<hbm>>, %arg6: memref<40x128xi32, #tpu.memory_space<vmem>>, %arg7: memref<40x128xi32, #tpu.memory_space<vmem>>, %arg8: memref<2x128x128xf32, #tpu.memory_space<vmem>>, %arg9: memref<10112x128xf32, #tpu.memory_space<vmem_shared>>, %arg10: memref<2x!tpu.dma_semaphore, #tpu.memory_space<semaphore_mem>>, %arg11: memref<2x!tpu.dma_semaphore, #tpu.memory_space<semaphore_mem>>) attributes {dimension_semantics = [#tpu.dimension_semantics<core_parallel>, #tpu.dimension_semantics<subcore_parallel>], iteration_bounds = array<i64: 2, 16>, scalar_prefetch = 0 : i64, scratch_operands = 6 : i64, tpu.core_type = #tpu.core_type<sc_vector_subcore>, window_params = [{transform_indices = #map}, {transform_indices = #map1}, {transform_indices = #map1}, {transform_indices = #map1}]} {
    %mul3A = arith.constant 16 : i32
    %mul3A_0 = arith.muli %arg0, %mul3A : i32
    %add3A = arith.addi %mul3A_0, %arg1 : i32
    %broadcast_in_dim3A = arith.constant 0.000000e+00 : f32
    %broadcast_in_dim3A_1 = vector.broadcast %broadcast_in_dim3A : f32 to vector<16xf32>
    %scan3A = arith.constant 0 : i32
    %scan3A_2 = arith.constant 0 : i32
    %scan3A_3 = arith.constant 1024 : i32
    %scan3A_4 = arith.addi %scan3A_2, %scan3A_3 : i32
    %scan3A_5 = arith.constant 1 : i32
    scf.for %scan3A_136 = %scan3A_2 to %scan3A_4 step %scan3A_5  : i32 {
      %jit3A = arith.constant 8 : i32
      %div3A = arith.divsi %scan3A_136, %jit3A : i32
      %sign3A = arith.constant 0 : i32
      %sign3A_137 = arith.cmpi sgt, %scan3A_136, %sign3A : i32
      %sign3A_138 = arith.extui %sign3A_137 : i1 to i32
      %sign3A_139 = arith.constant 0 : i32
      %sign3A_140 = arith.cmpi slt, %scan3A_136, %sign3A_139 : i32
      %sign3A_141 = arith.extui %sign3A_140 : i1 to i32
      %sign3A_142 = arith.subi %sign3A_138, %sign3A_141 : i32
      %sign3A_143 = arith.constant 0 : i32
      %sign3A_144 = arith.cmpi sgt, %jit3A, %sign3A_143 : i32
      %sign3A_145 = arith.extui %sign3A_144 : i1 to i32
      %sign3A_146 = arith.constant 0 : i32
      %sign3A_147 = arith.cmpi slt, %jit3A, %sign3A_146 : i32
      %sign3A_148 = arith.extui %sign3A_147 : i1 to i32
      %sign3A_149 = arith.subi %sign3A_145, %sign3A_148 : i32
      %ne3A = arith.cmpi ne, %sign3A_142, %sign3A_149 : i32
      %rem3A = arith.remsi %scan3A_136, %jit3A : i32
      %ne3A_150 = arith.constant 0 : i32
      %ne3A_151 = arith.cmpi ne, %rem3A, %ne3A_150 : i32
      %and3A = arith.andi %ne3A, %ne3A_151 : i1
      %sub3A = arith.constant 1 : i32
      %sub3A_152 = arith.subi %div3A, %sub3A : i32
      %select_n3A = arith.select %and3A, %sub3A_152, %div3A : i32
      %jit3A_153 = arith.constant 8 : i32
      %eq3A = arith.constant 0 : i32
      %eq3A_154 = arith.cmpi eq, %jit3A_153, %eq3A : i32
      %jit3A_155 = arith.constant 1 : i32
      %select_n3A_156 = arith.select %eq3A_154, %jit3A_155, %jit3A_153 : i32
      %rem3A_157 = arith.remsi %scan3A_136, %select_n3A_156 : i32
      %ne3A_158 = arith.constant 0 : i32
      %ne3A_159 = arith.cmpi ne, %rem3A_157, %ne3A_158 : i32
      %lt3A = arith.constant 0 : i32
      %lt3A_160 = arith.cmpi slt, %rem3A_157, %lt3A : i32
      %lt3A_161 = arith.constant 0 : i32
      %lt3A_162 = arith.cmpi slt, %select_n3A_156, %lt3A_161 : i32
      %ne3A_163 = arith.xori %lt3A_160, %lt3A_162 : i1
      %and3A_164 = arith.andi %ne3A_163, %ne3A_159 : i1
      %add3A_165 = arith.addi %rem3A_157, %select_n3A_156 : i32
      %select_n3A_166 = arith.select %and3A_164, %add3A_165, %rem3A_157 : i32
      %mul3A_167 = arith.constant 16 : i32
      %mul3A_168 = arith.muli %select_n3A_166, %mul3A_167 : i32
      %swap3A = arith.constant 0 : i32
      %swap3A_169 = arith.index_cast %swap3A : i32 to index
      %swap3A_170 = arith.index_cast %select_n3A : i32 to index
      %swap3A_171 = arith.index_cast %mul3A_168 : i32 to index
      %swap3A_172 = tpu.vector_load %arg8[%swap3A_169, %swap3A_170, %swap3A_171] {strides = array<i32>} : memref<2x128x128xf32, #tpu.memory_space<vmem>>, vector<1x1x16xf32>,
      %swap3A_173 = vector.shape_cast %swap3A_172 : vector<1x1x16xf32> to vector<16xf32>
      %swap3A_174 = vector.shape_cast %broadcast_in_dim3A_1 : vector<16xf32> to vector<1x1x16xf32>
      tpu.vector_store %arg8[%swap3A_169, %swap3A_170, %swap3A_171], %swap3A_174 {strides = array<i32>} : memref<2x128x128xf32, #tpu.memory_space<vmem>>, vector<1x1x16xf32>,
    }
    %scan3A_6 = arith.constant 1024 : i32
    %mul3A_7 = arith.constant 632 : i32
    %mul3A_8 = arith.muli %arg1, %mul3A_7 : i32
    %add3A_9 = arith.constant 0 : i32
    %add3A_10 = arith.addi %mul3A_8, %add3A_9 : i32
    %run_scoped3A = arith.constant 0 : i32
    "tpu.region"() ({
      %run_scoped3A_136 = tpu.sem_alloc : memref<!tpu.dma_semaphore, #tpu.memory_space<semaphore_mem>>
      %dma_start3A_137 = arith.constant 0 : i32
      %dma_start3A_138 = arith.constant 0 : i32
      %dma_start3A_139 = tpu.memref_slice %arg8[%run_scoped3A, %dma_start3A_137, %dma_start3A_138] : memref<2x128x128xf32, #tpu.memory_space<vmem>> -> memref<1x128x128xf32, #tpu.memory_space<vmem>>
      %dma_start3A_140 = tpu.memref_squeeze %dma_start3A_139 : memref<1x128x128xf32, #tpu.memory_space<vmem>> -> memref<128x128xf32, #tpu.memory_space<vmem>>
      %dma_start3A_141 = arith.constant 0 : i32
      %dma_start3A_142 = tpu.memref_slice %arg9[%add3A_10, %dma_start3A_141] : memref<10112x128xf32, #tpu.memory_space<vmem_shared>> -> memref<128x128xf32, #tpu.memory_space<vmem_shared>>
      %dma_start3A_143 = arith.constant 0 : i32
      %dma_start3A_144 = tpu.memref_slice %arg9[%add3A_10, %dma_start3A_143] : memref<10112x128xf32, #tpu.memory_space<vmem_shared>> -> memref<128x128xf32, #tpu.memory_space<vmem_shared>>
      %dma_start3A_145 = arith.constant 0 : i32
      %dma_start3A_146 = arith.constant 0 : i32
      %dma_start3A_147 = tpu.memref_slice %arg8[%run_scoped3A, %dma_start3A_145, %dma_start3A_146] : memref<2x128x128xf32, #tpu.memory_space<vmem>> -> memref<1x128x128xf32, #tpu.memory_space<vmem>>
      %dma_start3A_148 = tpu.memref_squeeze %dma_start3A_147 : memref<1x128x128xf32, #tpu.memory_space<vmem>> -> memref<128x128xf32, #tpu.memory_space<vmem>>
      tpu.enqueue_dma source(%dma_start3A_148 : memref<128x128xf32, #tpu.memory_space<vmem>>) target(%dma_start3A_144 : memref<128x128xf32, #tpu.memory_space<vmem_shared>>) target_semaphore(%run_scoped3A_136 : memref<!tpu.dma_semaphore, #tpu.memory_space<semaphore_mem>>)
      %dma_wait3A_149 = arith.constant 0 : i32
      %dma_wait3A_150 = arith.constant 0 : i32
      %dma_wait3A_151 = tpu.memref_slice %arg8[%run_scoped3A, %dma_wait3A_149, %dma_wait3A_150] : memref<2x128x128xf32, #tpu.memory_space<vmem>> -> memref<1x128x128xf32, #tpu.memory_space<vmem>>
      %dma_wait3A_152 = tpu.memref_squeeze %dma_wait3A_151 : memref<1x128x128xf32, #tpu.memory_space<vmem>> -> memref<128x128xf32, #tpu.memory_space<vmem>>
      %dma_wait3A_153 = arith.constant 0 : i32
      %dma_wait3A_154 = tpu.memref_slice %arg9[%add3A_10, %dma_wait3A_153] : memref<10112x128xf32, #tpu.memory_space<vmem_shared>> -> memref<128x128xf32, #tpu.memory_space<vmem_shared>>
      %dma_wait3A_155 = arith.constant 0 : i32
      %dma_wait3A_156 = tpu.memref_slice %arg9[%add3A_10, %dma_wait3A_155] : memref<10112x128xf32, #tpu.memory_space<vmem_shared>> -> memref<128x128xf32, #tpu.memory_space<vmem_shared>>
      %dma_wait3A_157 = arith.constant 0 : i32
      %dma_wait3A_158 = arith.constant 0 : i32
      %dma_wait3A_159 = tpu.memref_slice %arg8[%run_scoped3A, %dma_wait3A_157, %dma_wait3A_158] : memref<2x128x128xf32, #tpu.memory_space<vmem>> -> memref<1x128x128xf32, #tpu.memory_space<vmem>>
      %dma_wait3A_160 = tpu.memref_squeeze %dma_wait3A_159 : memref<1x128x128xf32, #tpu.memory_space<vmem>> -> memref<128x128xf32, #tpu.memory_space<vmem>>
      tpu.wait_dma2 semaphore(%run_scoped3A_136 : memref<!tpu.dma_semaphore, #tpu.memory_space<semaphore_mem>>) src(%dma_wait3A_160 : memref<128x128xf32, #tpu.memory_space<vmem>>) dst(%dma_wait3A_156 : memref<128x128xf32, #tpu.memory_space<vmem_shared>>)
      tpu.yield
    }) : () -> ()
    %mul3A_11 = arith.constant 632 : i32
    %mul3A_12 = arith.muli %arg1, %mul3A_11 : i32
    %add3A_13 = arith.constant 128 : i32
    %add3A_14 = arith.addi %mul3A_12, %add3A_13 : i32
    %run_scoped3A_15 = arith.constant 0 : i32
    "tpu.region"() ({
      %run_scoped3A_136 = tpu.sem_alloc : memref<!tpu.dma_semaphore, #tpu.memory_space<semaphore_mem>>
      %dma_start3A_137 = arith.constant 0 : i32
      %dma_start3A_138 = arith.constant 0 : i32
      %dma_start3A_139 = tpu.memref_slice %arg8[%run_scoped3A_15, %dma_start3A_137, %dma_start3A_138] : memref<2x128x128xf32, #tpu.memory_space<vmem>> -> memref<1x128x128xf32, #tpu.memory_space<vmem>>
      %dma_start3A_140 = tpu.memref_squeeze %dma_start3A_139 : memref<1x128x128xf32, #tpu.memory_space<vmem>> -> memref<128x128xf32, #tpu.memory_space<vmem>>
      %dma_start3A_141 = arith.constant 0 : i32
      %dma_start3A_142 = tpu.memref_slice %arg9[%add3A_14, %dma_start3A_141] : memref<10112x128xf32, #tpu.memory_space<vmem_shared>> -> memref<128x128xf32, #tpu.memory_space<vmem_shared>>
      %dma_start3A_143 = arith.constant 0 : i32
      %dma_start3A_144 = tpu.memref_slice %arg9[%add3A_14, %dma_start3A_143] : memref<10112x128xf32, #tpu.memory_space<vmem_shared>> -> memref<128x128xf32, #tpu.memory_space<vmem_shared>>
      %dma_start3A_145 = arith.constant 0 : i32
      %dma_start3A_146 = arith.constant 0 : i32
      %dma_start3A_147 = tpu.memref_slice %arg8[%run_scoped3A_15, %dma_start3A_145, %dma_start3A_146] : memref<2x128x128xf32, #tpu.memory_space<vmem>> -> memref<1x128x128xf32, #tpu.memory_space<vmem>>
      %dma_start3A_148 = tpu.memref_squeeze %dma_start3A_147 : memref<1x128x128xf32, #tpu.memory_space<vmem>> -> memref<128x128xf32, #tpu.memory_space<vmem>>
      tpu.enqueue_dma source(%dma_start3A_148 : memref<128x128xf32, #tpu.memory_space<vmem>>) target(%dma_start3A_144 : memref<128x128xf32, #tpu.memory_space<vmem_shared>>) target_semaphore(%run_scoped3A_136 : memref<!tpu.dma_semaphore, #tpu.memory_space<semaphore_mem>>)
      %dma_wait3A_149 = arith.constant 0 : i32
      %dma_wait3A_150 = arith.constant 0 : i32
      %dma_wait3A_151 = tpu.memref_slice %arg8[%run_scoped3A_15, %dma_wait3A_149, %dma_wait3A_150] : memref<2x128x128xf32, #tpu.memory_space<vmem>> -> memref<1x128x128xf32, #tpu.memory_space<vmem>>
      %dma_wait3A_152 = tpu.memref_squeeze %dma_wait3A_151 : memref<1x128x128xf32, #tpu.memory_space<vmem>> -> memref<128x128xf32, #tpu.memory_space<vmem>>
      %dma_wait3A_153 = arith.constant 0 : i32
      %dma_wait3A_154 = tpu.memref_slice %arg9[%add3A_14, %dma_wait3A_153] : memref<10112x128xf32, #tpu.memory_space<vmem_shared>> -> memref<128x128xf32, #tpu.memory_space<vmem_shared>>
      %dma_wait3A_155 = arith.constant 0 : i32
      %dma_wait3A_156 = tpu.memref_slice %arg9[%add3A_14, %dma_wait3A_155] : memref<10112x128xf32, #tpu.memory_space<vmem_shared>> -> memref<128x128xf32, #tpu.memory_space<vmem_shared>>
      %dma_wait3A_157 = arith.constant 0 : i32
      %dma_wait3A_158 = arith.constant 0 : i32
      %dma_wait3A_159 = tpu.memref_slice %arg8[%run_scoped3A_15, %dma_wait3A_157, %dma_wait3A_158] : memref<2x128x128xf32, #tpu.memory_space<vmem>> -> memref<1x128x128xf32, #tpu.memory_space<vmem>>
      %dma_wait3A_160 = tpu.memref_squeeze %dma_wait3A_159 : memref<1x128x128xf32, #tpu.memory_space<vmem>> -> memref<128x128xf32, #tpu.memory_space<vmem>>
      tpu.wait_dma2 semaphore(%run_scoped3A_136 : memref<!tpu.dma_semaphore, #tpu.memory_space<semaphore_mem>>) src(%dma_wait3A_160 : memref<128x128xf32, #tpu.memory_space<vmem>>) dst(%dma_wait3A_156 : memref<128x128xf32, #tpu.memory_space<vmem_shared>>)
      tpu.yield
    }) : () -> ()
    %mul3A_16 = arith.constant 632 : i32
    %mul3A_17 = arith.muli %arg1, %mul3A_16 : i32
    %add3A_18 = arith.constant 256 : i32
    %add3A_19 = arith.addi %mul3A_17, %add3A_18 : i32
    %run_scoped3A_20 = arith.constant 0 : i32
    "tpu.region"() ({
      %run_scoped3A_136 = tpu.sem_alloc : memref<!tpu.dma_semaphore, #tpu.memory_space<semaphore_mem>>
      %dma_start3A_137 = arith.constant 0 : i32
      %dma_start3A_138 = arith.constant 0 : i32
      %dma_start3A_139 = tpu.memref_slice %arg8[%run_scoped3A_20, %dma_start3A_137, %dma_start3A_138] : memref<2x128x128xf32, #tpu.memory_space<vmem>> -> memref<1x128x128xf32, #tpu.memory_space<vmem>>
      %dma_start3A_140 = tpu.memref_squeeze %dma_start3A_139 : memref<1x128x128xf32, #tpu.memory_space<vmem>> -> memref<128x128xf32, #tpu.memory_space<vmem>>
      %dma_start3A_141 = arith.constant 0 : i32
      %dma_start3A_142 = tpu.memref_slice %arg9[%add3A_19, %dma_start3A_141] : memref<10112x128xf32, #tpu.memory_space<vmem_shared>> -> memref<128x128xf32, #tpu.memory_space<vmem_shared>>
      %dma_start3A_143 = arith.constant 0 : i32
      %dma_start3A_144 = tpu.memref_slice %arg9[%add3A_19, %dma_start3A_143] : memref<10112x128xf32, #tpu.memory_space<vmem_shared>> -> memref<128x128xf32, #tpu.memory_space<vmem_shared>>
      %dma_start3A_145 = arith.constant 0 : i32
      %dma_start3A_146 = arith.constant 0 : i32
      %dma_start3A_147 = tpu.memref_slice %arg8[%run_scoped3A_20, %dma_start3A_145, %dma_start3A_146] : memref<2x128x128xf32, #tpu.memory_space<vmem>> -> memref<1x128x128xf32, #tpu.memory_space<vmem>>
      %dma_start3A_148 = tpu.memref_squeeze %dma_start3A_147 : memref<1x128x128xf32, #tpu.memory_space<vmem>> -> memref<128x128xf32, #tpu.memory_space<vmem>>
      tpu.enqueue_dma source(%dma_start3A_148 : memref<128x128xf32, #tpu.memory_space<vmem>>) target(%dma_start3A_144 : memref<128x128xf32, #tpu.memory_space<vmem_shared>>) target_semaphore(%run_scoped3A_136 : memref<!tpu.dma_semaphore, #tpu.memory_space<semaphore_mem>>)
      %dma_wait3A_149 = arith.constant 0 : i32
      %dma_wait3A_150 = arith.constant 0 : i32
      %dma_wait3A_151 = tpu.memref_slice %arg8[%run_scoped3A_20, %dma_wait3A_149, %dma_wait3A_150] : memref<2x128x128xf32, #tpu.memory_space<vmem>> -> memref<1x128x128xf32, #tpu.memory_space<vmem>>
      %dma_wait3A_152 = tpu.memref_squeeze %dma_wait3A_151 : memref<1x128x128xf32, #tpu.memory_space<vmem>> -> memref<128x128xf32, #tpu.memory_space<vmem>>
      %dma_wait3A_153 = arith.constant 0 : i32
      %dma_wait3A_154 = tpu.memref_slice %arg9[%add3A_19, %dma_wait3A_153] : memref<10112x128xf32, #tpu.memory_space<vmem_shared>> -> memref<128x128xf32, #tpu.memory_space<vmem_shared>>
      %dma_wait3A_155 = arith.constant 0 : i32
      %dma_wait3A_156 = tpu.memref_slice %arg9[%add3A_19, %dma_wait3A_155] : memref<10112x128xf32, #tpu.memory_space<vmem_shared>> -> memref<128x128xf32, #tpu.memory_space<vmem_shared>>
      %dma_wait3A_157 = arith.constant 0 : i32
      %dma_wait3A_158 = arith.constant 0 : i32
      %dma_wait3A_159 = tpu.memref_slice %arg8[%run_scoped3A_20, %dma_wait3A_157, %dma_wait3A_158] : memref<2x128x128xf32, #tpu.memory_space<vmem>> -> memref<1x128x128xf32, #tpu.memory_space<vmem>>
      %dma_wait3A_160 = tpu.memref_squeeze %dma_wait3A_159 : memref<1x128x128xf32, #tpu.memory_space<vmem>> -> memref<128x128xf32, #tpu.memory_space<vmem>>
      tpu.wait_dma2 semaphore(%run_scoped3A_136 : memref<!tpu.dma_semaphore, #tpu.memory_space<semaphore_mem>>) src(%dma_wait3A_160 : memref<128x128xf32, #tpu.memory_space<vmem>>) dst(%dma_wait3A_156 : memref<128x128xf32, #tpu.memory_space<vmem_shared>>)
      tpu.yield
    }) : () -> ()
    %mul3A_21 = arith.constant 632 : i32
    %mul3A_22 = arith.muli %arg1, %mul3A_21 : i32
    %add3A_23 = arith.constant 384 : i32
    %add3A_24 = arith.addi %mul3A_22, %add3A_23 : i32
    %run_scoped3A_25 = arith.constant 0 : i32
    "tpu.region"() ({
      %run_scoped3A_136 = tpu.sem_alloc : memref<!tpu.dma_semaphore, #tpu.memory_space<semaphore_mem>>
      %dma_start3A_137 = arith.constant 0 : i32
      %dma_start3A_138 = arith.constant 0 : i32
      %dma_start3A_139 = tpu.memref_slice %arg8[%run_scoped3A_25, %dma_start3A_137, %dma_start3A_138] : memref<2x128x128xf32, #tpu.memory_space<vmem>> -> memref<1x128x128xf32, #tpu.memory_space<vmem>>
      %dma_start3A_140 = tpu.memref_squeeze %dma_start3A_139 : memref<1x128x128xf32, #tpu.memory_space<vmem>> -> memref<128x128xf32, #tpu.memory_space<vmem>>
      %dma_start3A_141 = arith.constant 0 : i32
      %dma_start3A_142 = tpu.memref_slice %arg9[%add3A_24, %dma_start3A_141] : memref<10112x128xf32, #tpu.memory_space<vmem_shared>> -> memref<128x128xf32, #tpu.memory_space<vmem_shared>>
      %dma_start3A_143 = arith.constant 0 : i32
      %dma_start3A_144 = tpu.memref_slice %arg9[%add3A_24, %dma_start3A_143] : memref<10112x128xf32, #tpu.memory_space<vmem_shared>> -> memref<128x128xf32, #tpu.memory_space<vmem_shared>>
      %dma_start3A_145 = arith.constant 0 : i32
      %dma_start3A_146 = arith.constant 0 : i32
      %dma_start3A_147 = tpu.memref_slice %arg8[%run_scoped3A_25, %dma_start3A_145, %dma_start3A_146] : memref<2x128x128xf32, #tpu.memory_space<vmem>> -> memref<1x128x128xf32, #tpu.memory_space<vmem>>
      %dma_start3A_148 = tpu.memref_squeeze %dma_start3A_147 : memref<1x128x128xf32, #tpu.memory_space<vmem>> -> memref<128x128xf32, #tpu.memory_space<vmem>>
      tpu.enqueue_dma source(%dma_start3A_148 : memref<128x128xf32, #tpu.memory_space<vmem>>) target(%dma_start3A_144 : memref<128x128xf32, #tpu.memory_space<vmem_shared>>) target_semaphore(%run_scoped3A_136 : memref<!tpu.dma_semaphore, #tpu.memory_space<semaphore_mem>>)
      %dma_wait3A_149 = arith.constant 0 : i32
      %dma_wait3A_150 = arith.constant 0 : i32
      %dma_wait3A_151 = tpu.memref_slice %arg8[%run_scoped3A_25, %dma_wait3A_149, %dma_wait3A_150] : memref<2x128x128xf32, #tpu.memory_space<vmem>> -> memref<1x128x128xf32, #tpu.memory_space<vmem>>
      %dma_wait3A_152 = tpu.memref_squeeze %dma_wait3A_151 : memref<1x128x128xf32, #tpu.memory_space<vmem>> -> memref<128x128xf32, #tpu.memory_space<vmem>>
      %dma_wait3A_153 = arith.constant 0 : i32
      %dma_wait3A_154 = tpu.memref_slice %arg9[%add3A_24, %dma_wait3A_153] : memref<10112x128xf32, #tpu.memory_space<vmem_shared>> -> memref<128x128xf32, #tpu.memory_space<vmem_shared>>
      %dma_wait3A_155 = arith.constant 0 : i32
      %dma_wait3A_156 = tpu.memref_slice %arg9[%add3A_24, %dma_wait3A_155] : memref<10112x128xf32, #tpu.memory_space<vmem_shared>> -> memref<128x128xf32, #tpu.memory_space<vmem_shared>>
      %dma_wait3A_157 = arith.constant 0 : i32
      %dma_wait3A_158 = arith.constant 0 : i32
      %dma_wait3A_159 = tpu.memref_slice %arg8[%run_scoped3A_25, %dma_wait3A_157, %dma_wait3A_158] : memref<2x128x128xf32, #tpu.memory_space<vmem>> -> memref<1x128x128xf32, #tpu.memory_space<vmem>>
      %dma_wait3A_160 = tpu.memref_squeeze %dma_wait3A_159 : memref<1x128x128xf32, #tpu.memory_space<vmem>> -> memref<128x128xf32, #tpu.memory_space<vmem>>
      tpu.wait_dma2 semaphore(%run_scoped3A_136 : memref<!tpu.dma_semaphore, #tpu.memory_space<semaphore_mem>>) src(%dma_wait3A_160 : memref<128x128xf32, #tpu.memory_space<vmem>>) dst(%dma_wait3A_156 : memref<128x128xf32, #tpu.memory_space<vmem_shared>>)
      tpu.yield
    }) : () -> ()
    %mul3A_26 = arith.constant 632 : i32
    %mul3A_27 = arith.muli %arg1, %mul3A_26 : i32
    %add3A_28 = arith.constant 504 : i32
    %add3A_29 = arith.addi %mul3A_27, %add3A_28 : i32
    %run_scoped3A_30 = arith.constant 0 : i32
    "tpu.region"() ({
      %run_scoped3A_136 = tpu.sem_alloc : memref<!tpu.dma_semaphore, #tpu.memory_space<semaphore_mem>>
      %dma_start3A_137 = arith.constant 0 : i32
      %dma_start3A_138 = arith.constant 0 : i32
      %dma_start3A_139 = tpu.memref_slice %arg8[%run_scoped3A_30, %dma_start3A_137, %dma_start3A_138] : memref<2x128x128xf32, #tpu.memory_space<vmem>> -> memref<1x128x128xf32, #tpu.memory_space<vmem>>
      %dma_start3A_140 = tpu.memref_squeeze %dma_start3A_139 : memref<1x128x128xf32, #tpu.memory_space<vmem>> -> memref<128x128xf32, #tpu.memory_space<vmem>>
      %dma_start3A_141 = arith.constant 0 : i32
      %dma_start3A_142 = tpu.memref_slice %arg9[%add3A_29, %dma_start3A_141] : memref<10112x128xf32, #tpu.memory_space<vmem_shared>> -> memref<128x128xf32, #tpu.memory_space<vmem_shared>>
      %dma_start3A_143 = arith.constant 0 : i32
      %dma_start3A_144 = tpu.memref_slice %arg9[%add3A_29, %dma_start3A_143] : memref<10112x128xf32, #tpu.memory_space<vmem_shared>> -> memref<128x128xf32, #tpu.memory_space<vmem_shared>>
      %dma_start3A_145 = arith.constant 0 : i32
      %dma_start3A_146 = arith.constant 0 : i32
      %dma_start3A_147 = tpu.memref_slice %arg8[%run_scoped3A_30, %dma_start3A_145, %dma_start3A_146] : memref<2x128x128xf32, #tpu.memory_space<vmem>> -> memref<1x128x128xf32, #tpu.memory_space<vmem>>
      %dma_start3A_148 = tpu.memref_squeeze %dma_start3A_147 : memref<1x128x128xf32, #tpu.memory_space<vmem>> -> memref<128x128xf32, #tpu.memory_space<vmem>>
      tpu.enqueue_dma source(%dma_start3A_148 : memref<128x128xf32, #tpu.memory_space<vmem>>) target(%dma_start3A_144 : memref<128x128xf32, #tpu.memory_space<vmem_shared>>) target_semaphore(%run_scoped3A_136 : memref<!tpu.dma_semaphore, #tpu.memory_space<semaphore_mem>>)
      %dma_wait3A_149 = arith.constant 0 : i32
      %dma_wait3A_150 = arith.constant 0 : i32
      %dma_wait3A_151 = tpu.memref_slice %arg8[%run_scoped3A_30, %dma_wait3A_149, %dma_wait3A_150] : memref<2x128x128xf32, #tpu.memory_space<vmem>> -> memref<1x128x128xf32, #tpu.memory_space<vmem>>
      %dma_wait3A_152 = tpu.memref_squeeze %dma_wait3A_151 : memref<1x128x128xf32, #tpu.memory_space<vmem>> -> memref<128x128xf32, #tpu.memory_space<vmem>>
      %dma_wait3A_153 = arith.constant 0 : i32
      %dma_wait3A_154 = tpu.memref_slice %arg9[%add3A_29, %dma_wait3A_153] : memref<10112x128xf32, #tpu.memory_space<vmem_shared>> -> memref<128x128xf32, #tpu.memory_space<vmem_shared>>
      %dma_wait3A_155 = arith.constant 0 : i32
      %dma_wait3A_156 = tpu.memref_slice %arg9[%add3A_29, %dma_wait3A_155] : memref<10112x128xf32, #tpu.memory_space<vmem_shared>> -> memref<128x128xf32, #tpu.memory_space<vmem_shared>>
      %dma_wait3A_157 = arith.constant 0 : i32
      %dma_wait3A_158 = arith.constant 0 : i32
      %dma_wait3A_159 = tpu.memref_slice %arg8[%run_scoped3A_30, %dma_wait3A_157, %dma_wait3A_158] : memref<2x128x128xf32, #tpu.memory_space<vmem>> -> memref<1x128x128xf32, #tpu.memory_space<vmem>>
      %dma_wait3A_160 = tpu.memref_squeeze %dma_wait3A_159 : memref<1x128x128xf32, #tpu.memory_space<vmem>> -> memref<128x128xf32, #tpu.memory_space<vmem>>
      tpu.wait_dma2 semaphore(%run_scoped3A_136 : memref<!tpu.dma_semaphore, #tpu.memory_space<semaphore_mem>>) src(%dma_wait3A_160 : memref<128x128xf32, #tpu.memory_space<vmem>>) dst(%dma_wait3A_156 : memref<128x128xf32, #tpu.memory_space<vmem_shared>>)
      tpu.yield
    }) : () -> ()
    %barrier3A = arith.constant 0 : index
    tpu.barrier barrier_id(%barrier3A)
    "tpu.region"() ({
      %run_scoped3A_136 = tpu.sem_alloc : memref<!tpu.dma_semaphore, #tpu.memory_space<semaphore_mem>>
      %dma_start3A_137 = arith.constant 0 : i32
      %dma_start3A_138 = arith.constant 0 : i32
      %dma_start3A_139 = tpu.memref_slice %arg3[%add3A, %dma_start3A_137, %dma_start3A_138] : memref<32x80x128xi32, #tpu.memory_space<hbm>> -> memref<1x40x128xi32, #tpu.memory_space<hbm>>
      %dma_start3A_140 = tpu.memref_squeeze %dma_start3A_139 : memref<1x40x128xi32, #tpu.memory_space<hbm>> -> memref<40x128xi32, #tpu.memory_space<hbm>>
      %dma_start3A_141 = arith.constant 0 : i32
      %dma_start3A_142 = arith.constant 0 : i32
      %dma_start3A_143 = tpu.memref_slice %arg3[%add3A, %dma_start3A_141, %dma_start3A_142] : memref<32x80x128xi32, #tpu.memory_space<hbm>> -> memref<1x40x128xi32, #tpu.memory_space<hbm>>
      %dma_start3A_144 = tpu.memref_squeeze %dma_start3A_143 : memref<1x40x128xi32, #tpu.memory_space<hbm>> -> memref<40x128xi32, #tpu.memory_space<hbm>>
      tpu.enqueue_dma source(%dma_start3A_144 : memref<40x128xi32, #tpu.memory_space<hbm>>) target(%arg6 : memref<40x128xi32, #tpu.memory_space<vmem>>) target_semaphore(%run_scoped3A_136 : memref<!tpu.dma_semaphore, #tpu.memory_space<semaphore_mem>>)
      %dma_wait3A_145 = arith.constant 0 : i32
      %dma_wait3A_146 = arith.constant 0 : i32
      %dma_wait3A_147 = tpu.memref_slice %arg3[%add3A, %dma_wait3A_145, %dma_wait3A_146] : memref<32x80x128xi32, #tpu.memory_space<hbm>> -> memref<1x40x128xi32, #tpu.memory_space<hbm>>
      %dma_wait3A_148 = tpu.memref_squeeze %dma_wait3A_147 : memref<1x40x128xi32, #tpu.memory_space<hbm>> -> memref<40x128xi32, #tpu.memory_space<hbm>>
      %dma_wait3A_149 = arith.constant 0 : i32
      %dma_wait3A_150 = arith.constant 0 : i32
      %dma_wait3A_151 = tpu.memref_slice %arg3[%add3A, %dma_wait3A_149, %dma_wait3A_150] : memref<32x80x128xi32, #tpu.memory_space<hbm>> -> memref<1x40x128xi32, #tpu.memory_space<hbm>>
      %dma_wait3A_152 = tpu.memref_squeeze %dma_wait3A_151 : memref<1x40x128xi32, #tpu.memory_space<hbm>> -> memref<40x128xi32, #tpu.memory_space<hbm>>
      tpu.wait_dma2 semaphore(%run_scoped3A_136 : memref<!tpu.dma_semaphore, #tpu.memory_space<semaphore_mem>>) src(%dma_wait3A_152 : memref<40x128xi32, #tpu.memory_space<hbm>>) dst(%arg6 : memref<40x128xi32, #tpu.memory_space<vmem>>)
      tpu.yield
    }) : () -> ()
    "tpu.region"() ({
      %run_scoped3A_136 = tpu.sem_alloc : memref<!tpu.dma_semaphore, #tpu.memory_space<semaphore_mem>>
      %dma_start3A_137 = arith.constant 0 : i32
      %dma_start3A_138 = arith.constant 0 : i32
      %dma_start3A_139 = tpu.memref_slice %arg4[%add3A, %dma_start3A_137, %dma_start3A_138] : memref<32x80x128xi32, #tpu.memory_space<hbm>> -> memref<1x40x128xi32, #tpu.memory_space<hbm>>
      %dma_start3A_140 = tpu.memref_squeeze %dma_start3A_139 : memref<1x40x128xi32, #tpu.memory_space<hbm>> -> memref<40x128xi32, #tpu.memory_space<hbm>>
      %dma_start3A_141 = arith.constant 0 : i32
      %dma_start3A_142 = arith.constant 0 : i32
      %dma_start3A_143 = tpu.memref_slice %arg4[%add3A, %dma_start3A_141, %dma_start3A_142] : memref<32x80x128xi32, #tpu.memory_space<hbm>> -> memref<1x40x128xi32, #tpu.memory_space<hbm>>
      %dma_start3A_144 = tpu.memref_squeeze %dma_start3A_143 : memref<1x40x128xi32, #tpu.memory_space<hbm>> -> memref<40x128xi32, #tpu.memory_space<hbm>>
      tpu.enqueue_dma source(%dma_start3A_144 : memref<40x128xi32, #tpu.memory_space<hbm>>) target(%arg7 : memref<40x128xi32, #tpu.memory_space<vmem>>) target_semaphore(%run_scoped3A_136 : memref<!tpu.dma_semaphore, #tpu.memory_space<semaphore_mem>>)
      %dma_wait3A_145 = arith.constant 0 : i32
      %dma_wait3A_146 = arith.constant 0 : i32
      %dma_wait3A_147 = tpu.memref_slice %arg4[%add3A, %dma_wait3A_145, %dma_wait3A_146] : memref<32x80x128xi32, #tpu.memory_space<hbm>> -> memref<1x40x128xi32, #tpu.memory_space<hbm>>
      %dma_wait3A_148 = tpu.memref_squeeze %dma_wait3A_147 : memref<1x40x128xi32, #tpu.memory_space<hbm>> -> memref<40x128xi32, #tpu.memory_space<hbm>>
      %dma_wait3A_149 = arith.constant 0 : i32
      %dma_wait3A_150 = arith.constant 0 : i32
      %dma_wait3A_151 = tpu.memref_slice %arg4[%add3A, %dma_wait3A_149, %dma_wait3A_150] : memref<32x80x128xi32, #tpu.memory_space<hbm>> -> memref<1x40x128xi32, #tpu.memory_space<hbm>>
      %dma_wait3A_152 = tpu.memref_squeeze %dma_wait3A_151 : memref<1x40x128xi32, #tpu.memory_space<hbm>> -> memref<40x128xi32, #tpu.memory_space<hbm>>
      tpu.wait_dma2 semaphore(%run_scoped3A_136 : memref<!tpu.dma_semaphore, #tpu.memory_space<semaphore_mem>>) src(%dma_wait3A_152 : memref<40x128xi32, #tpu.memory_space<hbm>>) dst(%arg7 : memref<40x128xi32, #tpu.memory_space<vmem>>)
      tpu.yield
    }) : () -> ()
    %dma_start3A = arith.constant 0 : i32
    %dma_start3A_31 = arith.constant 0 : i32
    %dma_start3A_32 = arith.constant 0 : i32
    %dma_start3A_33 = arith.constant 0 : i32
    %dma_start3A_34 = arith.constant 0 : i32
    %dma_start3A_35 = tpu.memref_slice %arg8[%dma_start3A_31, %dma_start3A_33, %dma_start3A_34] : memref<2x128x128xf32, #tpu.memory_space<vmem>> -> memref<1x128x128xf32, #tpu.memory_space<vmem>>
    %dma_start3A_36 = tpu.memref_squeeze %dma_start3A_35 : memref<1x128x128xf32, #tpu.memory_space<vmem>> -> memref<128x128xf32, #tpu.memory_space<vmem>>
    %dma_start3A_37 = arith.constant 0 : i32
    %dma_start3A_38 = tpu.memref_slice %arg6[%dma_start3A, %dma_start3A_37] : memref<40x128xi32, #tpu.memory_space<vmem>> -> memref<1x128xi32, #tpu.memory_space<vmem>>
    %dma_start3A_39 = tpu.memref_squeeze %dma_start3A_38 : memref<1x128xi32, #tpu.memory_space<vmem>> -> memref<128xi32, #tpu.memory_space<vmem>>
    %dma_start3A_40 = arith.constant 0 : i32
    %dma_start3A_41 = arith.constant 0 : i32
    %dma_start3A_42 = tpu.memref_slice %arg2[%dma_start3A_40, %dma_start3A_41] : memref<10000x128xf32, #tpu.memory_space<hbm>> -> memref<10000x128xf32, #tpu.memory_space<hbm>>
    %dma_start3A_43 = tpu.memref_slice %arg10[%dma_start3A_32] : memref<2x!tpu.dma_semaphore, #tpu.memory_space<semaphore_mem>> -> memref<1x!tpu.dma_semaphore, #tpu.memory_space<semaphore_mem>>
    %dma_start3A_44 = tpu.memref_squeeze %dma_start3A_43 : memref<1x!tpu.dma_semaphore, #tpu.memory_space<semaphore_mem>> -> memref<!tpu.dma_semaphore, #tpu.memory_space<semaphore_mem>>
    tpu.enqueue_indirect_dma source(%dma_start3A_42 : memref<10000x128xf32, #tpu.memory_space<hbm>>) target(%dma_start3A_36 : memref<128x128xf32, #tpu.memory_space<vmem>>) offsets(%dma_start3A_39 : memref<128xi32, #tpu.memory_space<vmem>>) semaphore(%dma_start3A_44 : memref<!tpu.dma_semaphore, #tpu.memory_space<semaphore_mem>>)
    %scan3A_45 = arith.constant 0 : i32
    %scan3A_46 = arith.constant 0 : i32
    %scan3A_47 = arith.constant 40 : i32
    %scan3A_48 = arith.addi %scan3A_46, %scan3A_47 : i32
    %scan3A_49 = arith.constant 1 : i32
    scf.for %scan3A_136 = %scan3A_46 to %scan3A_48 step %scan3A_49  : i32 {
      %rem3A = arith.constant 2 : i32
      %rem3A_137 = arith.remsi %scan3A_136, %rem3A : i32
      %add3A_138 = arith.constant 1 : i32
      %add3A_139 = arith.addi %scan3A_136, %add3A_138 : i32
      %rem3A_140 = arith.constant 2 : i32
      %rem3A_141 = arith.remsi %add3A_139, %rem3A_140 : i32
      %add3A_142 = arith.constant 1 : i32
      %add3A_143 = arith.addi %scan3A_136, %add3A_142 : i32
      %lt3A = arith.constant 40 : i32
      %lt3A_144 = arith.cmpi slt, %add3A_143, %lt3A : i32
      %convert_element_type3A = arith.extui %lt3A_144 : i1 to i32
      %cond3A = arith.constant 0 : i32
      %cond3A_145 = arith.cmpi ne, %convert_element_type3A, %cond3A : i32
      scf.if %cond3A_145 {
        %ge3A = arith.constant 1 : i32
        %ge3A_170 = arith.cmpi sge, %scan3A_136, %ge3A : i32
        %convert_element_type3A_171 = arith.extui %ge3A_170 : i1 to i32
        %cond3A_172 = arith.constant 0 : i32
        %cond3A_173 = arith.cmpi ne, %convert_element_type3A_171, %cond3A_172 : i32
        scf.if %cond3A_173 {
          %dma_wait3A_188 = arith.constant 0 : i32
          %dma_wait3A_189 = arith.constant 0 : i32
          %dma_wait3A_190 = tpu.memref_slice %arg8[%rem3A_141, %dma_wait3A_188, %dma_wait3A_189] : memref<2x128x128xf32, #tpu.memory_space<vmem>> -> memref<1x128x128xf32, #tpu.memory_space<vmem>>
          %dma_wait3A_191 = tpu.memref_squeeze %dma_wait3A_190 : memref<1x128x128xf32, #tpu.memory_space<vmem>> -> memref<128x128xf32, #tpu.memory_space<vmem>>
          %dma_wait3A_192 = arith.constant 0 : i32
          %dma_wait3A_193 = tpu.memref_slice %arg7[%scan3A_136, %dma_wait3A_192] : memref<40x128xi32, #tpu.memory_space<vmem>> -> memref<1x128xi32, #tpu.memory_space<vmem>>
          %dma_wait3A_194 = tpu.memref_squeeze %dma_wait3A_193 : memref<1x128xi32, #tpu.memory_space<vmem>> -> memref<128xi32, #tpu.memory_space<vmem>>
          %dma_wait3A_195 = arith.constant 0 : i32
          %dma_wait3A_196 = arith.constant 0 : i32
          %dma_wait3A_197 = tpu.memref_slice %arg9[%dma_wait3A_195, %dma_wait3A_196] : memref<10112x128xf32, #tpu.memory_space<vmem_shared>> -> memref<10112x128xf32, #tpu.memory_space<vmem_shared>>
          %dma_wait3A_198 = tpu.memref_slice %arg11[%rem3A_141] : memref<2x!tpu.dma_semaphore, #tpu.memory_space<semaphore_mem>> -> memref<1x!tpu.dma_semaphore, #tpu.memory_space<semaphore_mem>>
          %dma_wait3A_199 = tpu.memref_squeeze %dma_wait3A_198 : memref<1x!tpu.dma_semaphore, #tpu.memory_space<semaphore_mem>> -> memref<!tpu.dma_semaphore, #tpu.memory_space<semaphore_mem>>
          tpu.wait_indirect_dma semaphore(%dma_wait3A_199 : memref<!tpu.dma_semaphore, #tpu.memory_space<semaphore_mem>>) src(%dma_wait3A_191 : memref<128x128xf32, #tpu.memory_space<vmem>>) dst(%dma_wait3A_197 : memref<10112x128xf32, #tpu.memory_space<vmem_shared>>)
        } else {
        }
        %add3A_174 = arith.constant 1 : i32
        %add3A_175 = arith.addi %scan3A_136, %add3A_174 : i32
        %dma_start3A_176 = arith.constant 0 : i32
        %dma_start3A_177 = arith.constant 0 : i32
        %dma_start3A_178 = tpu.memref_slice %arg8[%rem3A_141, %dma_start3A_176, %dma_start3A_177] : memref<2x128x128xf32, #tpu.memory_space<vmem>> -> memref<1x128x128xf32, #tpu.memory_space<vmem>>
        %dma_start3A_179 = tpu.memref_squeeze %dma_start3A_178 : memref<1x128x128xf32, #tpu.memory_space<vmem>> -> memref<128x128xf32, #tpu.memory_space<vmem>>
        %dma_start3A_180 = arith.constant 0 : i32
        %dma_start3A_181 = tpu.memref_slice %arg6[%add3A_175, %dma_start3A_180] : memref<40x128xi32, #tpu.memory_space<vmem>> -> memref<1x128xi32, #tpu.memory_space<vmem>>
        %dma_start3A_182 = tpu.memref_squeeze %dma_start3A_181 : memref<1x128xi32, #tpu.memory_space<vmem>> -> memref<128xi32, #tpu.memory_space<vmem>>
        %dma_start3A_183 = arith.constant 0 : i32
        %dma_start3A_184 = arith.constant 0 : i32
        %dma_start3A_185 = tpu.memref_slice %arg2[%dma_start3A_183, %dma_start3A_184] : memref<10000x128xf32, #tpu.memory_space<hbm>> -> memref<10000x128xf32, #tpu.memory_space<hbm>>
        %dma_start3A_186 = tpu.memref_slice %arg10[%rem3A_141] : memref<2x!tpu.dma_semaphore, #tpu.memory_space<semaphore_mem>> -> memref<1x!tpu.dma_semaphore, #tpu.memory_space<semaphore_mem>>
        %dma_start3A_187 = tpu.memref_squeeze %dma_start3A_186 : memref<1x!tpu.dma_semaphore, #tpu.memory_space<semaphore_mem>> -> memref<!tpu.dma_semaphore, #tpu.memory_space<semaphore_mem>>
        tpu.enqueue_indirect_dma source(%dma_start3A_185 : memref<10000x128xf32, #tpu.memory_space<hbm>>) target(%dma_start3A_179 : memref<128x128xf32, #tpu.memory_space<vmem>>) offsets(%dma_start3A_182 : memref<128xi32, #tpu.memory_space<vmem>>) semaphore(%dma_start3A_187 : memref<!tpu.dma_semaphore, #tpu.memory_space<semaphore_mem>>)
      } else {
      }
      %dma_wait3A_146 = arith.constant 0 : i32
      %dma_wait3A_147 = arith.constant 0 : i32
      %dma_wait3A_148 = tpu.memref_slice %arg8[%rem3A_137, %dma_wait3A_146, %dma_wait3A_147] : memref<2x128x128xf32, #tpu.memory_space<vmem>> -> memref<1x128x128xf32, #tpu.memory_space<vmem>>
      %dma_wait3A_149 = tpu.memref_squeeze %dma_wait3A_148 : memref<1x128x128xf32, #tpu.memory_space<vmem>> -> memref<128x128xf32, #tpu.memory_space<vmem>>
      %dma_wait3A_150 = arith.constant 0 : i32
      %dma_wait3A_151 = tpu.memref_slice %arg6[%scan3A_136, %dma_wait3A_150] : memref<40x128xi32, #tpu.memory_space<vmem>> -> memref<1x128xi32, #tpu.memory_space<vmem>>
      %dma_wait3A_152 = tpu.memref_squeeze %dma_wait3A_151 : memref<1x128xi32, #tpu.memory_space<vmem>> -> memref<128xi32, #tpu.memory_space<vmem>>
      %dma_wait3A_153 = arith.constant 0 : i32
      %dma_wait3A_154 = arith.constant 0 : i32
      %dma_wait3A_155 = tpu.memref_slice %arg2[%dma_wait3A_153, %dma_wait3A_154] : memref<10000x128xf32, #tpu.memory_space<hbm>> -> memref<10000x128xf32, #tpu.memory_space<hbm>>
      %dma_wait3A_156 = tpu.memref_slice %arg10[%rem3A_137] : memref<2x!tpu.dma_semaphore, #tpu.memory_space<semaphore_mem>> -> memref<1x!tpu.dma_semaphore, #tpu.memory_space<semaphore_mem>>
      %dma_wait3A_157 = tpu.memref_squeeze %dma_wait3A_156 : memref<1x!tpu.dma_semaphore, #tpu.memory_space<semaphore_mem>> -> memref<!tpu.dma_semaphore, #tpu.memory_space<semaphore_mem>>
      tpu.wait_indirect_dma semaphore(%dma_wait3A_157 : memref<!tpu.dma_semaphore, #tpu.memory_space<semaphore_mem>>) src(%dma_wait3A_155 : memref<10000x128xf32, #tpu.memory_space<hbm>>) dst(%dma_wait3A_149 : memref<128x128xf32, #tpu.memory_space<vmem>>)
      %dma_start3A_158 = arith.constant 0 : i32
      %dma_start3A_159 = arith.constant 0 : i32
      %dma_start3A_160 = tpu.memref_slice %arg8[%rem3A_137, %dma_start3A_158, %dma_start3A_159] : memref<2x128x128xf32, #tpu.memory_space<vmem>> -> memref<1x128x128xf32, #tpu.memory_space<vmem>>
      %dma_start3A_161 = tpu.memref_squeeze %dma_start3A_160 : memref<1x128x128xf32, #tpu.memory_space<vmem>> -> memref<128x128xf32, #tpu.memory_space<vmem>>
      %dma_start3A_162 = arith.constant 0 : i32
      %dma_start3A_163 = tpu.memref_slice %arg7[%scan3A_136, %dma_start3A_162] : memref<40x128xi32, #tpu.memory_space<vmem>> -> memref<1x128xi32, #tpu.memory_space<vmem>>
      %dma_start3A_164 = tpu.memref_squeeze %dma_start3A_163 : memref<1x128xi32, #tpu.memory_space<vmem>> -> memref<128xi32, #tpu.memory_space<vmem>>
      %dma_start3A_165 = arith.constant 0 : i32
      %dma_start3A_166 = arith.constant 0 : i32
      %dma_start3A_167 = tpu.memref_slice %arg9[%dma_start3A_165, %dma_start3A_166] : memref<10112x128xf32, #tpu.memory_space<vmem_shared>> -> memref<10112x128xf32, #tpu.memory_space<vmem_shared>>
      %dma_start3A_168 = tpu.memref_slice %arg11[%rem3A_137] : memref<2x!tpu.dma_semaphore, #tpu.memory_space<semaphore_mem>> -> memref<1x!tpu.dma_semaphore, #tpu.memory_space<semaphore_mem>>
      %dma_start3A_169 = tpu.memref_squeeze %dma_start3A_168 : memref<1x!tpu.dma_semaphore, #tpu.memory_space<semaphore_mem>> -> memref<!tpu.dma_semaphore, #tpu.memory_space<semaphore_mem>>
      tpu.enqueue_indirect_dma source(%dma_start3A_161 : memref<128x128xf32, #tpu.memory_space<vmem>>) target(%dma_start3A_167 : memref<10112x128xf32, #tpu.memory_space<vmem_shared>>) offsets(%dma_start3A_164 : memref<128xi32, #tpu.memory_space<vmem>>) semaphore(%dma_start3A_169 : memref<!tpu.dma_semaphore, #tpu.memory_space<semaphore_mem>>) {add = true}
    }
    %scan3A_50 = arith.constant 40 : i32
    %dma_wait3A = arith.constant 0 : i32
    %dma_wait3A_51 = arith.constant 39 : i32
    %dma_wait3A_52 = arith.constant 0 : i32
    %dma_wait3A_53 = arith.constant 0 : i32
    %dma_wait3A_54 = arith.constant 0 : i32
    %dma_wait3A_55 = tpu.memref_slice %arg8[%dma_wait3A, %dma_wait3A_53, %dma_wait3A_54] : memref<2x128x128xf32, #tpu.memory_space<vmem>> -> memref<1x128x128xf32, #tpu.memory_space<vmem>>
    %dma_wait3A_56 = tpu.memref_squeeze %dma_wait3A_55 : memref<1x128x128xf32, #tpu.memory_space<vmem>> -> memref<128x128xf32, #tpu.memory_space<vmem>>
    %dma_wait3A_57 = arith.constant 0 : i32
    %dma_wait3A_58 = tpu.memref_slice %arg7[%dma_wait3A_51, %dma_wait3A_57] : memref<40x128xi32, #tpu.memory_space<vmem>> -> memref<1x128xi32, #tpu.memory_space<vmem>>
    %dma_wait3A_59 = tpu.memref_squeeze %dma_wait3A_58 : memref<1x128xi32, #tpu.memory_space<vmem>> -> memref<128xi32, #tpu.memory_space<vmem>>
    %dma_wait3A_60 = arith.constant 0 : i32
    %dma_wait3A_61 = arith.constant 0 : i32
    %dma_wait3A_62 = tpu.memref_slice %arg9[%dma_wait3A_60, %dma_wait3A_61] : memref<10112x128xf32, #tpu.memory_space<vmem_shared>> -> memref<10112x128xf32, #tpu.memory_space<vmem_shared>>
    %dma_wait3A_63 = tpu.memref_slice %arg11[%dma_wait3A_52] : memref<2x!tpu.dma_semaphore, #tpu.memory_space<semaphore_mem>> -> memref<1x!tpu.dma_semaphore, #tpu.memory_space<semaphore_mem>>
    %dma_wait3A_64 = tpu.memref_squeeze %dma_wait3A_63 : memref<1x!tpu.dma_semaphore, #tpu.memory_space<semaphore_mem>> -> memref<!tpu.dma_semaphore, #tpu.memory_space<semaphore_mem>>
    tpu.wait_indirect_dma semaphore(%dma_wait3A_64 : memref<!tpu.dma_semaphore, #tpu.memory_space<semaphore_mem>>) src(%dma_wait3A_56 : memref<128x128xf32, #tpu.memory_space<vmem>>) dst(%dma_wait3A_62 : memref<10112x128xf32, #tpu.memory_space<vmem_shared>>)
    %dma_wait3A_65 = arith.constant 1 : i32
    %dma_wait3A_66 = arith.constant 39 : i32
    %dma_wait3A_67 = arith.constant 1 : i32
    %dma_wait3A_68 = arith.constant 0 : i32
    %dma_wait3A_69 = arith.constant 0 : i32
    %dma_wait3A_70 = tpu.memref_slice %arg8[%dma_wait3A_65, %dma_wait3A_68, %dma_wait3A_69] : memref<2x128x128xf32, #tpu.memory_space<vmem>> -> memref<1x128x128xf32, #tpu.memory_space<vmem>>
    %dma_wait3A_71 = tpu.memref_squeeze %dma_wait3A_70 : memref<1x128x128xf32, #tpu.memory_space<vmem>> -> memref<128x128xf32, #tpu.memory_space<vmem>>
    %dma_wait3A_72 = arith.constant 0 : i32
    %dma_wait3A_73 = tpu.memref_slice %arg7[%dma_wait3A_66, %dma_wait3A_72] : memref<40x128xi32, #tpu.memory_space<vmem>> -> memref<1x128xi32, #tpu.memory_space<vmem>>
    %dma_wait3A_74 = tpu.memref_squeeze %dma_wait3A_73 : memref<1x128xi32, #tpu.memory_space<vmem>> -> memref<128xi32, #tpu.memory_space<vmem>>
    %dma_wait3A_75 = arith.constant 0 : i32
    %dma_wait3A_76 = arith.constant 0 : i32
    %dma_wait3A_77 = tpu.memref_slice %arg9[%dma_wait3A_75, %dma_wait3A_76] : memref<10112x128xf32, #tpu.memory_space<vmem_shared>> -> memref<10112x128xf32, #tpu.memory_space<vmem_shared>>
    %dma_wait3A_78 = tpu.memref_slice %arg11[%dma_wait3A_67] : memref<2x!tpu.dma_semaphore, #tpu.memory_space<semaphore_mem>> -> memref<1x!tpu.dma_semaphore, #tpu.memory_space<semaphore_mem>>
    %dma_wait3A_79 = tpu.memref_squeeze %dma_wait3A_78 : memref<1x!tpu.dma_semaphore, #tpu.memory_space<semaphore_mem>> -> memref<!tpu.dma_semaphore, #tpu.memory_space<semaphore_mem>>
    tpu.wait_indirect_dma semaphore(%dma_wait3A_79 : memref<!tpu.dma_semaphore, #tpu.memory_space<semaphore_mem>>) src(%dma_wait3A_71 : memref<128x128xf32, #tpu.memory_space<vmem>>) dst(%dma_wait3A_77 : memref<10112x128xf32, #tpu.memory_space<vmem_shared>>)
    "tpu.region"() ({
      %run_scoped3A_136 = tpu.sem_alloc : memref<!tpu.dma_semaphore, #tpu.memory_space<semaphore_mem>>
      %dma_start3A_137 = arith.constant 40 : i32
      %dma_start3A_138 = arith.constant 0 : i32
      %dma_start3A_139 = tpu.memref_slice %arg3[%add3A, %dma_start3A_137, %dma_start3A_138] : memref<32x80x128xi32, #tpu.memory_space<hbm>> -> memref<1x40x128xi32, #tpu.memory_space<hbm>>
      %dma_start3A_140 = tpu.memref_squeeze %dma_start3A_139 : memref<1x40x128xi32, #tpu.memory_space<hbm>> -> memref<40x128xi32, #tpu.memory_space<hbm>>
      %dma_start3A_141 = arith.constant 40 : i32
      %dma_start3A_142 = arith.constant 0 : i32
      %dma_start3A_143 = tpu.memref_slice %arg3[%add3A, %dma_start3A_141, %dma_start3A_142] : memref<32x80x128xi32, #tpu.memory_space<hbm>> -> memref<1x40x128xi32, #tpu.memory_space<hbm>>
      %dma_start3A_144 = tpu.memref_squeeze %dma_start3A_143 : memref<1x40x128xi32, #tpu.memory_space<hbm>> -> memref<40x128xi32, #tpu.memory_space<hbm>>
      tpu.enqueue_dma source(%dma_start3A_144 : memref<40x128xi32, #tpu.memory_space<hbm>>) target(%arg6 : memref<40x128xi32, #tpu.memory_space<vmem>>) target_semaphore(%run_scoped3A_136 : memref<!tpu.dma_semaphore, #tpu.memory_space<semaphore_mem>>)
      %dma_wait3A_145 = arith.constant 40 : i32
      %dma_wait3A_146 = arith.constant 0 : i32
      %dma_wait3A_147 = tpu.memref_slice %arg3[%add3A, %dma_wait3A_145, %dma_wait3A_146] : memref<32x80x128xi32, #tpu.memory_space<hbm>> -> memref<1x40x128xi32, #tpu.memory_space<hbm>>
      %dma_wait3A_148 = tpu.memref_squeeze %dma_wait3A_147 : memref<1x40x128xi32, #tpu.memory_space<hbm>> -> memref<40x128xi32, #tpu.memory_space<hbm>>
      %dma_wait3A_149 = arith.constant 40 : i32
      %dma_wait3A_150 = arith.constant 0 : i32
      %dma_wait3A_151 = tpu.memref_slice %arg3[%add3A, %dma_wait3A_149, %dma_wait3A_150] : memref<32x80x128xi32, #tpu.memory_space<hbm>> -> memref<1x40x128xi32, #tpu.memory_space<hbm>>
      %dma_wait3A_152 = tpu.memref_squeeze %dma_wait3A_151 : memref<1x40x128xi32, #tpu.memory_space<hbm>> -> memref<40x128xi32, #tpu.memory_space<hbm>>
      tpu.wait_dma2 semaphore(%run_scoped3A_136 : memref<!tpu.dma_semaphore, #tpu.memory_space<semaphore_mem>>) src(%dma_wait3A_152 : memref<40x128xi32, #tpu.memory_space<hbm>>) dst(%arg6 : memref<40x128xi32, #tpu.memory_space<vmem>>)
      tpu.yield
    }) : () -> ()
    "tpu.region"() ({
      %run_scoped3A_136 = tpu.sem_alloc : memref<!tpu.dma_semaphore, #tpu.memory_space<semaphore_mem>>
      %dma_start3A_137 = arith.constant 40 : i32
      %dma_start3A_138 = arith.constant 0 : i32
      %dma_start3A_139 = tpu.memref_slice %arg4[%add3A, %dma_start3A_137, %dma_start3A_138] : memref<32x80x128xi32, #tpu.memory_space<hbm>> -> memref<1x40x128xi32, #tpu.memory_space<hbm>>
      %dma_start3A_140 = tpu.memref_squeeze %dma_start3A_139 : memref<1x40x128xi32, #tpu.memory_space<hbm>> -> memref<40x128xi32, #tpu.memory_space<hbm>>
      %dma_start3A_141 = arith.constant 40 : i32
      %dma_start3A_142 = arith.constant 0 : i32
      %dma_start3A_143 = tpu.memref_slice %arg4[%add3A, %dma_start3A_141, %dma_start3A_142] : memref<32x80x128xi32, #tpu.memory_space<hbm>> -> memref<1x40x128xi32, #tpu.memory_space<hbm>>
      %dma_start3A_144 = tpu.memref_squeeze %dma_start3A_143 : memref<1x40x128xi32, #tpu.memory_space<hbm>> -> memref<40x128xi32, #tpu.memory_space<hbm>>
      tpu.enqueue_dma source(%dma_start3A_144 : memref<40x128xi32, #tpu.memory_space<hbm>>) target(%arg7 : memref<40x128xi32, #tpu.memory_space<vmem>>) target_semaphore(%run_scoped3A_136 : memref<!tpu.dma_semaphore, #tpu.memory_space<semaphore_mem>>)
      %dma_wait3A_145 = arith.constant 40 : i32
      %dma_wait3A_146 = arith.constant 0 : i32
      %dma_wait3A_147 = tpu.memref_slice %arg4[%add3A, %dma_wait3A_145, %dma_wait3A_146] : memref<32x80x128xi32, #tpu.memory_space<hbm>> -> memref<1x40x128xi32, #tpu.memory_space<hbm>>
      %dma_wait3A_148 = tpu.memref_squeeze %dma_wait3A_147 : memref<1x40x128xi32, #tpu.memory_space<hbm>> -> memref<40x128xi32, #tpu.memory_space<hbm>>
      %dma_wait3A_149 = arith.constant 40 : i32
      %dma_wait3A_150 = arith.constant 0 : i32
      %dma_wait3A_151 = tpu.memref_slice %arg4[%add3A, %dma_wait3A_149, %dma_wait3A_150] : memref<32x80x128xi32, #tpu.memory_space<hbm>> -> memref<1x40x128xi32, #tpu.memory_space<hbm>>
      %dma_wait3A_152 = tpu.memref_squeeze %dma_wait3A_151 : memref<1x40x128xi32, #tpu.memory_space<hbm>> -> memref<40x128xi32, #tpu.memory_space<hbm>>
      tpu.wait_dma2 semaphore(%run_scoped3A_136 : memref<!tpu.dma_semaphore, #tpu.memory_space<semaphore_mem>>) src(%dma_wait3A_152 : memref<40x128xi32, #tpu.memory_space<hbm>>) dst(%arg7 : memref<40x128xi32, #tpu.memory_space<vmem>>)
      tpu.yield
    }) : () -> ()
    %dma_start3A_80 = arith.constant 0 : i32
    %dma_start3A_81 = arith.constant 0 : i32
    %dma_start3A_82 = arith.constant 0 : i32
    %dma_start3A_83 = arith.constant 0 : i32
    %dma_start3A_84 = arith.constant 0 : i32
    %dma_start3A_85 = tpu.memref_slice %arg8[%dma_start3A_81, %dma_start3A_83, %dma_start3A_84] : memref<2x128x128xf32, #tpu.memory_space<vmem>> -> memref<1x128x128xf32, #tpu.memory_space<vmem>>
    %dma_start3A_86 = tpu.memref_squeeze %dma_start3A_85 : memref<1x128x128xf32, #tpu.memory_space<vmem>> -> memref<128x128xf32, #tpu.memory_space<vmem>>
    %dma_start3A_87 = arith.constant 0 : i32
    %dma_start3A_88 = tpu.memref_slice %arg6[%dma_start3A_80, %dma_start3A_87] : memref<40x128xi32, #tpu.memory_space<vmem>> -> memref<1x128xi32, #tpu.memory_space<vmem>>
    %dma_start3A_89 = tpu.memref_squeeze %dma_start3A_88 : memref<1x128xi32, #tpu.memory_space<vmem>> -> memref<128xi32, #tpu.memory_space<vmem>>
    %dma_start3A_90 = arith.constant 0 : i32
    %dma_start3A_91 = arith.constant 0 : i32
    %dma_start3A_92 = tpu.memref_slice %arg2[%dma_start3A_90, %dma_start3A_91] : memref<10000x128xf32, #tpu.memory_space<hbm>> -> memref<10000x128xf32, #tpu.memory_space<hbm>>
    %dma_start3A_93 = tpu.memref_slice %arg10[%dma_start3A_82] : memref<2x!tpu.dma_semaphore, #tpu.memory_space<semaphore_mem>> -> memref<1x!tpu.dma_semaphore, #tpu.memory_space<semaphore_mem>>
    %dma_start3A_94 = tpu.memref_squeeze %dma_start3A_93 : memref<1x!tpu.dma_semaphore, #tpu.memory_space<semaphore_mem>> -> memref<!tpu.dma_semaphore, #tpu.memory_space<semaphore_mem>>
    tpu.enqueue_indirect_dma source(%dma_start3A_92 : memref<10000x128xf32, #tpu.memory_space<hbm>>) target(%dma_start3A_86 : memref<128x128xf32, #tpu.memory_space<vmem>>) offsets(%dma_start3A_89 : memref<128xi32, #tpu.memory_space<vmem>>) semaphore(%dma_start3A_94 : memref<!tpu.dma_semaphore, #tpu.memory_space<semaphore_mem>>)
    %scan3A_95 = arith.constant 0 : i32
    %scan3A_96 = arith.constant 0 : i32
    %scan3A_97 = arith.constant 40 : i32
    %scan3A_98 = arith.addi %scan3A_96, %scan3A_97 : i32
    %scan3A_99 = arith.constant 1 : i32
    scf.for %scan3A_136 = %scan3A_96 to %scan3A_98 step %scan3A_99  : i32 {
      %rem3A = arith.constant 2 : i32
      %rem3A_137 = arith.remsi %scan3A_136, %rem3A : i32
      %add3A_138 = arith.constant 1 : i32
      %add3A_139 = arith.addi %scan3A_136, %add3A_138 : i32
      %rem3A_140 = arith.constant 2 : i32
      %rem3A_141 = arith.remsi %add3A_139, %rem3A_140 : i32
      %add3A_142 = arith.constant 1 : i32
      %add3A_143 = arith.addi %scan3A_136, %add3A_142 : i32
      %lt3A = arith.constant 40 : i32
      %lt3A_144 = arith.cmpi slt, %add3A_143, %lt3A : i32
      %convert_element_type3A = arith.extui %lt3A_144 : i1 to i32
      %cond3A = arith.constant 0 : i32
      %cond3A_145 = arith.cmpi ne, %convert_element_type3A, %cond3A : i32
      scf.if %cond3A_145 {
        %ge3A = arith.constant 1 : i32
        %ge3A_170 = arith.cmpi sge, %scan3A_136, %ge3A : i32
        %convert_element_type3A_171 = arith.extui %ge3A_170 : i1 to i32
        %cond3A_172 = arith.constant 0 : i32
        %cond3A_173 = arith.cmpi ne, %convert_element_type3A_171, %cond3A_172 : i32
        scf.if %cond3A_173 {
          %dma_wait3A_188 = arith.constant 0 : i32
          %dma_wait3A_189 = arith.constant 0 : i32
          %dma_wait3A_190 = tpu.memref_slice %arg8[%rem3A_141, %dma_wait3A_188, %dma_wait3A_189] : memref<2x128x128xf32, #tpu.memory_space<vmem>> -> memref<1x128x128xf32, #tpu.memory_space<vmem>>
          %dma_wait3A_191 = tpu.memref_squeeze %dma_wait3A_190 : memref<1x128x128xf32, #tpu.memory_space<vmem>> -> memref<128x128xf32, #tpu.memory_space<vmem>>
          %dma_wait3A_192 = arith.constant 0 : i32
          %dma_wait3A_193 = tpu.memref_slice %arg7[%scan3A_136, %dma_wait3A_192] : memref<40x128xi32, #tpu.memory_space<vmem>> -> memref<1x128xi32, #tpu.memory_space<vmem>>
          %dma_wait3A_194 = tpu.memref_squeeze %dma_wait3A_193 : memref<1x128xi32, #tpu.memory_space<vmem>> -> memref<128xi32, #tpu.memory_space<vmem>>
          %dma_wait3A_195 = arith.constant 0 : i32
          %dma_wait3A_196 = arith.constant 0 : i32
          %dma_wait3A_197 = tpu.memref_slice %arg9[%dma_wait3A_195, %dma_wait3A_196] : memref<10112x128xf32, #tpu.memory_space<vmem_shared>> -> memref<10112x128xf32, #tpu.memory_space<vmem_shared>>
          %dma_wait3A_198 = tpu.memref_slice %arg11[%rem3A_141] : memref<2x!tpu.dma_semaphore, #tpu.memory_space<semaphore_mem>> -> memref<1x!tpu.dma_semaphore, #tpu.memory_space<semaphore_mem>>
          %dma_wait3A_199 = tpu.memref_squeeze %dma_wait3A_198 : memref<1x!tpu.dma_semaphore, #tpu.memory_space<semaphore_mem>> -> memref<!tpu.dma_semaphore, #tpu.memory_space<semaphore_mem>>
          tpu.wait_indirect_dma semaphore(%dma_wait3A_199 : memref<!tpu.dma_semaphore, #tpu.memory_space<semaphore_mem>>) src(%dma_wait3A_191 : memref<128x128xf32, #tpu.memory_space<vmem>>) dst(%dma_wait3A_197 : memref<10112x128xf32, #tpu.memory_space<vmem_shared>>)
        } else {
        }
        %add3A_174 = arith.constant 1 : i32
        %add3A_175 = arith.addi %scan3A_136, %add3A_174 : i32
        %dma_start3A_176 = arith.constant 0 : i32
        %dma_start3A_177 = arith.constant 0 : i32
        %dma_start3A_178 = tpu.memref_slice %arg8[%rem3A_141, %dma_start3A_176, %dma_start3A_177] : memref<2x128x128xf32, #tpu.memory_space<vmem>> -> memref<1x128x128xf32, #tpu.memory_space<vmem>>
        %dma_start3A_179 = tpu.memref_squeeze %dma_start3A_178 : memref<1x128x128xf32, #tpu.memory_space<vmem>> -> memref<128x128xf32, #tpu.memory_space<vmem>>
        %dma_start3A_180 = arith.constant 0 : i32
        %dma_start3A_181 = tpu.memref_slice %arg6[%add3A_175, %dma_start3A_180] : memref<40x128xi32, #tpu.memory_space<vmem>> -> memref<1x128xi32, #tpu.memory_space<vmem>>
        %dma_start3A_182 = tpu.memref_squeeze %dma_start3A_181 : memref<1x128xi32, #tpu.memory_space<vmem>> -> memref<128xi32, #tpu.memory_space<vmem>>
        %dma_start3A_183 = arith.constant 0 : i32
        %dma_start3A_184 = arith.constant 0 : i32
        %dma_start3A_185 = tpu.memref_slice %arg2[%dma_start3A_183, %dma_start3A_184] : memref<10000x128xf32, #tpu.memory_space<hbm>> -> memref<10000x128xf32, #tpu.memory_space<hbm>>
        %dma_start3A_186 = tpu.memref_slice %arg10[%rem3A_141] : memref<2x!tpu.dma_semaphore, #tpu.memory_space<semaphore_mem>> -> memref<1x!tpu.dma_semaphore, #tpu.memory_space<semaphore_mem>>
        %dma_start3A_187 = tpu.memref_squeeze %dma_start3A_186 : memref<1x!tpu.dma_semaphore, #tpu.memory_space<semaphore_mem>> -> memref<!tpu.dma_semaphore, #tpu.memory_space<semaphore_mem>>
        tpu.enqueue_indirect_dma source(%dma_start3A_185 : memref<10000x128xf32, #tpu.memory_space<hbm>>) target(%dma_start3A_179 : memref<128x128xf32, #tpu.memory_space<vmem>>) offsets(%dma_start3A_182 : memref<128xi32, #tpu.memory_space<vmem>>) semaphore(%dma_start3A_187 : memref<!tpu.dma_semaphore, #tpu.memory_space<semaphore_mem>>)
      } else {
      }
      %dma_wait3A_146 = arith.constant 0 : i32
      %dma_wait3A_147 = arith.constant 0 : i32
      %dma_wait3A_148 = tpu.memref_slice %arg8[%rem3A_137, %dma_wait3A_146, %dma_wait3A_147] : memref<2x128x128xf32, #tpu.memory_space<vmem>> -> memref<1x128x128xf32, #tpu.memory_space<vmem>>
      %dma_wait3A_149 = tpu.memref_squeeze %dma_wait3A_148 : memref<1x128x128xf32, #tpu.memory_space<vmem>> -> memref<128x128xf32, #tpu.memory_space<vmem>>
      %dma_wait3A_150 = arith.constant 0 : i32
      %dma_wait3A_151 = tpu.memref_slice %arg6[%scan3A_136, %dma_wait3A_150] : memref<40x128xi32, #tpu.memory_space<vmem>> -> memref<1x128xi32, #tpu.memory_space<vmem>>
      %dma_wait3A_152 = tpu.memref_squeeze %dma_wait3A_151 : memref<1x128xi32, #tpu.memory_space<vmem>> -> memref<128xi32, #tpu.memory_space<vmem>>
      %dma_wait3A_153 = arith.constant 0 : i32
      %dma_wait3A_154 = arith.constant 0 : i32
      %dma_wait3A_155 = tpu.memref_slice %arg2[%dma_wait3A_153, %dma_wait3A_154] : memref<10000x128xf32, #tpu.memory_space<hbm>> -> memref<10000x128xf32, #tpu.memory_space<hbm>>
      %dma_wait3A_156 = tpu.memref_slice %arg10[%rem3A_137] : memref<2x!tpu.dma_semaphore, #tpu.memory_space<semaphore_mem>> -> memref<1x!tpu.dma_semaphore, #tpu.memory_space<semaphore_mem>>
      %dma_wait3A_157 = tpu.memref_squeeze %dma_wait3A_156 : memref<1x!tpu.dma_semaphore, #tpu.memory_space<semaphore_mem>> -> memref<!tpu.dma_semaphore, #tpu.memory_space<semaphore_mem>>
      tpu.wait_indirect_dma semaphore(%dma_wait3A_157 : memref<!tpu.dma_semaphore, #tpu.memory_space<semaphore_mem>>) src(%dma_wait3A_155 : memref<10000x128xf32, #tpu.memory_space<hbm>>) dst(%dma_wait3A_149 : memref<128x128xf32, #tpu.memory_space<vmem>>)
      %dma_start3A_158 = arith.constant 0 : i32
      %dma_start3A_159 = arith.constant 0 : i32
      %dma_start3A_160 = tpu.memref_slice %arg8[%rem3A_137, %dma_start3A_158, %dma_start3A_159] : memref<2x128x128xf32, #tpu.memory_space<vmem>> -> memref<1x128x128xf32, #tpu.memory_space<vmem>>
      %dma_start3A_161 = tpu.memref_squeeze %dma_start3A_160 : memref<1x128x128xf32, #tpu.memory_space<vmem>> -> memref<128x128xf32, #tpu.memory_space<vmem>>
      %dma_start3A_162 = arith.constant 0 : i32
      %dma_start3A_163 = tpu.memref_slice %arg7[%scan3A_136, %dma_start3A_162] : memref<40x128xi32, #tpu.memory_space<vmem>> -> memref<1x128xi32, #tpu.memory_space<vmem>>
      %dma_start3A_164 = tpu.memref_squeeze %dma_start3A_163 : memref<1x128xi32, #tpu.memory_space<vmem>> -> memref<128xi32, #tpu.memory_space<vmem>>
      %dma_start3A_165 = arith.constant 0 : i32
      %dma_start3A_166 = arith.constant 0 : i32
      %dma_start3A_167 = tpu.memref_slice %arg9[%dma_start3A_165, %dma_start3A_166] : memref<10112x128xf32, #tpu.memory_space<vmem_shared>> -> memref<10112x128xf32, #tpu.memory_space<vmem_shared>>
      %dma_start3A_168 = tpu.memref_slice %arg11[%rem3A_137] : memref<2x!tpu.dma_semaphore, #tpu.memory_space<semaphore_mem>> -> memref<1x!tpu.dma_semaphore, #tpu.memory_space<semaphore_mem>>
      %dma_start3A_169 = tpu.memref_squeeze %dma_start3A_168 : memref<1x!tpu.dma_semaphore, #tpu.memory_space<semaphore_mem>> -> memref<!tpu.dma_semaphore, #tpu.memory_space<semaphore_mem>>
      tpu.enqueue_indirect_dma source(%dma_start3A_161 : memref<128x128xf32, #tpu.memory_space<vmem>>) target(%dma_start3A_167 : memref<10112x128xf32, #tpu.memory_space<vmem_shared>>) offsets(%dma_start3A_164 : memref<128xi32, #tpu.memory_space<vmem>>) semaphore(%dma_start3A_169 : memref<!tpu.dma_semaphore, #tpu.memory_space<semaphore_mem>>) {add = true}
    }
    %scan3A_100 = arith.constant 40 : i32
    %dma_wait3A_101 = arith.constant 0 : i32
    %dma_wait3A_102 = arith.constant 39 : i32
    %dma_wait3A_103 = arith.constant 0 : i32
    %dma_wait3A_104 = arith.constant 0 : i32
    %dma_wait3A_105 = arith.constant 0 : i32
    %dma_wait3A_106 = tpu.memref_slice %arg8[%dma_wait3A_101, %dma_wait3A_104, %dma_wait3A_105] : memref<2x128x128xf32, #tpu.memory_space<vmem>> -> memref<1x128x128xf32, #tpu.memory_space<vmem>>
    %dma_wait3A_107 = tpu.memref_squeeze %dma_wait3A_106 : memref<1x128x128xf32, #tpu.memory_space<vmem>> -> memref<128x128xf32, #tpu.memory_space<vmem>>
    %dma_wait3A_108 = arith.constant 0 : i32
    %dma_wait3A_109 = tpu.memref_slice %arg7[%dma_wait3A_102, %dma_wait3A_108] : memref<40x128xi32, #tpu.memory_space<vmem>> -> memref<1x128xi32, #tpu.memory_space<vmem>>
    %dma_wait3A_110 = tpu.memref_squeeze %dma_wait3A_109 : memref<1x128xi32, #tpu.memory_space<vmem>> -> memref<128xi32, #tpu.memory_space<vmem>>
    %dma_wait3A_111 = arith.constant 0 : i32
    %dma_wait3A_112 = arith.constant 0 : i32
    %dma_wait3A_113 = tpu.memref_slice %arg9[%dma_wait3A_111, %dma_wait3A_112] : memref<10112x128xf32, #tpu.memory_space<vmem_shared>> -> memref<10112x128xf32, #tpu.memory_space<vmem_shared>>
    %dma_wait3A_114 = tpu.memref_slice %arg11[%dma_wait3A_103] : memref<2x!tpu.dma_semaphore, #tpu.memory_space<semaphore_mem>> -> memref<1x!tpu.dma_semaphore, #tpu.memory_space<semaphore_mem>>
    %dma_wait3A_115 = tpu.memref_squeeze %dma_wait3A_114 : memref<1x!tpu.dma_semaphore, #tpu.memory_space<semaphore_mem>> -> memref<!tpu.dma_semaphore, #tpu.memory_space<semaphore_mem>>
    tpu.wait_indirect_dma semaphore(%dma_wait3A_115 : memref<!tpu.dma_semaphore, #tpu.memory_space<semaphore_mem>>) src(%dma_wait3A_107 : memref<128x128xf32, #tpu.memory_space<vmem>>) dst(%dma_wait3A_113 : memref<10112x128xf32, #tpu.memory_space<vmem_shared>>)
    %dma_wait3A_116 = arith.constant 1 : i32
    %dma_wait3A_117 = arith.constant 39 : i32
    %dma_wait3A_118 = arith.constant 1 : i32
    %dma_wait3A_119 = arith.constant 0 : i32
    %dma_wait3A_120 = arith.constant 0 : i32
    %dma_wait3A_121 = tpu.memref_slice %arg8[%dma_wait3A_116, %dma_wait3A_119, %dma_wait3A_120] : memref<2x128x128xf32, #tpu.memory_space<vmem>> -> memref<1x128x128xf32, #tpu.memory_space<vmem>>
    %dma_wait3A_122 = tpu.memref_squeeze %dma_wait3A_121 : memref<1x128x128xf32, #tpu.memory_space<vmem>> -> memref<128x128xf32, #tpu.memory_space<vmem>>
    %dma_wait3A_123 = arith.constant 0 : i32
    %dma_wait3A_124 = tpu.memref_slice %arg7[%dma_wait3A_117, %dma_wait3A_123] : memref<40x128xi32, #tpu.memory_space<vmem>> -> memref<1x128xi32, #tpu.memory_space<vmem>>
    %dma_wait3A_125 = tpu.memref_squeeze %dma_wait3A_124 : memref<1x128xi32, #tpu.memory_space<vmem>> -> memref<128xi32, #tpu.memory_space<vmem>>
    %dma_wait3A_126 = arith.constant 0 : i32
    %dma_wait3A_127 = arith.constant 0 : i32
    %dma_wait3A_128 = tpu.memref_slice %arg9[%dma_wait3A_126, %dma_wait3A_127] : memref<10112x128xf32, #tpu.memory_space<vmem_shared>> -> memref<10112x128xf32, #tpu.memory_space<vmem_shared>>
    %dma_wait3A_129 = tpu.memref_slice %arg11[%dma_wait3A_118] : memref<2x!tpu.dma_semaphore, #tpu.memory_space<semaphore_mem>> -> memref<1x!tpu.dma_semaphore, #tpu.memory_space<semaphore_mem>>
    %dma_wait3A_130 = tpu.memref_squeeze %dma_wait3A_129 : memref<1x!tpu.dma_semaphore, #tpu.memory_space<semaphore_mem>> -> memref<!tpu.dma_semaphore, #tpu.memory_space<semaphore_mem>>
    tpu.wait_indirect_dma semaphore(%dma_wait3A_130 : memref<!tpu.dma_semaphore, #tpu.memory_space<semaphore_mem>>) src(%dma_wait3A_122 : memref<128x128xf32, #tpu.memory_space<vmem>>) dst(%dma_wait3A_128 : memref<10112x128xf32, #tpu.memory_space<vmem_shared>>)
    %barrier3A_131 = arith.constant 0 : index
    tpu.barrier barrier_id(%barrier3A_131)
    %mul3A_132 = arith.constant 632 : i32
    %mul3A_133 = arith.muli %arg1, %mul3A_132 : i32
    %mul3A_134 = arith.constant 632 : i32
    %mul3A_135 = arith.muli %arg1, %mul3A_134 : i32
    "tpu.region"() ({
      %run_scoped3A_136 = tpu.sem_alloc : memref<!tpu.dma_semaphore, #tpu.memory_space<semaphore_mem>>
      %dma_start3A_137 = arith.constant 0 : i32
      %dma_start3A_138 = tpu.memref_slice %arg5[%arg0, %mul3A_135, %dma_start3A_137] : memref<2x10112x128xf32, #tpu.memory_space<hbm>> -> memref<1x632x128xf32, #tpu.memory_space<hbm>>
      %dma_start3A_139 = tpu.memref_squeeze %dma_start3A_138 : memref<1x632x128xf32, #tpu.memory_space<hbm>> -> memref<632x128xf32, #tpu.memory_space<hbm>>
      %dma_start3A_140 = arith.constant 0 : i32
      %dma_start3A_141 = tpu.memref_slice %arg9[%mul3A_133, %dma_start3A_140] : memref<10112x128xf32, #tpu.memory_space<vmem_shared>> -> memref<632x128xf32, #tpu.memory_space<vmem_shared>>
      tpu.enqueue_dma source(%dma_start3A_141 : memref<632x128xf32, #tpu.memory_space<vmem_shared>>) target(%dma_start3A_139 : memref<632x128xf32, #tpu.memory_space<hbm>>) target_semaphore(%run_scoped3A_136 : memref<!tpu.dma_semaphore, #tpu.memory_space<semaphore_mem>>)
      %dma_wait3A_142 = arith.constant 0 : i32
      %dma_wait3A_143 = tpu.memref_slice %arg5[%arg0, %mul3A_135, %dma_wait3A_142] : memref<2x10112x128xf32, #tpu.memory_space<hbm>> -> memref<1x632x128xf32, #tpu.memory_space<hbm>>
      %dma_wait3A_144 = tpu.memref_squeeze %dma_wait3A_143 : memref<1x632x128xf32, #tpu.memory_space<hbm>> -> memref<632x128xf32, #tpu.memory_space<hbm>>
      %dma_wait3A_145 = arith.constant 0 : i32
      %dma_wait3A_146 = tpu.memref_slice %arg9[%mul3A_133, %dma_wait3A_145] : memref<10112x128xf32, #tpu.memory_space<vmem_shared>> -> memref<632x128xf32, #tpu.memory_space<vmem_shared>>
      tpu.wait_dma2 semaphore(%run_scoped3A_136 : memref<!tpu.dma_semaphore, #tpu.memory_space<semaphore_mem>>) src(%dma_wait3A_146 : memref<632x128xf32, #tpu.memory_space<vmem_shared>>) dst(%dma_wait3A_144 : memref<632x128xf32, #tpu.memory_space<hbm>>)
      tpu.yield
    }) : () -> ()
    return
  }
}

module attributes {stable_mosaic.version = 14 : i64} {
  func.func @body(%arg0: i32, %arg1: memref<2000x128xf32, #tpu.memory_space<vmem>>, %arg2: memref<128x128xf32, #tpu.memory_space<vmem>>, %arg3: memref<2000x128xf32, #tpu.memory_space<vmem>>) attributes {dimension_semantics = [#tpu.dimension_semantics<arbitrary>], iteration_bounds = array<i64: 5>, scalar_prefetch = 0 : i64, scratch_operands = 0 : i64, tpu.core_type = #tpu.core_type<tc>, window_params = [{transform_indices = @transform_0, window_bounds = array<i64: 2000, 128>}, {pipeline_mode = #tpu.pipeline_mode<synchronous>, transform_indices = @transform_1, window_bounds = array<i64: 128, 128>}, {transform_indices = @transform_2, window_bounds = array<i64: 2000, 128>}]} {
    %get3A = arith.constant 0 : index
    %get3A_0 = arith.constant 0 : index
    %get3A_1 = vector.load %arg1[%get3A, %get3A_0] : memref<2000x128xf32, #tpu.memory_space<vmem>>, vector<2000x128xf32>
    %get3A_2 = arith.constant 0 : index
    %get3A_3 = arith.constant 0 : index
    %get3A_4 = vector.load %arg2[%get3A_2, %get3A_3] : memref<128x128xf32, #tpu.memory_space<vmem>>, vector<128x128xf32>
    %dot_general3A = arith.constant dense<0.000000e+00> : vector<2000x128xf32>
    %dot_general3A_5 = tpu.matmul %get3A_1, %get3A_4, %dot_general3A {dimension_numbers = #tpu.dot_dimension_numbers<[1], [0], [0], [1], [0, 0, 1, 1], [], []>, transpose_lhs_hint = false} : vector<2000x128xf32>, vector<128x128xf32>, vector<2000x128xf32> -> vector<2000x128xf32>
    %swap3A = arith.constant 0 : index
    %swap3A_6 = arith.constant 0 : index
    %swap3A_7 = vector.load %arg3[%swap3A, %swap3A_6] : memref<2000x128xf32, #tpu.memory_space<vmem>>, vector<2000x128xf32>
    tpu.vector_store %arg3[%swap3A, %swap3A_6], %dot_general3A_5 {strides = array<i32>} : memref<2000x128xf32, #tpu.memory_space<vmem>>, vector<2000x128xf32>,
    return
  }
  func.func @transform_0(%arg0: i32) -> (i32, i32) {
    %c0_i32 = arith.constant 0 : i32
    %c0_i32_0 = arith.constant 0 : i32
    return %arg0, %c0_i32 : i32, i32
  }
  func.func @transform_1(%arg0: i32) -> (i32, i32) {
    %c0_i32 = arith.constant 0 : i32
    %c0_i32_0 = arith.constant 0 : i32
    %c0_i32_1 = arith.constant 0 : i32
    return %c0_i32, %c0_i32_0 : i32, i32
  }
  func.func @transform_2(%arg0: i32) -> (i32, i32) {
    %c0_i32 = arith.constant 0 : i32
    %c0_i32_0 = arith.constant 0 : i32
    return %arg0, %c0_i32 : i32, i32
  }
}

module attributes {stable_mosaic.version = 14 : i64} {
  func.func @body(%arg0: i32, %arg1: memref<2000x128xf32, #tpu.memory_space<vmem>>, %arg2: memref<2x2000x128xf32, #tpu.memory_space<vmem>>, %arg3: memref<2000x16xf32, #tpu.memory_space<vmem>>, %arg4: memref<2000x128xf32, #tpu.memory_space<vmem>>) attributes {dimension_semantics = [#tpu.dimension_semantics<arbitrary>], iteration_bounds = array<i64: 5>, scalar_prefetch = 0 : i64, scratch_operands = 0 : i64, tpu.core_type = #tpu.core_type<tc>, window_params = [{transform_indices = @transform_0, window_bounds = array<i64: 2000, 128>}, {transform_indices = @transform_1, window_bounds = array<i64: 2, 2000, 128>}, {transform_indices = @transform_2, window_bounds = array<i64: 2000, 16>}, {transform_indices = @transform_3, window_bounds = array<i64: 2000, 128>}]} {
    %get3A = arith.constant 0 : index
    %get3A_0 = arith.constant 0 : index
    %get3A_1 = arith.constant 0 : index
    %get3A_2 = vector.load %arg2[%get3A, %get3A_0, %get3A_1] : memref<2x2000x128xf32, #tpu.memory_space<vmem>>, vector<1x2000x16xf32>
    %get3A_3 = vector.shape_cast %get3A_2 : vector<1x2000x16xf32> to vector<2000x16xf32>
    %get3A_4 = arith.constant 1 : index
    %get3A_5 = arith.constant 0 : index
    %get3A_6 = arith.constant 0 : index
    %get3A_7 = vector.load %arg2[%get3A_4, %get3A_5, %get3A_6] : memref<2x2000x128xf32, #tpu.memory_space<vmem>>, vector<1x2000x16xf32>
    %get3A_8 = vector.shape_cast %get3A_7 : vector<1x2000x16xf32> to vector<2000x16xf32>
    %add3A = arith.addf %get3A_3, %get3A_8 : vector<2000x16xf32>
    %add3A_9 = arith.constant 1.000000e+00 : f32
    %add3A_10 = vector.broadcast %add3A_9 : f32 to vector<2000x16xf32>
    %add3A_11 = arith.addf %add3A, %add3A_10 : vector<2000x16xf32>
    %rsqrt3A = math.rsqrt %add3A_11 : vector<2000x16xf32>
    %swap3A = arith.constant 0 : index
    %swap3A_12 = arith.constant 0 : index
    %swap3A_13 = vector.load %arg3[%swap3A, %swap3A_12] : memref<2000x16xf32, #tpu.memory_space<vmem>>, vector<2000x16xf32>
    tpu.vector_store %arg3[%swap3A, %swap3A_12], %rsqrt3A {strides = array<i32>} : memref<2000x16xf32, #tpu.memory_space<vmem>>, vector<2000x16xf32>,
    %get3A_14 = arith.constant 0 : index
    %get3A_15 = arith.constant 0 : index
    %get3A_16 = vector.load %arg1[%get3A_14, %get3A_15] : memref<2000x128xf32, #tpu.memory_space<vmem>>, vector<2000x128xf32>
    %slice3A = vector.extract_strided_slice %rsqrt3A {offsets = [0, 0], sizes = [2000, 1], strides = [1, 1]} : vector<2000x16xf32> to vector<2000x1xf32>
    %mul3A = vector.broadcast %slice3A : vector<2000x1xf32> to vector<2000x128xf32>
    %mul3A_17 = arith.mulf %get3A_16, %mul3A : vector<2000x128xf32>
    %swap3A_18 = arith.constant 0 : index
    %swap3A_19 = arith.constant 0 : index
    %swap3A_20 = vector.load %arg4[%swap3A_18, %swap3A_19] : memref<2000x128xf32, #tpu.memory_space<vmem>>, vector<2000x128xf32>
    tpu.vector_store %arg4[%swap3A_18, %swap3A_19], %mul3A_17 {strides = array<i32>} : memref<2000x128xf32, #tpu.memory_space<vmem>>, vector<2000x128xf32>,
    return
  }
  func.func @transform_0(%arg0: i32) -> (i32, i32) {
    %c0_i32 = arith.constant 0 : i32
    %c0_i32_0 = arith.constant 0 : i32
    return %arg0, %c0_i32 : i32, i32
  }
  func.func @transform_1(%arg0: i32) -> (i32, i32, i32) {
    %c0_i32 = arith.constant 0 : i32
    %c0_i32_0 = arith.constant 0 : i32
    %c0_i32_1 = arith.constant 0 : i32
    return %c0_i32, %arg0, %c0_i32_0 : i32, i32, i32
  }
  func.func @transform_2(%arg0: i32) -> (i32, i32) {
    %c0_i32 = arith.constant 0 : i32
    %c0_i32_0 = arith.constant 0 : i32
    return %arg0, %c0_i32 : i32, i32
  }
  func.func @transform_3(%arg0: i32) -> (i32, i32) {
    %c0_i32 = arith.constant 0 : i32
    %c0_i32_0 = arith.constant 0 : i32
    return %arg0, %c0_i32 : i32, i32
  }
}

module attributes {stable_mosaic.version = 14 : i64} {
  func.func @body(%arg0: i32, %arg1: memref<2x2000x128xf32, #tpu.memory_space<vmem>>, %arg2: memref<2000x128xf32, #tpu.memory_space<vmem>>, %arg3: memref<2000x16xf32, #tpu.memory_space<vmem>>, %arg4: memref<128xf32, #tpu.memory_space<vmem>>, %arg5: memref<128x128xf32, #tpu.memory_space<vmem>>, %arg6: memref<2000x128xf32, #tpu.memory_space<vmem>>) attributes {dimension_semantics = [#tpu.dimension_semantics<arbitrary>], iteration_bounds = array<i64: 5>, scalar_prefetch = 0 : i64, scratch_operands = 0 : i64, tpu.core_type = #tpu.core_type<tc>, window_params = [{transform_indices = @transform_0, window_bounds = array<i64: 2, 2000, 128>}, {transform_indices = @transform_1, window_bounds = array<i64: 2000, 128>}, {transform_indices = @transform_2, window_bounds = array<i64: 2000, 16>}, {pipeline_mode = #tpu.pipeline_mode<synchronous>, transform_indices = @transform_3, window_bounds = array<i64: 128>}, {pipeline_mode = #tpu.pipeline_mode<synchronous>, transform_indices = @transform_4, window_bounds = array<i64: 128, 128>}, {transform_indices = @transform_5, window_bounds = array<i64: 2000, 128>}]} {
    %get3A = arith.constant 0 : index
    %get3A_0 = arith.constant 0 : index
    %get3A_1 = vector.load %arg3[%get3A, %get3A_0] : memref<2000x16xf32, #tpu.memory_space<vmem>>, vector<2000x16xf32>
    %slice3A = vector.extract_strided_slice %get3A_1 {offsets = [0, 0], sizes = [2000, 1], strides = [1, 1]} : vector<2000x16xf32> to vector<2000x1xf32>
    %get3A_2 = arith.constant 0 : index
    %get3A_3 = arith.constant 0 : index
    %get3A_4 = arith.constant 0 : index
    %get3A_5 = vector.load %arg1[%get3A_2, %get3A_3, %get3A_4] : memref<2x2000x128xf32, #tpu.memory_space<vmem>>, vector<1x2000x128xf32>
    %get3A_6 = vector.shape_cast %get3A_5 : vector<1x2000x128xf32> to vector<2000x128xf32>
    %get3A_7 = arith.constant 1 : index
    %get3A_8 = arith.constant 0 : index
    %get3A_9 = arith.constant 0 : index
    %get3A_10 = vector.load %arg1[%get3A_7, %get3A_8, %get3A_9] : memref<2x2000x128xf32, #tpu.memory_space<vmem>>, vector<1x2000x128xf32>
    %get3A_11 = vector.shape_cast %get3A_10 : vector<1x2000x128xf32> to vector<2000x128xf32>
    %add3A = arith.addf %get3A_6, %get3A_11 : vector<2000x128xf32>
    %get3A_12 = arith.constant 0 : index
    %get3A_13 = arith.constant 0 : index
    %get3A_14 = vector.load %arg2[%get3A_12, %get3A_13] : memref<2000x128xf32, #tpu.memory_space<vmem>>, vector<2000x128xf32>
    %add3A_15 = arith.addf %add3A, %get3A_14 : vector<2000x128xf32>
    %mul3A = vector.broadcast %slice3A : vector<2000x1xf32> to vector<2000x128xf32>
    %mul3A_16 = arith.mulf %add3A_15, %mul3A : vector<2000x128xf32>
    %get3A_17 = arith.constant 0 : index
    %get3A_18 = vector.load %arg4[%get3A_17] : memref<128xf32, #tpu.memory_space<vmem>>, vector<128xf32>
    %broadcast_in_dim3A = vector.shape_cast %get3A_18 : vector<128xf32> to vector<1x128xf32>
    %add3A_19 = vector.broadcast %broadcast_in_dim3A : vector<1x128xf32> to vector<2000x128xf32>
    %add3A_20 = arith.addf %mul3A_16, %add3A_19 : vector<2000x128xf32>
    %max3A = arith.constant 0.000000e+00 : f32
    %max3A_21 = vector.broadcast %max3A : f32 to vector<2000x128xf32>
    %max3A_22 = arith.maximumf %add3A_20, %max3A_21 : vector<2000x128xf32>
    %get3A_23 = arith.constant 0 : index
    %get3A_24 = arith.constant 0 : index
    %get3A_25 = vector.load %arg5[%get3A_23, %get3A_24] : memref<128x128xf32, #tpu.memory_space<vmem>>, vector<128x128xf32>
    %dot_general3A = arith.constant dense<0.000000e+00> : vector<2000x128xf32>
    %dot_general3A_26 = tpu.matmul %max3A_22, %get3A_25, %dot_general3A {dimension_numbers = #tpu.dot_dimension_numbers<[1], [0], [0], [1], [0, 0, 1, 1], [], []>, transpose_lhs_hint = false} : vector<2000x128xf32>, vector<128x128xf32>, vector<2000x128xf32> -> vector<2000x128xf32>
    %mul3A_27 = vector.broadcast %slice3A : vector<2000x1xf32> to vector<2000x128xf32>
    %mul3A_28 = arith.mulf %dot_general3A_26, %mul3A_27 : vector<2000x128xf32>
    %swap3A = arith.constant 0 : index
    %swap3A_29 = arith.constant 0 : index
    %swap3A_30 = vector.load %arg6[%swap3A, %swap3A_29] : memref<2000x128xf32, #tpu.memory_space<vmem>>, vector<2000x128xf32>
    tpu.vector_store %arg6[%swap3A, %swap3A_29], %mul3A_28 {strides = array<i32>} : memref<2000x128xf32, #tpu.memory_space<vmem>>, vector<2000x128xf32>,
    return
  }
  func.func @transform_0(%arg0: i32) -> (i32, i32, i32) {
    %c0_i32 = arith.constant 0 : i32
    %c0_i32_0 = arith.constant 0 : i32
    %c0_i32_1 = arith.constant 0 : i32
    return %c0_i32, %arg0, %c0_i32_0 : i32, i32, i32
  }
  func.func @transform_1(%arg0: i32) -> (i32, i32) {
    %c0_i32 = arith.constant 0 : i32
    %c0_i32_0 = arith.constant 0 : i32
    return %arg0, %c0_i32 : i32, i32
  }
  func.func @transform_2(%arg0: i32) -> (i32, i32) {
    %c0_i32 = arith.constant 0 : i32
    %c0_i32_0 = arith.constant 0 : i32
    return %arg0, %c0_i32 : i32, i32
  }
  func.func @transform_3(%arg0: i32) -> i32 {
    %c0_i32 = arith.constant 0 : i32
    %c0_i32_0 = arith.constant 0 : i32
    return %c0_i32 : i32
  }
  func.func @transform_4(%arg0: i32) -> (i32, i32) {
    %c0_i32 = arith.constant 0 : i32
    %c0_i32_0 = arith.constant 0 : i32
    %c0_i32_1 = arith.constant 0 : i32
    return %c0_i32, %c0_i32_0 : i32, i32
  }
  func.func @transform_5(%arg0: i32) -> (i32, i32) {
    %c0_i32 = arith.constant 0 : i32
    %c0_i32_0 = arith.constant 0 : i32
    return %arg0, %c0_i32 : i32, i32
  }
}

module attributes {stable_mosaic.version = 14 : i64} {
  func.func @body(%arg0: i32, %arg1: memref<2x2000x128xf32, #tpu.memory_space<vmem>>, %arg2: memref<2000x128xf32, #tpu.memory_space<vmem>>, %arg3: memref<2000x16xf32, #tpu.memory_space<vmem>>, %arg4: memref<128xf32, #tpu.memory_space<vmem>>, %arg5: memref<2000x128xf32, #tpu.memory_space<vmem>>) attributes {dimension_semantics = [#tpu.dimension_semantics<arbitrary>], iteration_bounds = array<i64: 5>, scalar_prefetch = 0 : i64, scratch_operands = 0 : i64, tpu.core_type = #tpu.core_type<tc>, window_params = [{transform_indices = @transform_0, window_bounds = array<i64: 2, 2000, 128>}, {transform_indices = @transform_1, window_bounds = array<i64: 2000, 128>}, {transform_indices = @transform_2, window_bounds = array<i64: 2000, 16>}, {pipeline_mode = #tpu.pipeline_mode<synchronous>, transform_indices = @transform_3, window_bounds = array<i64: 128>}, {transform_indices = @transform_4, window_bounds = array<i64: 2000, 128>}]} {
    %get3A = arith.constant 0 : index
    %get3A_0 = arith.constant 0 : index
    %get3A_1 = vector.load %arg3[%get3A, %get3A_0] : memref<2000x16xf32, #tpu.memory_space<vmem>>, vector<2000x16xf32>
    %slice3A = vector.extract_strided_slice %get3A_1 {offsets = [0, 0], sizes = [2000, 1], strides = [1, 1]} : vector<2000x16xf32> to vector<2000x1xf32>
    %get3A_2 = arith.constant 0 : index
    %get3A_3 = arith.constant 0 : index
    %get3A_4 = arith.constant 0 : index
    %get3A_5 = vector.load %arg1[%get3A_2, %get3A_3, %get3A_4] : memref<2x2000x128xf32, #tpu.memory_space<vmem>>, vector<1x2000x128xf32>
    %get3A_6 = vector.shape_cast %get3A_5 : vector<1x2000x128xf32> to vector<2000x128xf32>
    %get3A_7 = arith.constant 1 : index
    %get3A_8 = arith.constant 0 : index
    %get3A_9 = arith.constant 0 : index
    %get3A_10 = vector.load %arg1[%get3A_7, %get3A_8, %get3A_9] : memref<2x2000x128xf32, #tpu.memory_space<vmem>>, vector<1x2000x128xf32>
    %get3A_11 = vector.shape_cast %get3A_10 : vector<1x2000x128xf32> to vector<2000x128xf32>
    %add3A = arith.addf %get3A_6, %get3A_11 : vector<2000x128xf32>
    %get3A_12 = arith.constant 0 : index
    %get3A_13 = arith.constant 0 : index
    %get3A_14 = vector.load %arg2[%get3A_12, %get3A_13] : memref<2000x128xf32, #tpu.memory_space<vmem>>, vector<2000x128xf32>
    %add3A_15 = arith.addf %add3A, %get3A_14 : vector<2000x128xf32>
    %mul3A = vector.broadcast %slice3A : vector<2000x1xf32> to vector<2000x128xf32>
    %mul3A_16 = arith.mulf %add3A_15, %mul3A : vector<2000x128xf32>
    %get3A_17 = arith.constant 0 : index
    %get3A_18 = vector.load %arg4[%get3A_17] : memref<128xf32, #tpu.memory_space<vmem>>, vector<128xf32>
    %broadcast_in_dim3A = vector.shape_cast %get3A_18 : vector<128xf32> to vector<1x128xf32>
    %add3A_19 = vector.broadcast %broadcast_in_dim3A : vector<1x128xf32> to vector<2000x128xf32>
    %add3A_20 = arith.addf %mul3A_16, %add3A_19 : vector<2000x128xf32>
    %swap3A = arith.constant 0 : index
    %swap3A_21 = arith.constant 0 : index
    %swap3A_22 = vector.load %arg5[%swap3A, %swap3A_21] : memref<2000x128xf32, #tpu.memory_space<vmem>>, vector<2000x128xf32>
    tpu.vector_store %arg5[%swap3A, %swap3A_21], %add3A_20 {strides = array<i32>} : memref<2000x128xf32, #tpu.memory_space<vmem>>, vector<2000x128xf32>,
    return
  }
  func.func @transform_0(%arg0: i32) -> (i32, i32, i32) {
    %c0_i32 = arith.constant 0 : i32
    %c0_i32_0 = arith.constant 0 : i32
    %c0_i32_1 = arith.constant 0 : i32
    return %c0_i32, %arg0, %c0_i32_0 : i32, i32, i32
  }
  func.func @transform_1(%arg0: i32) -> (i32, i32) {
    %c0_i32 = arith.constant 0 : i32
    %c0_i32_0 = arith.constant 0 : i32
    return %arg0, %c0_i32 : i32, i32
  }
  func.func @transform_2(%arg0: i32) -> (i32, i32) {
    %c0_i32 = arith.constant 0 : i32
    %c0_i32_0 = arith.constant 0 : i32
    return %arg0, %c0_i32 : i32, i32
  }
  func.func @transform_3(%arg0: i32) -> i32 {
    %c0_i32 = arith.constant 0 : i32
    %c0_i32_0 = arith.constant 0 : i32
    return %c0_i32 : i32
  }
  func.func @transform_4(%arg0: i32) -> (i32, i32) {
    %c0_i32 = arith.constant 0 : i32
    %c0_i32_0 = arith.constant 0 : i32
    return %arg0, %c0_i32 : i32, i32
  }
}

</mosaic_0001>

<sc_bundles>
// kernel: kernel.12.cloned.1.call-start
scs
__scs_entry_jumppad:
0x0: {  	(pc) =	sbr.rel $0x88, $3  }
0x1: {  	(tag) =	ssettag $0x0;
	lr =	simm.s32 $0x1  }
0x2: {  	[smem:$0x3F9B] =	sst lr;
	_ =	strace $0xD0000000  }
0x3: {  	_ = 	snop  }
0x4: {  	_ = 	snop  }
0x5: {  	_ = 	snop  }
0x6: {  	_ = 	snop  }
0x7: {  	_ = 	snop  }
__scs_overlays_trampoline_lowered:
0x8: {  	[smem:$0x3FAA] =	sst s0  }
0x9: {  	[smem:$0x3FAB] =	sst s1  }
0xa: {  	[smem:$0x3FAC] =	sst s2  }
0xb: {  	[smem:$0x3FAD] =	sst s3  }
0xc: {  	[smem:$0x3FAE] =	sst s4  }
0xd: {  	[smem:$0x3FAF] =	sst s5  }
0xe: {  	[smem:$0x3FB0] =	sst s6  }
0xf: {  	[smem:$0x3FB1] =	sst s7  }
0x10: {  	[smem:$0x3FB2] =	sst s8  }
0x11: {  	[smem:$0x3FB3] =	sst s9;
	s0 =	simm.s32 @!p0 $0x0  }
0x12: {  	s1 =	sld [smem:$0x3F99];
	s0 =	simm.s32 @p0 $0x1  }
0x13: {  	[smem:$0x3FB4] =	sst s0;
	s0 =	simm.s32 @!p1 $0x0  }
0x14: {  	s2 =	sld [smem:$0x3F98];
	s0 =	simm.s32 @p1 $0x1  }
0x15: {  	[smem:$0x3FB5] =	sst s0;
	s0 =	simm.s32 @!p2 $0x0  }
0x16: {  	s3 =	sld [smem:$0x3FDB];
	s0 =	simm.s32 @p2 $0x1  }
0x17: {  	s4 =	simm.s32 $0x1BF5;
	[smem:$0x3FB7] =	sst s0  }
0x18: {  	s0 =	sld [smem:$0x3F9A];
	_ =	swait.ge [sflag:s4], $0x0  }
0x19: {  	s7 =	sld [smem:$0x3F9B]  }
0x1a: {  	s8 =	sadd.s32 $0xFFFFE003, lr  }
0x1b: {  	s9 =	sadd.s32 $0xFFFFFEF7, lr;
	s5 =	simm.s32 $0xFFFFFFFF;
	p2 =	slt.u32 s8, $0xFFFFF086  }
0x1c: {  	p1 =	slt.u32 s9, $0xF7A;
	s5 =	simm.s32 @!p2 $0x0  }
0x1d: {  	s5 =	simm.s32 @p1 $0x1;
	p0 =	seq.s32 s7, s2  }
0x1e: {  	s7 =	smul.u32 @!p0 $0xF7A, s2;
	p2 =	seq.s32 @!p0 s5, $0x0  }
0x1f: {  	s9 =	smul.u32 $0xF7A, s1;
	s8 =	simm.s32 @!p0 $0x1BF5;
	p2 =	por !p2, p0  }
0x20: {  	[sflag:s8] =	ssyncset.s32 @!p0 $0xFFFFF086;
	s6 =	sadd.s32 @!p0 s3, s7;
	s7 =	simm.s32 @!p0 $0x108  }
0x21: {  	s3 =	sadd.s32 s3, s9;
	s6 =	sadd.s32 @!p0 $0x88, s6;
	s7 =	simm.s32 @p2 $0x1082  }
0x22: {  	[simem:s7], [sflag:s8] =	dma.local @!p0 [hbm:s6], $0xF7A  }
0x23: {  	s9 =	sor.u32 $0xD0000000, s2;
	s6 =	simm.s32 $0x108;
	_ =	swait.ge @!p0 [sflag:s8], $0x0  }
0x24: {  	s3 =	sadd.s32 $0x88, s3;
	s6 =	simm.s32 @!p1 $0x1082;
	[sflag:s4] =	ssyncset.s32 $0xFFFFF086  }
0x25: {  	[simem:s6], [sflag:s4] =	dma.local [hbm:s3], $0xF7A  }
0x26: {  	[smem:$0x3F9B] =	sst s1;
	(tag) =	ssettag s2;
	_ =	strace s9  }
0x27: {  	s1 =	sld [smem:$0x3FAB]  }
0x28: {  	s2 =	sld [smem:$0x3FAC]  }
0x29: {  	s4 =	sld [smem:$0x3FAE]  }
0x2a: {  	p0 =	seq.s32 s5, $0x0;
	s5 =	sld [smem:$0x3FAF]  }
0x2b: {  	s6 =	sld [smem:$0x3FB0]  }
0x2c: {  	s7 =	sld [smem:$0x3FB1]  }
0x2d: {  	s3 =	simm.s32 $0x108;
	s8 =	sld [smem:$0x3FB2]  }
0x2e: {  	s3 =	simm.s32 @!p0 $0x1082;
	s9 =	sld [smem:$0x3FB3]  }
0x2f: {  	lr =	sadd.s32 s0, s3;
	s0 =	sld [smem:$0x3FAA]  }
0x30: {  	s3 =	sld [smem:$0x3FAD]  }
0x31: {  	[smem:$0x3FB6] =	sst s10  }
0x32: {  	s10 =	sld [smem:$0x3FB4];
	_ =	sdelay $0x3  }
0x33: {  	p0 =	seq.s32 s10, $0x1;
	s10 =	sld [smem:$0x3FB6];
	_ =	sdelay $0x3  }
0x34: {  	[smem:$0x3FB6] =	sst s10  }
0x35: {  	s10 =	sld [smem:$0x3FB5];
	_ =	sdelay $0x3  }
0x36: {  	p1 =	seq.s32 s10, $0x1;
	s10 =	sld [smem:$0x3FB6];
	_ =	sdelay $0x3  }
0x37: {  	[smem:$0x3FB6] =	sst s10  }
0x38: {  	s10 =	sld [smem:$0x3FB7]  }
0x39: {  	_ = 	snop;
	(pc) =	sbr.ind lr, $3  }
0x3a: {  	_ = 	snop  }
0x3b: {  	_ = 	snop  }
0x3c: {  	p2 =	seq.s32 s10, $0x1;
	s10 =	sld [smem:$0x3FB6]  }
0x3d: {  	_ =	shalt  }
0x3e: {  	_ =	shalt  }
0x3f: {  	_ =	shalt  }
0x40: {  	_ =	shalt  }
0x41: {  	_ =	shalt  }
0x42: {  	_ =	shalt  }
0x43: {  	_ =	shalt  }
0x44: {  	_ =	shalt  }
0x45: {  	_ =	shalt  }
0x46: {  	_ =	shalt  }
0x47: {  	_ =	shalt  }
0x48: {  	_ =	shalt  }
0x49: {  	_ =	shalt  }
0x4a: {  	_ =	shalt  }
0x4b: {  	_ =	shalt  }
0x4c: {  	_ =	shalt  }
0x4d: {  	_ =	shalt  }
0x4e: {  	_ =	shalt  }
0x4f: {  	_ =	shalt  }
0x50: {  	_ =	shalt  }
0x51: {  	_ =	shalt  }
0x52: {  	_ =	shalt  }
0x53: {  	_ =	shalt  }
0x54: {  	_ =	shalt  }
0x55: {  	_ =	shalt  }
0x56: {  	_ =	shalt  }
0x57: {  	_ =	shalt  }
0x58: {  	_ =	shalt  }
0x59: {  	_ =	shalt  }
0x5a: {  	_ =	shalt  }
0x5b: {  	_ =	shalt  }
0x5c: {  	_ =	shalt  }
0x5d: {  	_ =	shalt  }
0x5e: {  	_ =	shalt  }
0x5f: {  	_ =	shalt  }
0x60: {  	_ =	shalt  }
0x61: {  	_ =	shalt  }
0x62: {  	_ =	shalt  }
0x63: {  	_ =	shalt  }
0x64: {  	_ =	shalt  }
0x65: {  	_ =	shalt  }
0x66: {  	_ =	shalt  }
0x67: {  	_ =	shalt  }
0x68: {  	_ =	shalt  }
0x69: {  	_ =	shalt  }
0x6a: {  	_ =	shalt  }
0x6b: {  	_ =	shalt  }
0x6c: {  	_ =	shalt  }
0x6d: {  	_ =	shalt  }
0x6e: {  	_ =	shalt  }
0x6f: {  	_ =	shalt  }
0x70: {  	_ =	shalt  }
0x71: {  	_ =	shalt  }
0x72: {  	_ =	shalt  }
0x73: {  	_ =	shalt  }
0x74: {  	_ =	shalt  }
0x75: {  	_ =	shalt  }
0x76: {  	_ =	shalt  }
0x77: {  	_ =	shalt  }
0x78: {  	_ =	shalt  }
0x79: {  	_ =	shalt  }
0x7a: {  	_ =	shalt  }
0x7b: {  	_ =	shalt  }
0x7c: {  	_ =	shalt  }
0x7d: {  	_ =	shalt  }
0x7e: {  	_ =	shalt  }
0x7f: {  	_ =	shalt  }
0x80: {  	_ =	shalt  }
0x81: {  	_ =	shalt  }
0x82: {  	_ =	shalt  }
0x83: {  	_ =	shalt  }
0x84: {  	_ =	shalt  }
0x85: {  	_ =	shalt  }
0x86: {  	_ =	shalt  }
0x87: {  	_ =	shalt  }
.Lfunc_end0:
.L_simem_size_0:
called_computation.1_lowered:
.L_overlay_start_0:
0x88: {  	s2 =	sld [smem:$0x3FD9]  }
0x89: {  	s3 =	sld [smem:$0x3FFE];
	_ =	sdelay $0x1  }
0x8a: {  	s1 =	srdreg.scid  }
0x8b: {  	s0 =	sand.u32 $0x1, s1  }
0x8c: {  	s17 =	sshll.u32 s0, $0xA;
	s2 =	sadd.s32 s3, s2  }
0x8d: {  	s2 =	sadd.s32 s2, s17  }
0x8e: {  	[smem:$0x3FC2] =	sst s2  }
0x8f: {  	_ = 	snop  }
0x90: {  	s2 =	sld [smem:$0x3FD0];
	(tm) =	ssettm $0x1  }
0x91: {  	s18 =	sld [smem:$0x3FFB];
	_ =	sdelay $0x3  }
0x92: {  	_ =	strace s18  }
0x93: {  	s3 =	sld [smem:$0x3FFC];
	_ =	sdelay $0x3  }
0x94: {  	_ =	strace s3  }
0x95: {  	s3 =	sld [smem:$0x3FFD];
	_ =	sdelay $0x3  }
0x96: {  	_ =	strace s3  }
0x97: {  	_ =	strace $0x8FFFFFFF  }
0x98: {  	s19 =	sld [smem:$0x3FDB];
	_ =	sdelay $0x1  }
0x99: {  	s4 =	simm.s32 $_scs_section_size  }
0x9a: {  	s5 =	simm.s32 $_size__tile_overlayer_lowered;
	s6 =	simm.s32 $_tile_overlayer_lowered  }
0x9b: {  	s22 =	simm.s32 $0x1BFF;
	s21 =	sshll.u32 s6, $0x1;
	s3 =	sadd.s32 s4, s19  }
0x9c: {  	s7 =	simm.s32 $0x0;
	s20 =	sshll.u32 s5, $0x1;
	s5 =	sadd.s32 s21, s3  }
0x9d: {  	[timem:s7], [sflag:s22] =	dma.local [hbm:s5], s20  }
0x9e: {  	_ =	swait.ge [sflag:s22], s20  }
0x9f: {  	s4 =	ssub.s32 $0x0, s20;
	[sflag:s22] =	ssyncset.done $0x0  }
0xa0: {  	[sflag:s22] =	ssyncadd.s32 s4;
	_ =	sdelay $0x1  }
0xa1: {  	s23 =	simm.s32 $0x1B8B  }
0xa2: {  	_ =	swait.ge [sflag:s23], $0x1  }
0xa3: {  	[sflag:s23] =	ssyncset.done $0x0  }
0xa4: {  	s25 =	simm.s32 $0x1B8E;
	s24 =	sld [smem:$0x3FFE];
	[sflag:s23] =	ssyncadd.s32 $0xFFFFFFFF  }
0xa5: {  	s26 =	simm.s32 $execute0_lowered;
	[smem:$0x3FD2] =	sst s25  }
0xa6: {  	s5 =	sshll.u32 s26, $0x1;
	_ =	strace $0x80000049;
	[dreg:$0x1] =	wrdreg $0xFFFFFFFF  }
0xa7: {  	s28 =	simm.s32 $_size_execute0_lowered;
	s3 =	sadd.s32 s3, s5;
	[dreg:$0x0] =	wrdreg $0x0  }
0xa8: {  	s5 =	sshll.u32 s28, $0x1;
	[dreg:$0x2] =	wrdreg s3  }
0xa9: {  	[dreg:$0x3] =	wrdreg s5  }
0xaa: {  	[dreg:$0x4] =	wrdreg $0xC0  }
0xab: {  	_ =	task [dreg:s7], $0x5FFFF  }
0xac: {  	[dreg:$0x1] =	wrdreg $0xFFFFFFFF  }
0xad: {  	[dreg:$0x0] =	wrdreg $0x60  }
0xae: {  	[dreg:$0x2] =	wrdreg s2  }
0xaf: {  	[dreg:$0x3] =	wrdreg s24  }
0xb0: {  	[dreg:$0x4] =	wrdreg $0xA8000  }
0xb1: {  	[dreg:$0x5] =	wrdreg $0x9  }
0xb2: {  	_ =	task.clear_ibuf [dreg:s7], $0x6FFFF;
	_ =	strace $0x90000049  }
0xb3: {  	s29 =	simm.s32 $0x9;
	_ =	strace $0x8000004B  }
0xb4: {  	_ =	swait.ge [sflag:s29], $0x1  }
0xb5: {  	[sflag:s29] =	ssyncadd.s32 $0xFFFFFFFF  }
0xb6: {  	_ =	strace $0x9000004B  }
0xb7: {  	_ =	sfence  }
0xb8: {  	s30 =	sld [smem:$0x0];
	_ =	sdelay $0x2  }
0xb9: {  	s31 =	sshll.u32 s1, $0xD;
	s1 =	sshrl.u32 s1, $0x2  }
0xba: {  	s3 =	sand.u32 $0x4000, s31;
	s1 =	sadd.s32 s1, s30  }
0xbb: {  	s0 =	sor.u32 s3, s0;
	s1 =	sshll.u32 s1, $0x11  }
0xbc: {  	s0 =	sor.u32 s1, s0  }
0xbd: {  	s0 =	sadd.s32 $0x8F2B, s0  }
0xbe: {  	[sflag:s0] =	ssyncadd.remote.s32 $0x1  }
0xbf: {  	_ =	sfence.sel $0xFFFF  }
0xc0: {  	[dreg:$0x0] =	wrdreg $0xFFFFFFFF;
	(pc) =	sbr.abs _section_cstart, $3  }
0xc1: {  	[dreg:$0x1] =	wrdreg $0xFFFFFFFF  }
0xc2: {  	_ =	task.clear_ibuf [dreg:s7], $0x2FFFF;
	_ =	strace $0x9FFFFFFF  }
0xc3: {  	(tm) =	ssettm $0x7FFFFFFF  }
tec
execute0_lowered:
.L_overlay_start_1:
0x0: {  	(tag) =	ssettag $0x1  }
0x1: {  	s1 =	rddreg [dreg:$0x0]  }
0x2: {  	s5 =	rddreg [dreg:$0x1]  }
0x3: {  	s2 =	rddreg [dreg:$0x2]  }
0x4: {  	s3 =	srdreg.scid;
	s0 =	rddreg [dreg:$0x3];
	s4 =	simm.s32 $0x0  }
0x5: {  	s17 =	simm.s32 $0x5;
	s18 =	simm.s32 $0x80;
	s19 =	simm.s32 $0x3  }
0x6: {  	s20 =	simm.s32 $0x4;
	s6 =	sand.u32 $0x1, s3;
	s3 =	stileid.u32  }
0x7: {  	s21 =	simm.s32 $0x0;
	[smem:$0x7FF] =	sst s4;
	s7 =	smul.u32 $0x13C000, s6  }
0x8: {  	s12 =	sadd.s32 $0xC800, s5;
	s13 =	sadd.s32 $0x2800, s5;
	s8 =	smul.u32 $0x13C00, s3  }
0x9: {  	s31 =	sshll.u32 s6, $0x4;
	s9 =	smul.u32 $0x4F000, s3;
	s6 =	ssub.s32 $0x2, s6  }
0xa: {  	_ =	strace $0x8000004A;
	s10 =	sshrl.u32 s6, $0x1;
	s7 =	sadd.s32 s8, s7  }
0xb: {  	s8 =	sor.u32 s3, s31;
	s9 =	sshrl.u32 s9, $0x2;
	s15 =	ssub.s32 s6, s10  }
0xc: {  	s7 =	sshrl.u32 s7, $0x3;
	s8 =	smul.u32 $0x2800, s8;
	s15 =	smax.u32 s15, $0x1  }
.Ltmp0:
0xd: {  	s14 =	sadd.s32 s7, s5;
	s5 =	sadd.s32 s9, s2;
	(pc) =	sbr.rel .LBB2_1-.Ltmp0, $4  }
0xe: {  	s6 =	sadd.s32 $0x4000, s5;
	s7 =	sadd.s32 $0x8000, s5;
	s11 =	sshrl.u32 s8, $0x3  }
0xf: {  	s8 =	sadd.s32 $0xC000, s5;
	s9 =	sadd.s32 $0xFC00, s5;
	s14 =	sadd.s32 $0x16800, s14  }
0x10: {  	s16 =	sadd.s32 $0x280, s11;
	s10 =	sadd.s32 s12, s11;
	s11 =	sadd.s32 s13, s11  }
0x11: {  	v0 =	vimm.f32 $0.0e+00;
	s12 =	sadd.s32 s12, s16;
	s13 =	sadd.s32 s13, s16;
	s16 =	simm.s32 $0x2800  }
.LBB2_15:
0x12: {  	_ =	swait.ge [sflag:s19], $0x4000  }
0x13: {  	[sflag:s19] =	ssyncset.done $0x0  }
0x14: {  	[sflag:s19] =	ssyncadd.s32 $0xFFFFC000  }
0x15: {  	_ =	swait.ge [sflag:s20], $0x4000  }
0x16: {  	s22 =	sshll.u32 s3, $0x6;
	s21 =	sadd.s32 $0x1, s21;
	[sflag:s20] =	ssyncset.done $0x0  }
0x17: {  	s23 =	sshrl.u32 s5, $0x3;
	p0 =	sne.s32 s21, s15;
	[sflag:s20] =	ssyncadd.s32 $0xFFFFC000  }
.Ltmp1:
0x18: {  	s22 =	sor.u32 $0x1C05, s22;
	[bflag:$0x0] =	sbarrier.arrive $0xFFFF;
	(pc) =	sbr.rel @!p0 .LBB2_16-.Ltmp1, $4  }
0x19: {  	[hbm:s14], [sflag:s22] =	dma.local [spmem:s23], $0x2780  }
0x1a: {  	_ =	swait.ge [sflag:s17], $0x2780  }
0x1b: {  	[sflag:s17] =	ssyncset.done $0x0  }
0x1c: {  	[sflag:s17] =	ssyncadd.s32 $0xFFFFD880  }
.LBB2_1:
0x1d: {  	s22 =	sand.u32 $0xFE00, s4  }
0x1e: {  	s23 =	sand.u32 $0x70, s4;
	s24 =	sshrl.u32 s22, $0x2  }
0x1f: {  	s22 =	simm.s32 $0x40;
	s24 =	sor.u32 s23, s24;
	s23 =	simm.s32 $0x0  }
.LBB2_2:
0x20: {  	p0 =	sne.s32 s22, $0xFFC0  }
0x21: {  	[tilespmem:s24+$0x2800] =	vst v0;
	s23 =	sadd.s32 $0x10, s23;
	s24 =	smov.u32 s22;
	s22 =	sadd.s32 $0x40, s22  }
.Ltmp2:
0x22: {  	(pc) =	sbr.rel @p0 .LBB2_2-.Ltmp2, $4  }
0x23: {  	_ = 	snop  }
0x24: {  	s24 =	sand.u32 $0xFE00, s24  }
0x25: {  	s25 =	sand.u32 $0x70, s23;
	s24 =	sshrl.u32 s24, $0x2  }
0x26: {  	s24 =	sor.u32 s25, s24  }
0x27: {  	[tilespmem:s24+$0x2800] =	vst v0  }
0x28: {  	[spmem:s5] =	stream.linear.scatter [tilespmem:s16], [sflag:$0x5], $0x4000, $0x38;
	[tilespmem:$0x1E400] =	vst v63  }
0x29: {  	_ =	swait.ge [sflag:s17], $0x4000  }
0x2a: {  	[sflag:s17] =	ssyncset.done $0x0  }
0x2b: {  	[sflag:s17] =	ssyncadd.s32 $0xFFFFC000  }
0x2c: {  	[spmem:s6] =	stream.linear.scatter [tilespmem:s16], [sflag:$0x5], $0x4000, $0x38;
	[tilespmem:$0x1E400] =	vst v63  }
0x2d: {  	_ =	swait.ge [sflag:s17], $0x4000  }
0x2e: {  	[sflag:s17] =	ssyncset.done $0x0  }
0x2f: {  	[sflag:s17] =	ssyncadd.s32 $0xFFFFC000  }
0x30: {  	[spmem:s7] =	stream.linear.scatter [tilespmem:s16], [sflag:$0x5], $0x4000, $0x38;
	[tilespmem:$0x1E400] =	vst v63  }
0x31: {  	_ =	swait.ge [sflag:s17], $0x4000  }
0x32: {  	[sflag:s17] =	ssyncset.done $0x0  }
0x33: {  	[sflag:s17] =	ssyncadd.s32 $0xFFFFC000  }
0x34: {  	[spmem:s8] =	stream.linear.scatter [tilespmem:s16], [sflag:$0x5], $0x4000, $0x38;
	[tilespmem:$0x1E400] =	vst v63  }
0x35: {  	_ =	swait.ge [sflag:s17], $0x4000  }
0x36: {  	[sflag:s17] =	ssyncset.done $0x0  }
0x37: {  	[sflag:s17] =	ssyncadd.s32 $0xFFFFC000  }
0x38: {  	[spmem:s9] =	stream.linear.scatter [tilespmem:s16], [sflag:$0x5], $0x4000, $0x38;
	[tilespmem:$0x1E400] =	vst v63  }
0x39: {  	_ =	swait.ge [sflag:s17], $0x4000  }
0x3a: {  	[sflag:s17] =	ssyncset.done $0x0  }
0x3b: {  	[sflag:s17] =	ssyncadd.s32 $0xFFFFC000  }
0x3c: {  	[bflag:$0x0] =	sbarrier.arrive $0xFFFF  }
0x3d: {  	[tilespmem:s4], [sflag:$0x5] =	stream.linear.gather [hbm4b:s10+s4], $0x1400, $0x38;
	[tilespmem:$0x1E400] =	vst v63  }
0x3e: {  	_ =	swait.ge [sflag:s17], $0x1400  }
0x3f: {  	[sflag:s17] =	ssyncset.done $0x0  }
0x40: {  	s22 =	simm.s32 $0x1400;
	[sflag:s17] =	ssyncadd.s32 $0xFFFFEC00  }
0x41: {  	[tilespmem:s22], [sflag:$0x5] =	stream.linear.gather [hbm4b:s11+s4], $0x1400, $0x38;
	[tilespmem:$0x1E400] =	vst v63  }
.Ltmp3:
0x42: {  	_ = 	snop;
	(pc) =	sbr.rel .LBB2_4-.Ltmp3, $4  }
0x43: {  	_ =	swait.ge [sflag:s17], $0x1400  }
0x44: {  	[sflag:s17] =	ssyncset.done $0x0  }
0x45: {  	s23 =	simm.s32 $0x80;
	s24 =	simm.s32 $0x1;
	[sflag:s17] =	ssyncadd.s32 $0xFFFFEC00  }
0x46: {  	[tilespmem:s16], [sflag:$0x1] =	stream.indirect.gather [hbm4b:s1+s23], $0x80, s4, s23, $0xb8;
	[tilespmem:$0x1E400] =	vst v63  }
.LBB2_7:
0x47: {  	s28 =	sshll.u32 s26, $0xE  }
0x48: {  	s31 =	sadd.s32 $0x1, s26;
	s28 =	sor.u32 $0x2800, s28  }
0x49: {  	[tilespmem:s28], [sflag:s31] =	stream.indirect.gather [hbm4b:s1+s18], $0x80, s23, s18, $0xb8;
	[tilespmem:$0x1E400] =	vst v63  }
.LBB2_8:
0x4a: {  	s25 =	sand.u32 $0x1, s25;
	s24 =	sadd.s32 $0x1, s24  }
0x4b: {  	s26 =	sadd.s32 $0x1, s25;
	p0 =	sne.s32 s24, $0x29  }
.Ltmp4:
0x4c: {  	_ =	swait.ge [sflag:s26], $0x4000;
	(pc) =	sbr.rel @!p0 .LBB2_9-.Ltmp4, $4  }
0x4d: {  	s28 =	sshll.u32 s25, $0xE;
	[sflag:s26] =	ssyncset.done $0x0  }
0x4e: {  	s25 =	sadd.s32 $0x3, s25;
	s28 =	sor.u32 $0x2800, s28;
	[sflag:s26] =	ssyncadd.s32 $0xFFFFC000  }
0x4f: {  	[spmem:s2] =	stream.indirect.scatter.add.f32 [tilespmem:s28], [sflag:s25], $0x80, s22, s18, $0xb8;
	[tilespmem:$0x1E400] =	vst v63  }
0x50: {  	s23 =	sadd.s32 $0x80, s23;
	s22 =	sadd.s32 $0x80, s22  }
.LBB2_4:
0x51: {  	s25 =	sadd.s32 $0xFFFFFFFF, s24  }
0x52: {  	p0 =	seq.s32 s25, $0x0  }
.Ltmp5:
0x53: {  	_ = 	snop;
	(pc) =	sbr.rel @p0 .LBB2_7-.Ltmp5, $2  }
0x54: {  	_ =	sdelay $0x2  }
0x55: {  	s26 =	sand.u32 $0x1, s24  }
0x56: {  	p0 =	seq.s32 s25, $0x27  }
.Ltmp6:
0x57: {  	_ = 	snop;
	(pc) =	sbr.rel @p0 .LBB2_8-.Ltmp6, $1  }
0x58: {  	_ =	sdelay $0x3  }
.Ltmp7:
0x59: {  	(pc) =	sbr.rel .LBB2_7-.Ltmp7, $4  }
0x5a: {  	s28 =	sadd.s32 $0x3, s26  }
0x5b: {  	_ =	swait.ge [sflag:s28], $0x4000  }
0x5c: {  	[sflag:s28] =	ssyncset.done $0x0  }
0x5d: {  	[sflag:s28] =	ssyncadd.s32 $0xFFFFC000  }
.LBB2_9:
0x5e: {  	_ =	swait.ge [sflag:s19], $0x4000  }
0x5f: {  	[sflag:s19] =	ssyncset.done $0x0  }
0x60: {  	[sflag:s19] =	ssyncadd.s32 $0xFFFFC000  }
0x61: {  	_ =	swait.ge [sflag:s20], $0x4000  }
0x62: {  	[sflag:s20] =	ssyncset.done $0x0  }
0x63: {  	[sflag:s20] =	ssyncadd.s32 $0xFFFFC000  }
0x64: {  	[tilespmem:s4], [sflag:$0x5] =	stream.linear.gather [hbm4b:s12+s4], $0x1400, $0x38;
	[tilespmem:$0x1E400] =	vst v63  }
0x65: {  	_ =	swait.ge [sflag:s17], $0x1400  }
0x66: {  	[sflag:s17] =	ssyncset.done $0x0  }
0x67: {  	s22 =	simm.s32 $0x1400;
	[sflag:s17] =	ssyncadd.s32 $0xFFFFEC00  }
0x68: {  	[tilespmem:s22], [sflag:$0x5] =	stream.linear.gather [hbm4b:s13+s4], $0x1400, $0x38;
	[tilespmem:$0x1E400] =	vst v63  }
.Ltmp8:
0x69: {  	_ = 	snop;
	(pc) =	sbr.rel .LBB2_10-.Ltmp8, $4  }
0x6a: {  	_ =	swait.ge [sflag:s17], $0x1400  }
0x6b: {  	[sflag:s17] =	ssyncset.done $0x0  }
0x6c: {  	s23 =	simm.s32 $0x80;
	s24 =	simm.s32 $0x1;
	[sflag:s17] =	ssyncadd.s32 $0xFFFFEC00  }
0x6d: {  	[tilespmem:s16], [sflag:$0x1] =	stream.indirect.gather [hbm4b:s1+s23], $0x80, s4, s23, $0xb8;
	[tilespmem:$0x1E400] =	vst v63  }
.LBB2_13:
0x6e: {  	s28 =	sshll.u32 s26, $0xE  }
0x6f: {  	s31 =	sadd.s32 $0x1, s26;
	s28 =	sor.u32 $0x2800, s28  }
0x70: {  	[tilespmem:s28], [sflag:s31] =	stream.indirect.gather [hbm4b:s1+s18], $0x80, s23, s18, $0xb8;
	[tilespmem:$0x1E400] =	vst v63  }
.LBB2_14:
0x71: {  	s25 =	sand.u32 $0x1, s25;
	s24 =	sadd.s32 $0x1, s24  }
0x72: {  	s26 =	sadd.s32 $0x1, s25;
	p0 =	sne.s32 s24, $0x29  }
.Ltmp9:
0x73: {  	_ =	swait.ge [sflag:s26], $0x4000;
	(pc) =	sbr.rel @!p0 .LBB2_15-.Ltmp9, $4  }
0x74: {  	s28 =	sshll.u32 s25, $0xE;
	[sflag:s26] =	ssyncset.done $0x0  }
0x75: {  	s25 =	sadd.s32 $0x3, s25;
	s28 =	sor.u32 $0x2800, s28;
	[sflag:s26] =	ssyncadd.s32 $0xFFFFC000  }
0x76: {  	[spmem:s2] =	stream.indirect.scatter.add.f32 [tilespmem:s28], [sflag:s25], $0x80, s22, s18, $0xb8;
	[tilespmem:$0x1E400] =	vst v63  }
0x77: {  	s23 =	sadd.s32 $0x80, s23;
	s22 =	sadd.s32 $0x80, s22  }
.LBB2_10:
0x78: {  	s25 =	sadd.s32 $0xFFFFFFFF, s24  }
0x79: {  	p0 =	seq.s32 s25, $0x0  }
.Ltmp10:
0x7a: {  	_ = 	snop;
	(pc) =	sbr.rel @p0 .LBB2_13-.Ltmp10, $2  }
0x7b: {  	_ =	sdelay $0x2  }
0x7c: {  	s26 =	sand.u32 $0x1, s24  }
0x7d: {  	p0 =	seq.s32 s25, $0x27  }
.Ltmp11:
0x7e: {  	_ = 	snop;
	(pc) =	sbr.rel @p0 .LBB2_14-.Ltmp11, $1  }
0x7f: {  	_ =	sdelay $0x3  }
.Ltmp12:
0x80: {  	(pc) =	sbr.rel .LBB2_13-.Ltmp12, $4  }
0x81: {  	s28 =	sadd.s32 $0x3, s26  }
0x82: {  	_ =	swait.ge [sflag:s28], $0x4000  }
0x83: {  	[sflag:s28] =	ssyncset.done $0x0  }
0x84: {  	[sflag:s28] =	ssyncadd.s32 $0xFFFFC000  }
.LBB2_16:
0x85: {  	_ =	sfence.sel $0x180000  }
0x86: {  	[bflag:$0x0] =	sbarrier.arrive $0xFFFF  }
0x87: {  	p0 =	sne.s32 s3, $0x0;
	_ =	strace $0x9000004A  }
0x88: {  	s0 =	sadd.s32 @!p0 $0x100000, s0;
	[bflag:$0x2] =	sbarrier.arrive $0xFFFF  }
0x89: {  	[sflag:s0] =	ssyncadd.tile.s32 @!p0 $0x1;
	_ =	shalt  }
.Lfunc_end2:
_tile_overlayer_lowered:
.L_overlay_start_2:
0x8a: {  	(tag) =	ssettag $0x2  }
0x8b: {  	s0 =	rddreg [dreg:$0x0];
	s2 =	stileid.u32  }
0x8c: {  	s1 =	rddreg [dreg:$0x1];
	p0 =	sne.s32 s2, $0x0  }
0x8d: {  	s3 =	rddreg [dreg:$0x2];
	[bflag:$0x3] =	sbarrier.arrive $0xFFFF;
	s2 =	simm.s32 @!p0 $0x1C05  }
0x8e: {  	[timem:s3], [sflag:s2] =	dma.local @!p0 [hbm:s0], s1  }
0x8f: {  	s0 =	simm.s32 @!p0 $0x5  }
0x90: {  	_ =	swait.ge @!p0 [sflag:s0], s1  }
0x91: {  	s1 =	ssub.s32 @!p0 $0x0, s1;
	[sflag:s0] =	ssyncset.done @!p0 $0x0  }
0x92: {  	[sflag:s0] =	ssyncadd.s32 @!p0 s1  }
0x93: {  	[bflag:$0x3] =	sbarrier.arrive $0xFFFF  }
0x94: {  	_ =	shalt  }

// kernel: kernel.15.cloned.1.call-start
scs
__scs_entry_jumppad:
0x0: {  	(pc) =	sbr.rel $0x88, $3  }
0x1: {  	(tag) =	ssettag $0x0;
	lr =	simm.s32 $0x1  }
0x2: {  	[smem:$0x3F9B] =	sst lr;
	_ =	strace $0xD0000000  }
0x3: {  	_ = 	snop  }
0x4: {  	_ = 	snop  }
0x5: {  	_ = 	snop  }
0x6: {  	_ = 	snop  }
0x7: {  	_ = 	snop  }
__scs_overlays_trampoline_lowered:
0x8: {  	[smem:$0x3FAA] =	sst s0  }
0x9: {  	[smem:$0x3FAB] =	sst s1  }
0xa: {  	[smem:$0x3FAC] =	sst s2  }
0xb: {  	[smem:$0x3FAD] =	sst s3  }
0xc: {  	[smem:$0x3FAE] =	sst s4  }
0xd: {  	[smem:$0x3FAF] =	sst s5  }
0xe: {  	[smem:$0x3FB0] =	sst s6  }
0xf: {  	[smem:$0x3FB1] =	sst s7  }
0x10: {  	[smem:$0x3FB2] =	sst s8  }
0x11: {  	[smem:$0x3FB3] =	sst s9;
	s0 =	simm.s32 @!p0 $0x0  }
0x12: {  	s1 =	sld [smem:$0x3F99];
	s0 =	simm.s32 @p0 $0x1  }
0x13: {  	[smem:$0x3FB4] =	sst s0;
	s0 =	simm.s32 @!p1 $0x0  }
0x14: {  	s2 =	sld [smem:$0x3F98];
	s0 =	simm.s32 @p1 $0x1  }
0x15: {  	[smem:$0x3FB5] =	sst s0;
	s0 =	simm.s32 @!p2 $0x0  }
0x16: {  	s3 =	sld [smem:$0x3FDB];
	s0 =	simm.s32 @p2 $0x1  }
0x17: {  	s4 =	simm.s32 $0x1BF5;
	[smem:$0x3FB7] =	sst s0  }
0x18: {  	s0 =	sld [smem:$0x3F9A];
	_ =	swait.ge [sflag:s4], $0x0  }
0x19: {  	s7 =	sld [smem:$0x3F9B]  }
0x1a: {  	s8 =	sadd.s32 $0xFFFFE003, lr  }
0x1b: {  	s9 =	sadd.s32 $0xFFFFFEF7, lr;
	s5 =	simm.s32 $0xFFFFFFFF;
	p2 =	slt.u32 s8, $0xFFFFF086  }
0x1c: {  	p1 =	slt.u32 s9, $0xF7A;
	s5 =	simm.s32 @!p2 $0x0  }
0x1d: {  	s5 =	simm.s32 @p1 $0x1;
	p0 =	seq.s32 s7, s2  }
0x1e: {  	s7 =	smul.u32 @!p0 $0xF7A, s2;
	p2 =	seq.s32 @!p0 s5, $0x0  }
0x1f: {  	s9 =	smul.u32 $0xF7A, s1;
	s8 =	simm.s32 @!p0 $0x1BF5;
	p2 =	por !p2, p0  }
0x20: {  	[sflag:s8] =	ssyncset.s32 @!p0 $0xFFFFF086;
	s6 =	sadd.s32 @!p0 s3, s7;
	s7 =	simm.s32 @!p0 $0x108  }
0x21: {  	s3 =	sadd.s32 s3, s9;
	s6 =	sadd.s32 @!p0 $0x88, s6;
	s7 =	simm.s32 @p2 $0x1082  }
0x22: {  	[simem:s7], [sflag:s8] =	dma.local @!p0 [hbm:s6], $0xF7A  }
0x23: {  	s9 =	sor.u32 $0xD0000000, s2;
	s6 =	simm.s32 $0x108;
	_ =	swait.ge @!p0 [sflag:s8], $0x0  }
0x24: {  	s3 =	sadd.s32 $0x88, s3;
	s6 =	simm.s32 @!p1 $0x1082;
	[sflag:s4] =	ssyncset.s32 $0xFFFFF086  }
0x25: {  	[simem:s6], [sflag:s4] =	dma.local [hbm:s3], $0xF7A  }
0x26: {  	[smem:$0x3F9B] =	sst s1;
	(tag) =	ssettag s2;
	_ =	strace s9  }
0x27: {  	s1 =	sld [smem:$0x3FAB]  }
0x28: {  	s2 =	sld [smem:$0x3FAC]  }
0x29: {  	s4 =	sld [smem:$0x3FAE]  }
0x2a: {  	p0 =	seq.s32 s5, $0x0;
	s5 =	sld [smem:$0x3FAF]  }
0x2b: {  	s6 =	sld [smem:$0x3FB0]  }
0x2c: {  	s7 =	sld [smem:$0x3FB1]  }
0x2d: {  	s3 =	simm.s32 $0x108;
	s8 =	sld [smem:$0x3FB2]  }
0x2e: {  	s3 =	simm.s32 @!p0 $0x1082;
	s9 =	sld [smem:$0x3FB3]  }
0x2f: {  	lr =	sadd.s32 s0, s3;
	s0 =	sld [smem:$0x3FAA]  }
0x30: {  	s3 =	sld [smem:$0x3FAD]  }
0x31: {  	[smem:$0x3FB6] =	sst s10  }
0x32: {  	s10 =	sld [smem:$0x3FB4];
	_ =	sdelay $0x3  }
0x33: {  	p0 =	seq.s32 s10, $0x1;
	s10 =	sld [smem:$0x3FB6];
	_ =	sdelay $0x3  }
0x34: {  	[smem:$0x3FB6] =	sst s10  }
0x35: {  	s10 =	sld [smem:$0x3FB5];
	_ =	sdelay $0x3  }
0x36: {  	p1 =	seq.s32 s10, $0x1;
	s10 =	sld [smem:$0x3FB6];
	_ =	sdelay $0x3  }
0x37: {  	[smem:$0x3FB6] =	sst s10  }
0x38: {  	s10 =	sld [smem:$0x3FB7]  }
0x39: {  	_ = 	snop;
	(pc) =	sbr.ind lr, $3  }
0x3a: {  	_ = 	snop  }
0x3b: {  	_ = 	snop  }
0x3c: {  	p2 =	seq.s32 s10, $0x1;
	s10 =	sld [smem:$0x3FB6]  }
0x3d: {  	_ =	shalt  }
0x3e: {  	_ =	shalt  }
0x3f: {  	_ =	shalt  }
0x40: {  	_ =	shalt  }
0x41: {  	_ =	shalt  }
0x42: {  	_ =	shalt  }
0x43: {  	_ =	shalt  }
0x44: {  	_ =	shalt  }
0x45: {  	_ =	shalt  }
0x46: {  	_ =	shalt  }
0x47: {  	_ =	shalt  }
0x48: {  	_ =	shalt  }
0x49: {  	_ =	shalt  }
0x4a: {  	_ =	shalt  }
0x4b: {  	_ =	shalt  }
0x4c: {  	_ =	shalt  }
0x4d: {  	_ =	shalt  }
0x4e: {  	_ =	shalt  }
0x4f: {  	_ =	shalt  }
0x50: {  	_ =	shalt  }
0x51: {  	_ =	shalt  }
0x52: {  	_ =	shalt  }
0x53: {  	_ =	shalt  }
0x54: {  	_ =	shalt  }
0x55: {  	_ =	shalt  }
0x56: {  	_ =	shalt  }
0x57: {  	_ =	shalt  }
0x58: {  	_ =	shalt  }
0x59: {  	_ =	shalt  }
0x5a: {  	_ =	shalt  }
0x5b: {  	_ =	shalt  }
0x5c: {  	_ =	shalt  }
0x5d: {  	_ =	shalt  }
0x5e: {  	_ =	shalt  }
0x5f: {  	_ =	shalt  }
0x60: {  	_ =	shalt  }
0x61: {  	_ =	shalt  }
0x62: {  	_ =	shalt  }
0x63: {  	_ =	shalt  }
0x64: {  	_ =	shalt  }
0x65: {  	_ =	shalt  }
0x66: {  	_ =	shalt  }
0x67: {  	_ =	shalt  }
0x68: {  	_ =	shalt  }
0x69: {  	_ =	shalt  }
0x6a: {  	_ =	shalt  }
0x6b: {  	_ =	shalt  }
0x6c: {  	_ =	shalt  }
0x6d: {  	_ =	shalt  }
0x6e: {  	_ =	shalt  }
0x6f: {  	_ =	shalt  }
0x70: {  	_ =	shalt  }
0x71: {  	_ =	shalt  }
0x72: {  	_ =	shalt  }
0x73: {  	_ =	shalt  }
0x74: {  	_ =	shalt  }
0x75: {  	_ =	shalt  }
0x76: {  	_ =	shalt  }
0x77: {  	_ =	shalt  }
0x78: {  	_ =	shalt  }
0x79: {  	_ =	shalt  }
0x7a: {  	_ =	shalt  }
0x7b: {  	_ =	shalt  }
0x7c: {  	_ =	shalt  }
0x7d: {  	_ =	shalt  }
0x7e: {  	_ =	shalt  }
0x7f: {  	_ =	shalt  }
0x80: {  	_ =	shalt  }
0x81: {  	_ =	shalt  }
0x82: {  	_ =	shalt  }
0x83: {  	_ =	shalt  }
0x84: {  	_ =	shalt  }
0x85: {  	_ =	shalt  }
0x86: {  	_ =	shalt  }
0x87: {  	_ =	shalt  }
.Lfunc_end0:
.L_simem_size_0:
called_computation.2_lowered:
.L_overlay_start_0:
0x88: {  	s2 =	sld [smem:$0x3FD9]  }
0x89: {  	s3 =	sld [smem:$0x3FFE];
	_ =	sdelay $0x1  }
0x8a: {  	s1 =	srdreg.scid  }
0x8b: {  	s0 =	sand.u32 $0x1, s1  }
0x8c: {  	s17 =	sshll.u32 s0, $0xA;
	s2 =	sadd.s32 s3, s2  }
0x8d: {  	s2 =	sadd.s32 s2, s17  }
0x8e: {  	[smem:$0x3FC2] =	sst s2  }
0x8f: {  	_ = 	snop  }
0x90: {  	s2 =	sld [smem:$0x3FD0];
	(tm) =	ssettm $0x1  }
0x91: {  	s18 =	sld [smem:$0x3FFB];
	_ =	sdelay $0x3  }
0x92: {  	_ =	strace s18  }
0x93: {  	s3 =	sld [smem:$0x3FFC];
	_ =	sdelay $0x3  }
0x94: {  	_ =	strace s3  }
0x95: {  	s3 =	sld [smem:$0x3FFD];
	_ =	sdelay $0x3  }
0x96: {  	_ =	strace s3  }
0x97: {  	_ =	strace $0x8FFFFFFF  }
0x98: {  	s19 =	sld [smem:$0x3FDB];
	_ =	sdelay $0x1  }
0x99: {  	s4 =	simm.s32 $_scs_section_size  }
0x9a: {  	s5 =	simm.s32 $_size__tile_overlayer_lowered;
	s6 =	simm.s32 $_tile_overlayer_lowered  }
0x9b: {  	s22 =	simm.s32 $0x1BFF;
	s21 =	sshll.u32 s6, $0x1;
	s3 =	sadd.s32 s4, s19  }
0x9c: {  	s7 =	simm.s32 $0x0;
	s20 =	sshll.u32 s5, $0x1;
	s5 =	sadd.s32 s21, s3  }
0x9d: {  	[timem:s7], [sflag:s22] =	dma.local [hbm:s5], s20  }
0x9e: {  	_ =	swait.ge [sflag:s22], s20  }
0x9f: {  	s4 =	ssub.s32 $0x0, s20;
	[sflag:s22] =	ssyncset.done $0x0  }
0xa0: {  	[sflag:s22] =	ssyncadd.s32 s4;
	_ =	sdelay $0x1  }
0xa1: {  	s23 =	simm.s32 $0x1B8B  }
0xa2: {  	_ =	swait.ge [sflag:s23], $0x1  }
0xa3: {  	[sflag:s23] =	ssyncset.done $0x0  }
0xa4: {  	s25 =	simm.s32 $0x1B8E;
	s24 =	sld [smem:$0x3FFE];
	[sflag:s23] =	ssyncadd.s32 $0xFFFFFFFF  }
0xa5: {  	s26 =	simm.s32 $execute0_lowered;
	[smem:$0x3FD2] =	sst s25  }
0xa6: {  	s5 =	sshll.u32 s26, $0x1;
	_ =	strace $0x8000004C;
	[dreg:$0x1] =	wrdreg $0xFFFFFFFF  }
0xa7: {  	s28 =	simm.s32 $_size_execute0_lowered;
	s3 =	sadd.s32 s3, s5;
	[dreg:$0x0] =	wrdreg $0x0  }
0xa8: {  	s5 =	sshll.u32 s28, $0x1;
	[dreg:$0x2] =	wrdreg s3  }
0xa9: {  	[dreg:$0x3] =	wrdreg s5  }
0xaa: {  	[dreg:$0x4] =	wrdreg $0xC0  }
0xab: {  	_ =	task [dreg:s7], $0x5FFFF  }
0xac: {  	[dreg:$0x1] =	wrdreg $0xFFFFFFFF  }
0xad: {  	[dreg:$0x0] =	wrdreg $0x60  }
0xae: {  	[dreg:$0x2] =	wrdreg s2  }
0xaf: {  	[dreg:$0x3] =	wrdreg s24  }
0xb0: {  	[dreg:$0x4] =	wrdreg $0xA8000  }
0xb1: {  	[dreg:$0x5] =	wrdreg $0x9  }
0xb2: {  	_ =	task.clear_ibuf [dreg:s7], $0x6FFFF;
	_ =	strace $0x9000004C  }
0xb3: {  	s29 =	simm.s32 $0x9;
	_ =	strace $0x8000004E  }
0xb4: {  	_ =	swait.ge [sflag:s29], $0x1  }
0xb5: {  	[sflag:s29] =	ssyncadd.s32 $0xFFFFFFFF  }
0xb6: {  	_ =	strace $0x9000004E  }
0xb7: {  	_ =	sfence  }
0xb8: {  	s30 =	sld [smem:$0x0];
	_ =	sdelay $0x2  }
0xb9: {  	s31 =	sshll.u32 s1, $0xD;
	s1 =	sshrl.u32 s1, $0x2  }
0xba: {  	s3 =	sand.u32 $0x4000, s31;
	s1 =	sadd.s32 s1, s30  }
0xbb: {  	s0 =	sor.u32 s3, s0;
	s1 =	sshll.u32 s1, $0x11  }
0xbc: {  	s0 =	sor.u32 s1, s0  }
0xbd: {  	s0 =	sadd.s32 $0x8F2B, s0  }
0xbe: {  	[sflag:s0] =	ssyncadd.remote.s32 $0x1  }
0xbf: {  	_ =	sfence.sel $0xFFFF  }
0xc0: {  	[dreg:$0x0] =	wrdreg $0xFFFFFFFF;
	(pc) =	sbr.abs _section_cstart, $3  }
0xc1: {  	[dreg:$0x1] =	wrdreg $0xFFFFFFFF  }
0xc2: {  	_ =	task.clear_ibuf [dreg:s7], $0x2FFFF;
	_ =	strace $0x9FFFFFFF  }
0xc3: {  	(tm) =	ssettm $0x7FFFFFFF  }
tec
execute0_lowered:
.L_overlay_start_1:
0x0: {  	(tag) =	ssettag $0x1  }
0x1: {  	s1 =	rddreg [dreg:$0x0]  }
0x2: {  	s5 =	rddreg [dreg:$0x1]  }
0x3: {  	s2 =	rddreg [dreg:$0x2]  }
0x4: {  	s3 =	srdreg.scid;
	s0 =	rddreg [dreg:$0x3];
	s4 =	simm.s32 $0x0  }
0x5: {  	s17 =	simm.s32 $0x5;
	s18 =	simm.s32 $0x80;
	s19 =	simm.s32 $0x3  }
0x6: {  	s20 =	simm.s32 $0x4;
	s6 =	sand.u32 $0x1, s3;
	s3 =	stileid.u32  }
0x7: {  	s21 =	simm.s32 $0x0;
	[smem:$0x7FF] =	sst s4;
	s7 =	smul.u32 $0x13C000, s6  }
0x8: {  	s12 =	sadd.s32 $0xC800, s5;
	s13 =	sadd.s32 $0x2800, s5;
	s8 =	smul.u32 $0x13C00, s3  }
0x9: {  	s31 =	sshll.u32 s6, $0x4;
	s9 =	smul.u32 $0x4F000, s3;
	s6 =	ssub.s32 $0x2, s6  }
0xa: {  	_ =	strace $0x8000004D;
	s10 =	sshrl.u32 s6, $0x1;
	s7 =	sadd.s32 s8, s7  }
0xb: {  	s8 =	sor.u32 s3, s31;
	s9 =	sshrl.u32 s9, $0x2;
	s15 =	ssub.s32 s6, s10  }
0xc: {  	s7 =	sshrl.u32 s7, $0x3;
	s8 =	smul.u32 $0x2800, s8;
	s15 =	smax.u32 s15, $0x1  }
.Ltmp0:
0xd: {  	s14 =	sadd.s32 s7, s5;
	s5 =	sadd.s32 s9, s2;
	(pc) =	sbr.rel .LBB2_1-.Ltmp0, $4  }
0xe: {  	s6 =	sadd.s32 $0x4000, s5;
	s7 =	sadd.s32 $0x8000, s5;
	s11 =	sshrl.u32 s8, $0x3  }
0xf: {  	s8 =	sadd.s32 $0xC000, s5;
	s9 =	sadd.s32 $0xFC00, s5;
	s14 =	sadd.s32 $0x16800, s14  }
0x10: {  	s16 =	sadd.s32 $0x280, s11;
	s10 =	sadd.s32 s12, s11;
	s11 =	sadd.s32 s13, s11  }
0x11: {  	v0 =	vimm.f32 $0.0e+00;
	s12 =	sadd.s32 s12, s16;
	s13 =	sadd.s32 s13, s16;
	s16 =	simm.s32 $0x2800  }
.LBB2_15:
0x12: {  	_ =	swait.ge [sflag:s19], $0x4000  }
0x13: {  	[sflag:s19] =	ssyncset.done $0x0  }
0x14: {  	[sflag:s19] =	ssyncadd.s32 $0xFFFFC000  }
0x15: {  	_ =	swait.ge [sflag:s20], $0x4000  }
0x16: {  	s22 =	sshll.u32 s3, $0x6;
	s21 =	sadd.s32 $0x1, s21;
	[sflag:s20] =	ssyncset.done $0x0  }
0x17: {  	s23 =	sshrl.u32 s5, $0x3;
	p0 =	sne.s32 s21, s15;
	[sflag:s20] =	ssyncadd.s32 $0xFFFFC000  }
.Ltmp1:
0x18: {  	s22 =	sor.u32 $0x1C05, s22;
	[bflag:$0x0] =	sbarrier.arrive $0xFFFF;
	(pc) =	sbr.rel @!p0 .LBB2_16-.Ltmp1, $4  }
0x19: {  	[hbm:s14], [sflag:s22] =	dma.local [spmem:s23], $0x2780  }
0x1a: {  	_ =	swait.ge [sflag:s17], $0x2780  }
0x1b: {  	[sflag:s17] =	ssyncset.done $0x0  }
0x1c: {  	[sflag:s17] =	ssyncadd.s32 $0xFFFFD880  }
.LBB2_1:
0x1d: {  	s22 =	sand.u32 $0xFE00, s4  }
0x1e: {  	s23 =	sand.u32 $0x70, s4;
	s24 =	sshrl.u32 s22, $0x2  }
0x1f: {  	s22 =	simm.s32 $0x40;
	s24 =	sor.u32 s23, s24;
	s23 =	simm.s32 $0x0  }
.LBB2_2:
0x20: {  	p0 =	sne.s32 s22, $0xFFC0  }
0x21: {  	[tilespmem:s24+$0x2800] =	vst v0;
	s23 =	sadd.s32 $0x10, s23;
	s24 =	smov.u32 s22;
	s22 =	sadd.s32 $0x40, s22  }
.Ltmp2:
0x22: {  	(pc) =	sbr.rel @p0 .LBB2_2-.Ltmp2, $4  }
0x23: {  	_ = 	snop  }
0x24: {  	s24 =	sand.u32 $0xFE00, s24  }
0x25: {  	s25 =	sand.u32 $0x70, s23;
	s24 =	sshrl.u32 s24, $0x2  }
0x26: {  	s24 =	sor.u32 s25, s24  }
0x27: {  	[tilespmem:s24+$0x2800] =	vst v0  }
0x28: {  	[spmem:s5] =	stream.linear.scatter [tilespmem:s16], [sflag:$0x5], $0x4000, $0x38;
	[tilespmem:$0x1E400] =	vst v63  }
0x29: {  	_ =	swait.ge [sflag:s17], $0x4000  }
0x2a: {  	[sflag:s17] =	ssyncset.done $0x0  }
0x2b: {  	[sflag:s17] =	ssyncadd.s32 $0xFFFFC000  }
0x2c: {  	[spmem:s6] =	stream.linear.scatter [tilespmem:s16], [sflag:$0x5], $0x4000, $0x38;
	[tilespmem:$0x1E400] =	vst v63  }
0x2d: {  	_ =	swait.ge [sflag:s17], $0x4000  }
0x2e: {  	[sflag:s17] =	ssyncset.done $0x0  }
0x2f: {  	[sflag:s17] =	ssyncadd.s32 $0xFFFFC000  }
0x30: {  	[spmem:s7] =	stream.linear.scatter [tilespmem:s16], [sflag:$0x5], $0x4000, $0x38;
	[tilespmem:$0x1E400] =	vst v63  }
0x31: {  	_ =	swait.ge [sflag:s17], $0x4000  }
0x32: {  	[sflag:s17] =	ssyncset.done $0x0  }
0x33: {  	[sflag:s17] =	ssyncadd.s32 $0xFFFFC000  }
0x34: {  	[spmem:s8] =	stream.linear.scatter [tilespmem:s16], [sflag:$0x5], $0x4000, $0x38;
	[tilespmem:$0x1E400] =	vst v63  }
0x35: {  	_ =	swait.ge [sflag:s17], $0x4000  }
0x36: {  	[sflag:s17] =	ssyncset.done $0x0  }
0x37: {  	[sflag:s17] =	ssyncadd.s32 $0xFFFFC000  }
0x38: {  	[spmem:s9] =	stream.linear.scatter [tilespmem:s16], [sflag:$0x5], $0x4000, $0x38;
	[tilespmem:$0x1E400] =	vst v63  }
0x39: {  	_ =	swait.ge [sflag:s17], $0x4000  }
0x3a: {  	[sflag:s17] =	ssyncset.done $0x0  }
0x3b: {  	[sflag:s17] =	ssyncadd.s32 $0xFFFFC000  }
0x3c: {  	[bflag:$0x0] =	sbarrier.arrive $0xFFFF  }
0x3d: {  	[tilespmem:s4], [sflag:$0x5] =	stream.linear.gather [hbm4b:s10+s4], $0x1400, $0x38;
	[tilespmem:$0x1E400] =	vst v63  }
0x3e: {  	_ =	swait.ge [sflag:s17], $0x1400  }
0x3f: {  	[sflag:s17] =	ssyncset.done $0x0  }
0x40: {  	s22 =	simm.s32 $0x1400;
	[sflag:s17] =	ssyncadd.s32 $0xFFFFEC00  }
0x41: {  	[tilespmem:s22], [sflag:$0x5] =	stream.linear.gather [hbm4b:s11+s4], $0x1400, $0x38;
	[tilespmem:$0x1E400] =	vst v63  }
.Ltmp3:
0x42: {  	_ = 	snop;
	(pc) =	sbr.rel .LBB2_4-.Ltmp3, $4  }
0x43: {  	_ =	swait.ge [sflag:s17], $0x1400  }
0x44: {  	[sflag:s17] =	ssyncset.done $0x0  }
0x45: {  	s23 =	simm.s32 $0x80;
	s24 =	simm.s32 $0x1;
	[sflag:s17] =	ssyncadd.s32 $0xFFFFEC00  }
0x46: {  	[tilespmem:s16], [sflag:$0x1] =	stream.indirect.gather [hbm4b:s1+s23], $0x80, s4, s23, $0xb8;
	[tilespmem:$0x1E400] =	vst v63  }
.LBB2_7:
0x47: {  	s28 =	sshll.u32 s26, $0xE  }
0x48: {  	s31 =	sadd.s32 $0x1, s26;
	s28 =	sor.u32 $0x2800, s28  }
0x49: {  	[tilespmem:s28], [sflag:s31] =	stream.indirect.gather [hbm4b:s1+s18], $0x80, s23, s18, $0xb8;
	[tilespmem:$0x1E400] =	vst v63  }
.LBB2_8:
0x4a: {  	s25 =	sand.u32 $0x1, s25;
	s24 =	sadd.s32 $0x1, s24  }
0x4b: {  	s26 =	sadd.s32 $0x1, s25;
	p0 =	sne.s32 s24, $0x29  }
.Ltmp4:
0x4c: {  	_ =	swait.ge [sflag:s26], $0x4000;
	(pc) =	sbr.rel @!p0 .LBB2_9-.Ltmp4, $4  }
0x4d: {  	s28 =	sshll.u32 s25, $0xE;
	[sflag:s26] =	ssyncset.done $0x0  }
0x4e: {  	s25 =	sadd.s32 $0x3, s25;
	s28 =	sor.u32 $0x2800, s28;
	[sflag:s26] =	ssyncadd.s32 $0xFFFFC000  }
0x4f: {  	[spmem:s2] =	stream.indirect.scatter.add.f32 [tilespmem:s28], [sflag:s25], $0x80, s22, s18, $0xb8;
	[tilespmem:$0x1E400] =	vst v63  }
0x50: {  	s23 =	sadd.s32 $0x80, s23;
	s22 =	sadd.s32 $0x80, s22  }
.LBB2_4:
0x51: {  	s25 =	sadd.s32 $0xFFFFFFFF, s24  }
0x52: {  	p0 =	seq.s32 s25, $0x0  }
.Ltmp5:
0x53: {  	_ = 	snop;
	(pc) =	sbr.rel @p0 .LBB2_7-.Ltmp5, $2  }
0x54: {  	_ =	sdelay $0x2  }
0x55: {  	s26 =	sand.u32 $0x1, s24  }
0x56: {  	p0 =	seq.s32 s25, $0x27  }
.Ltmp6:
0x57: {  	_ = 	snop;
	(pc) =	sbr.rel @p0 .LBB2_8-.Ltmp6, $1  }
0x58: {  	_ =	sdelay $0x3  }
.Ltmp7:
0x59: {  	(pc) =	sbr.rel .LBB2_7-.Ltmp7, $4  }
0x5a: {  	s28 =	sadd.s32 $0x3, s26  }
0x5b: {  	_ =	swait.ge [sflag:s28], $0x4000  }
0x5c: {  	[sflag:s28] =	ssyncset.done $0x0  }
0x5d: {  	[sflag:s28] =	ssyncadd.s32 $0xFFFFC000  }
.LBB2_9:
0x5e: {  	_ =	swait.ge [sflag:s19], $0x4000  }
0x5f: {  	[sflag:s19] =	ssyncset.done $0x0  }
0x60: {  	[sflag:s19] =	ssyncadd.s32 $0xFFFFC000  }
0x61: {  	_ =	swait.ge [sflag:s20], $0x4000  }
0x62: {  	[sflag:s20] =	ssyncset.done $0x0  }
0x63: {  	[sflag:s20] =	ssyncadd.s32 $0xFFFFC000  }
0x64: {  	[tilespmem:s4], [sflag:$0x5] =	stream.linear.gather [hbm4b:s12+s4], $0x1400, $0x38;
	[tilespmem:$0x1E400] =	vst v63  }
0x65: {  	_ =	swait.ge [sflag:s17], $0x1400  }
0x66: {  	[sflag:s17] =	ssyncset.done $0x0  }
0x67: {  	s22 =	simm.s32 $0x1400;
	[sflag:s17] =	ssyncadd.s32 $0xFFFFEC00  }
0x68: {  	[tilespmem:s22], [sflag:$0x5] =	stream.linear.gather [hbm4b:s13+s4], $0x1400, $0x38;
	[tilespmem:$0x1E400] =	vst v63  }
.Ltmp8:
0x69: {  	_ = 	snop;
	(pc) =	sbr.rel .LBB2_10-.Ltmp8, $4  }
0x6a: {  	_ =	swait.ge [sflag:s17], $0x1400  }
0x6b: {  	[sflag:s17] =	ssyncset.done $0x0  }
0x6c: {  	s23 =	simm.s32 $0x80;
	s24 =	simm.s32 $0x1;
	[sflag:s17] =	ssyncadd.s32 $0xFFFFEC00  }
0x6d: {  	[tilespmem:s16], [sflag:$0x1] =	stream.indirect.gather [hbm4b:s1+s23], $0x80, s4, s23, $0xb8;
	[tilespmem:$0x1E400] =	vst v63  }
.LBB2_13:
0x6e: {  	s28 =	sshll.u32 s26, $0xE  }
0x6f: {  	s31 =	sadd.s32 $0x1, s26;
	s28 =	sor.u32 $0x2800, s28  }
0x70: {  	[tilespmem:s28], [sflag:s31] =	stream.indirect.gather [hbm4b:s1+s18], $0x80, s23, s18, $0xb8;
	[tilespmem:$0x1E400] =	vst v63  }
.LBB2_14:
0x71: {  	s25 =	sand.u32 $0x1, s25;
	s24 =	sadd.s32 $0x1, s24  }
0x72: {  	s26 =	sadd.s32 $0x1, s25;
	p0 =	sne.s32 s24, $0x29  }
.Ltmp9:
0x73: {  	_ =	swait.ge [sflag:s26], $0x4000;
	(pc) =	sbr.rel @!p0 .LBB2_15-.Ltmp9, $4  }
0x74: {  	s28 =	sshll.u32 s25, $0xE;
	[sflag:s26] =	ssyncset.done $0x0  }
0x75: {  	s25 =	sadd.s32 $0x3, s25;
	s28 =	sor.u32 $0x2800, s28;
	[sflag:s26] =	ssyncadd.s32 $0xFFFFC000  }
0x76: {  	[spmem:s2] =	stream.indirect.scatter.add.f32 [tilespmem:s28], [sflag:s25], $0x80, s22, s18, $0xb8;
	[tilespmem:$0x1E400] =	vst v63  }
0x77: {  	s23 =	sadd.s32 $0x80, s23;
	s22 =	sadd.s32 $0x80, s22  }
.LBB2_10:
0x78: {  	s25 =	sadd.s32 $0xFFFFFFFF, s24  }
0x79: {  	p0 =	seq.s32 s25, $0x0  }
.Ltmp10:
0x7a: {  	_ = 	snop;
	(pc) =	sbr.rel @p0 .LBB2_13-.Ltmp10, $2  }
0x7b: {  	_ =	sdelay $0x2  }
0x7c: {  	s26 =	sand.u32 $0x1, s24  }
0x7d: {  	p0 =	seq.s32 s25, $0x27  }
.Ltmp11:
0x7e: {  	_ = 	snop;
	(pc) =	sbr.rel @p0 .LBB2_14-.Ltmp11, $1  }
0x7f: {  	_ =	sdelay $0x3  }
.Ltmp12:
0x80: {  	(pc) =	sbr.rel .LBB2_13-.Ltmp12, $4  }
0x81: {  	s28 =	sadd.s32 $0x3, s26  }
0x82: {  	_ =	swait.ge [sflag:s28], $0x4000  }
0x83: {  	[sflag:s28] =	ssyncset.done $0x0  }
0x84: {  	[sflag:s28] =	ssyncadd.s32 $0xFFFFC000  }
.LBB2_16:
0x85: {  	_ =	sfence.sel $0x180000  }
0x86: {  	[bflag:$0x0] =	sbarrier.arrive $0xFFFF  }
0x87: {  	p0 =	sne.s32 s3, $0x0;
	_ =	strace $0x9000004D  }
0x88: {  	s0 =	sadd.s32 @!p0 $0x100000, s0;
	[bflag:$0x2] =	sbarrier.arrive $0xFFFF  }
0x89: {  	[sflag:s0] =	ssyncadd.tile.s32 @!p0 $0x1;
	_ =	shalt  }
.Lfunc_end2:
_tile_overlayer_lowered:
.L_overlay_start_2:
0x8a: {  	(tag) =	ssettag $0x2  }
0x8b: {  	s0 =	rddreg [dreg:$0x0];
	s2 =	stileid.u32  }
0x8c: {  	s1 =	rddreg [dreg:$0x1];
	p0 =	sne.s32 s2, $0x0  }
0x8d: {  	s3 =	rddreg [dreg:$0x2];
	[bflag:$0x3] =	sbarrier.arrive $0xFFFF;
	s2 =	simm.s32 @!p0 $0x1C05  }
0x8e: {  	[timem:s3], [sflag:s2] =	dma.local @!p0 [hbm:s0], s1  }
0x8f: {  	s0 =	simm.s32 @!p0 $0x5  }
0x90: {  	_ =	swait.ge @!p0 [sflag:s0], s1  }
0x91: {  	s1 =	ssub.s32 @!p0 $0x0, s1;
	[sflag:s0] =	ssyncset.done @!p0 $0x0  }
0x92: {  	[sflag:s0] =	ssyncadd.s32 @!p0 s1  }
0x93: {  	[bflag:$0x3] =	sbarrier.arrive $0xFFFF  }
0x94: {  	_ =	shalt  }

// kernel: kernel.9.cloned.1.call-start
scs
__scs_entry_jumppad:
0x0: {  	(pc) =	sbr.rel $0x88, $3  }
0x1: {  	(tag) =	ssettag $0x0;
	lr =	simm.s32 $0x1  }
0x2: {  	[smem:$0x3F9B] =	sst lr;
	_ =	strace $0xD0000000  }
0x3: {  	_ = 	snop  }
0x4: {  	_ = 	snop  }
0x5: {  	_ = 	snop  }
0x6: {  	_ = 	snop  }
0x7: {  	_ = 	snop  }
__scs_overlays_trampoline_lowered:
0x8: {  	[smem:$0x3FAA] =	sst s0  }
0x9: {  	[smem:$0x3FAB] =	sst s1  }
0xa: {  	[smem:$0x3FAC] =	sst s2  }
0xb: {  	[smem:$0x3FAD] =	sst s3  }
0xc: {  	[smem:$0x3FAE] =	sst s4  }
0xd: {  	[smem:$0x3FAF] =	sst s5  }
0xe: {  	[smem:$0x3FB0] =	sst s6  }
0xf: {  	[smem:$0x3FB1] =	sst s7  }
0x10: {  	[smem:$0x3FB2] =	sst s8  }
0x11: {  	[smem:$0x3FB3] =	sst s9;
	s0 =	simm.s32 @!p0 $0x0  }
0x12: {  	s1 =	sld [smem:$0x3F99];
	s0 =	simm.s32 @p0 $0x1  }
0x13: {  	[smem:$0x3FB4] =	sst s0;
	s0 =	simm.s32 @!p1 $0x0  }
0x14: {  	s2 =	sld [smem:$0x3F98];
	s0 =	simm.s32 @p1 $0x1  }
0x15: {  	[smem:$0x3FB5] =	sst s0;
	s0 =	simm.s32 @!p2 $0x0  }
0x16: {  	s3 =	sld [smem:$0x3FDB];
	s0 =	simm.s32 @p2 $0x1  }
0x17: {  	s4 =	simm.s32 $0x1BF5;
	[smem:$0x3FB7] =	sst s0  }
0x18: {  	s0 =	sld [smem:$0x3F9A];
	_ =	swait.ge [sflag:s4], $0x0  }
0x19: {  	s7 =	sld [smem:$0x3F9B]  }
0x1a: {  	s8 =	sadd.s32 $0xFFFFE003, lr  }
0x1b: {  	s9 =	sadd.s32 $0xFFFFFEF7, lr;
	s5 =	simm.s32 $0xFFFFFFFF;
	p2 =	slt.u32 s8, $0xFFFFF086  }
0x1c: {  	p1 =	slt.u32 s9, $0xF7A;
	s5 =	simm.s32 @!p2 $0x0  }
0x1d: {  	s5 =	simm.s32 @p1 $0x1;
	p0 =	seq.s32 s7, s2  }
0x1e: {  	s7 =	smul.u32 @!p0 $0xF7A, s2;
	p2 =	seq.s32 @!p0 s5, $0x0  }
0x1f: {  	s9 =	smul.u32 $0xF7A, s1;
	s8 =	simm.s32 @!p0 $0x1BF5;
	p2 =	por !p2, p0  }
0x20: {  	[sflag:s8] =	ssyncset.s32 @!p0 $0xFFFFF086;
	s6 =	sadd.s32 @!p0 s3, s7;
	s7 =	simm.s32 @!p0 $0x108  }
0x21: {  	s3 =	sadd.s32 s3, s9;
	s6 =	sadd.s32 @!p0 $0x88, s6;
	s7 =	simm.s32 @p2 $0x1082  }
0x22: {  	[simem:s7], [sflag:s8] =	dma.local @!p0 [hbm:s6], $0xF7A  }
0x23: {  	s9 =	sor.u32 $0xD0000000, s2;
	s6 =	simm.s32 $0x108;
	_ =	swait.ge @!p0 [sflag:s8], $0x0  }
0x24: {  	s3 =	sadd.s32 $0x88, s3;
	s6 =	simm.s32 @!p1 $0x1082;
	[sflag:s4] =	ssyncset.s32 $0xFFFFF086  }
0x25: {  	[simem:s6], [sflag:s4] =	dma.local [hbm:s3], $0xF7A  }
0x26: {  	[smem:$0x3F9B] =	sst s1;
	(tag) =	ssettag s2;
	_ =	strace s9  }
0x27: {  	s1 =	sld [smem:$0x3FAB]  }
0x28: {  	s2 =	sld [smem:$0x3FAC]  }
0x29: {  	s4 =	sld [smem:$0x3FAE]  }
0x2a: {  	p0 =	seq.s32 s5, $0x0;
	s5 =	sld [smem:$0x3FAF]  }
0x2b: {  	s6 =	sld [smem:$0x3FB0]  }
0x2c: {  	s7 =	sld [smem:$0x3FB1]  }
0x2d: {  	s3 =	simm.s32 $0x108;
	s8 =	sld [smem:$0x3FB2]  }
0x2e: {  	s3 =	simm.s32 @!p0 $0x1082;
	s9 =	sld [smem:$0x3FB3]  }
0x2f: {  	lr =	sadd.s32 s0, s3;
	s0 =	sld [smem:$0x3FAA]  }
0x30: {  	s3 =	sld [smem:$0x3FAD]  }
0x31: {  	[smem:$0x3FB6] =	sst s10  }
0x32: {  	s10 =	sld [smem:$0x3FB4];
	_ =	sdelay $0x3  }
0x33: {  	p0 =	seq.s32 s10, $0x1;
	s10 =	sld [smem:$0x3FB6];
	_ =	sdelay $0x3  }
0x34: {  	[smem:$0x3FB6] =	sst s10  }
0x35: {  	s10 =	sld [smem:$0x3FB5];
	_ =	sdelay $0x3  }
0x36: {  	p1 =	seq.s32 s10, $0x1;
	s10 =	sld [smem:$0x3FB6];
	_ =	sdelay $0x3  }
0x37: {  	[smem:$0x3FB6] =	sst s10  }
0x38: {  	s10 =	sld [smem:$0x3FB7]  }
0x39: {  	_ = 	snop;
	(pc) =	sbr.ind lr, $3  }
0x3a: {  	_ = 	snop  }
0x3b: {  	_ = 	snop  }
0x3c: {  	p2 =	seq.s32 s10, $0x1;
	s10 =	sld [smem:$0x3FB6]  }
0x3d: {  	_ =	shalt  }
0x3e: {  	_ =	shalt  }
0x3f: {  	_ =	shalt  }
0x40: {  	_ =	shalt  }
0x41: {  	_ =	shalt  }
0x42: {  	_ =	shalt  }
0x43: {  	_ =	shalt  }
0x44: {  	_ =	shalt  }
0x45: {  	_ =	shalt  }
0x46: {  	_ =	shalt  }
0x47: {  	_ =	shalt  }
0x48: {  	_ =	shalt  }
0x49: {  	_ =	shalt  }
0x4a: {  	_ =	shalt  }
0x4b: {  	_ =	shalt  }
0x4c: {  	_ =	shalt  }
0x4d: {  	_ =	shalt  }
0x4e: {  	_ =	shalt  }
0x4f: {  	_ =	shalt  }
0x50: {  	_ =	shalt  }
0x51: {  	_ =	shalt  }
0x52: {  	_ =	shalt  }
0x53: {  	_ =	shalt  }
0x54: {  	_ =	shalt  }
0x55: {  	_ =	shalt  }
0x56: {  	_ =	shalt  }
0x57: {  	_ =	shalt  }
0x58: {  	_ =	shalt  }
0x59: {  	_ =	shalt  }
0x5a: {  	_ =	shalt  }
0x5b: {  	_ =	shalt  }
0x5c: {  	_ =	shalt  }
0x5d: {  	_ =	shalt  }
0x5e: {  	_ =	shalt  }
0x5f: {  	_ =	shalt  }
0x60: {  	_ =	shalt  }
0x61: {  	_ =	shalt  }
0x62: {  	_ =	shalt  }
0x63: {  	_ =	shalt  }
0x64: {  	_ =	shalt  }
0x65: {  	_ =	shalt  }
0x66: {  	_ =	shalt  }
0x67: {  	_ =	shalt  }
0x68: {  	_ =	shalt  }
0x69: {  	_ =	shalt  }
0x6a: {  	_ =	shalt  }
0x6b: {  	_ =	shalt  }
0x6c: {  	_ =	shalt  }
0x6d: {  	_ =	shalt  }
0x6e: {  	_ =	shalt  }
0x6f: {  	_ =	shalt  }
0x70: {  	_ =	shalt  }
0x71: {  	_ =	shalt  }
0x72: {  	_ =	shalt  }
0x73: {  	_ =	shalt  }
0x74: {  	_ =	shalt  }
0x75: {  	_ =	shalt  }
0x76: {  	_ =	shalt  }
0x77: {  	_ =	shalt  }
0x78: {  	_ =	shalt  }
0x79: {  	_ =	shalt  }
0x7a: {  	_ =	shalt  }
0x7b: {  	_ =	shalt  }
0x7c: {  	_ =	shalt  }
0x7d: {  	_ =	shalt  }
0x7e: {  	_ =	shalt  }
0x7f: {  	_ =	shalt  }
0x80: {  	_ =	shalt  }
0x81: {  	_ =	shalt  }
0x82: {  	_ =	shalt  }
0x83: {  	_ =	shalt  }
0x84: {  	_ =	shalt  }
0x85: {  	_ =	shalt  }
0x86: {  	_ =	shalt  }
0x87: {  	_ =	shalt  }
.Lfunc_end0:
.L_simem_size_0:
called_computation_lowered:
.L_overlay_start_0:
0x88: {  	s2 =	sld [smem:$0x3FD9]  }
0x89: {  	s3 =	sld [smem:$0x3FFE];
	_ =	sdelay $0x1  }
0x8a: {  	s1 =	srdreg.scid  }
0x8b: {  	s0 =	sand.u32 $0x1, s1  }
0x8c: {  	s16 =	sshll.u32 s0, $0xA;
	s2 =	sadd.s32 s3, s2  }
0x8d: {  	s2 =	sadd.s32 s2, s16  }
0x8e: {  	[smem:$0x3FC2] =	sst s2  }
0x8f: {  	_ = 	snop  }
0x90: {  	(tm) =	ssettm $0x1  }
0x91: {  	s17 =	sld [smem:$0x3FFB];
	_ =	sdelay $0x3  }
0x92: {  	_ =	strace s17  }
0x93: {  	s2 =	sld [smem:$0x3FFC];
	_ =	sdelay $0x3  }
0x94: {  	_ =	strace s2  }
0x95: {  	s2 =	sld [smem:$0x3FFD];
	_ =	sdelay $0x3  }
0x96: {  	_ =	strace s2  }
0x97: {  	_ =	strace $0x8FFFFFFF  }
0x98: {  	s18 =	sld [smem:$0x3FDB];
	_ =	sdelay $0x1  }
0x99: {  	s19 =	simm.s32 $_scs_section_size  }
0x9a: {  	s4 =	simm.s32 $_size__tile_overlayer_lowered;
	s5 =	simm.s32 $_tile_overlayer_lowered  }
0x9b: {  	s22 =	simm.s32 $0x1BFF;
	s21 =	sshll.u32 s5, $0x1;
	s2 =	sadd.s32 s19, s18  }
0x9c: {  	s6 =	simm.s32 $0x0;
	s20 =	sshll.u32 s4, $0x1;
	s4 =	sadd.s32 s21, s2  }
0x9d: {  	[timem:s6], [sflag:s22] =	dma.local [hbm:s4], s20  }
0x9e: {  	_ =	swait.ge [sflag:s22], s20  }
0x9f: {  	s3 =	ssub.s32 $0x0, s20;
	[sflag:s22] =	ssyncset.done $0x0  }
0xa0: {  	[sflag:s22] =	ssyncadd.s32 s3;
	_ =	sdelay $0x1  }
0xa1: {  	s23 =	simm.s32 $0x1B8B  }
0xa2: {  	_ =	swait.ge [sflag:s23], $0x1  }
0xa3: {  	[sflag:s23] =	ssyncset.done $0x0  }
0xa4: {  	s25 =	simm.s32 $0x1B8E;
	s24 =	sld [smem:$0x3FFE];
	[sflag:s23] =	ssyncadd.s32 $0xFFFFFFFF  }
0xa5: {  	s26 =	simm.s32 $execute0_lowered;
	[smem:$0x3FD2] =	sst s25  }
0xa6: {  	s4 =	sshll.u32 s26, $0x1;
	_ =	strace $0x80000046;
	[dreg:$0x1] =	wrdreg $0xFFFFFFFF  }
0xa7: {  	s28 =	simm.s32 $_size_execute0_lowered;
	s2 =	sadd.s32 s2, s4;
	[dreg:$0x0] =	wrdreg $0x0  }
0xa8: {  	s4 =	sshll.u32 s28, $0x1;
	[dreg:$0x2] =	wrdreg s2  }
0xa9: {  	[dreg:$0x3] =	wrdreg s4  }
0xaa: {  	[dreg:$0x4] =	wrdreg $0xC0  }
0xab: {  	_ =	task [dreg:s6], $0x5FFFF  }
0xac: {  	[dreg:$0x1] =	wrdreg $0xFFFFFFFF  }
0xad: {  	[dreg:$0x0] =	wrdreg $0x60  }
0xae: {  	[dreg:$0x2] =	wrdreg s24  }
0xaf: {  	[dreg:$0x3] =	wrdreg $0x68000  }
0xb0: {  	[dreg:$0x4] =	wrdreg $0x9  }
0xb1: {  	_ =	task.clear_ibuf [dreg:s6], $0x5FFFF;
	_ =	strace $0x90000046  }
0xb2: {  	s29 =	simm.s32 $0x9;
	_ =	strace $0x80000048  }
0xb3: {  	_ =	swait.ge [sflag:s29], $0x1  }
0xb4: {  	[sflag:s29] =	ssyncadd.s32 $0xFFFFFFFF  }
0xb5: {  	_ =	strace $0x90000048  }
0xb6: {  	_ =	sfence  }
0xb7: {  	s30 =	sld [smem:$0x0];
	_ =	sdelay $0x2  }
0xb8: {  	s31 =	sshll.u32 s1, $0xD;
	s1 =	sshrl.u32 s1, $0x2  }
0xb9: {  	s3 =	sand.u32 $0x4000, s31;
	s1 =	sadd.s32 s1, s30  }
0xba: {  	s0 =	sor.u32 s3, s0;
	s1 =	sshll.u32 s1, $0x11  }
0xbb: {  	s0 =	sor.u32 s1, s0  }
0xbc: {  	s0 =	sadd.s32 $0x8F2B, s0  }
0xbd: {  	[sflag:s0] =	ssyncadd.remote.s32 $0x1  }
0xbe: {  	_ =	sfence.sel $0xFFFF  }
0xbf: {  	[dreg:$0x0] =	wrdreg $0xFFFFFFFF;
	(pc) =	sbr.abs _section_cstart, $3  }
0xc0: {  	[dreg:$0x1] =	wrdreg $0xFFFFFFFF  }
0xc1: {  	_ =	task.clear_ibuf [dreg:s6], $0x2FFFF;
	_ =	strace $0x9FFFFFFF  }
0xc2: {  	(tm) =	ssettm $0x7FFFFFFF  }
0xc3: {  	_ =	shalt  }
tec
execute0_lowered:
.L_overlay_start_1:
0x0: {  	(tag) =	ssettag $0x1  }
0x1: {  	s0 =	srdreg.scid;
	s5 =	rddreg [dreg:$0x0]  }
0x2: {  	s2 =	rddreg [dreg:$0x1];
	s3 =	simm.s32 $0x0;
	s4 =	sand.u32 $0x1, s0  }
0x3: {  	s13 =	simm.s32 $0x1;
	s0 =	stileid.u32;
	s7 =	smul.u32 $0x13C000, s4  }
0x4: {  	s14 =	simm.s32 $0x80;
	s17 =	simm.s32 $0x0;
	s8 =	smul.u32 $0x13C00, s0  }
0x5: {  	[smem:$0x7FF] =	sst s3;
	s1 =	sshll.u32 s4, $0x4;
	s9 =	smul.u32 $0x4F000, s0  }
0x6: {  	s29 =	ssub.s32 $0x2, s4;
	s15 =	sshll.u32 s0, $0x6;
	s1 =	sor.u32 s0, s1  }
0x7: {  	s31 =	sshrl.u32 s29, $0x1;
	s15 =	sor.u32 $0x1C01, s15;
	s6 =	smul.u32 $0x500, s1  }
0x8: {  	s1 =	rddreg [dreg:$0x2];
	_ =	strace $0x80000047;
	s30 =	sshrl.u32 s9, $0x2  }
0x9: {  	s28 =	sadd.s32 s8, s7;
	s12 =	ssub.s32 s29, s31;
	s4 =	sadd.s32 s30, s2  }
0xa: {  	s10 =	sadd.s32 s6, s5;
	s6 =	sshrl.u32 s28, $0x3;
	s7 =	sadd.s32 $0xC000, s4  }
0xb: {  	s8 =	sadd.s32 $0xFC00, s4;
	s16 =	sshrl.u32 s4, $0x3;
	s11 =	sadd.s32 s6, s5  }
0xc: {  	s5 =	sadd.s32 $0x4000, s4;
	s6 =	sadd.s32 $0x8000, s4;
	s9 =	sadd.s32 $0x2800, s10  }
0xd: {  	v0 =	vimm.f32 $0.0e+00;
	v1 =	vimm.f32 $1.000000000e+00;
	s10 =	sadd.s32 $0x16800, s11;
	s11 =	smax.u32 s12, $0x1;
	s12 =	simm.s32 $0x2800  }
.LBB2_1:
0xe: {  	s18 =	sand.u32 $0xFE00, s3  }
0xf: {  	s19 =	sand.u32 $0x70, s3;
	s20 =	sshrl.u32 s18, $0x2  }
0x10: {  	s18 =	simm.s32 $0x40;
	s20 =	sor.u32 s19, s20;
	s19 =	simm.s32 $0x0  }
.LBB2_2:
0x11: {  	p0 =	sne.s32 s18, $0xFFC0  }
0x12: {  	[tilespmem:s20+$0x2800] =	vst v0;
	s19 =	sadd.s32 $0x10, s19;
	s20 =	smov.u32 s18;
	s18 =	sadd.s32 $0x40, s18  }
.Ltmp0:
0x13: {  	(pc) =	sbr.rel @p0 .LBB2_2-.Ltmp0, $4  }
0x14: {  	_ = 	snop  }
0x15: {  	s20 =	sand.u32 $0xFE00, s20  }
0x16: {  	s21 =	sand.u32 $0x70, s19;
	s20 =	sshrl.u32 s20, $0x2  }
0x17: {  	s20 =	sor.u32 s21, s20  }
0x18: {  	[tilespmem:s20+$0x2800] =	vst v0  }
0x19: {  	[spmem:s4] =	stream.linear.scatter [tilespmem:s12], [sflag:$0x1], $0x4000, $0x38;
	[tilespmem:$0x1A400] =	vst v63  }
0x1a: {  	_ =	swait.ge [sflag:s13], $0x4000  }
0x1b: {  	[sflag:s13] =	ssyncset.done $0x0  }
0x1c: {  	[sflag:s13] =	ssyncadd.s32 $0xFFFFC000  }
0x1d: {  	[spmem:s5] =	stream.linear.scatter [tilespmem:s12], [sflag:$0x1], $0x4000, $0x38;
	[tilespmem:$0x1A400] =	vst v63  }
0x1e: {  	_ =	swait.ge [sflag:s13], $0x4000  }
0x1f: {  	[sflag:s13] =	ssyncset.done $0x0  }
0x20: {  	[sflag:s13] =	ssyncadd.s32 $0xFFFFC000  }
0x21: {  	[spmem:s6] =	stream.linear.scatter [tilespmem:s12], [sflag:$0x1], $0x4000, $0x38;
	[tilespmem:$0x1A400] =	vst v63  }
0x22: {  	_ =	swait.ge [sflag:s13], $0x4000  }
0x23: {  	[sflag:s13] =	ssyncset.done $0x0  }
0x24: {  	[sflag:s13] =	ssyncadd.s32 $0xFFFFC000  }
0x25: {  	[spmem:s7] =	stream.linear.scatter [tilespmem:s12], [sflag:$0x1], $0x4000, $0x38;
	[tilespmem:$0x1A400] =	vst v63  }
0x26: {  	_ =	swait.ge [sflag:s13], $0x4000  }
0x27: {  	[sflag:s13] =	ssyncset.done $0x0  }
0x28: {  	[sflag:s13] =	ssyncadd.s32 $0xFFFFC000  }
0x29: {  	[spmem:s8] =	stream.linear.scatter [tilespmem:s12], [sflag:$0x1], $0x4000, $0x38;
	[tilespmem:$0x1A400] =	vst v63  }
0x2a: {  	s18 =	simm.s32 $0x0;
	_ =	swait.ge [sflag:s13], $0x4000  }
0x2b: {  	s19 =	sand.u32 $0xFE00, s18;
	[sflag:s13] =	ssyncset.done $0x0  }
0x2c: {  	s31 =	sand.u32 $0x70, s18;
	s21 =	sshrl.u32 s19, $0x2;
	[sflag:s13] =	ssyncadd.s32 $0xFFFFC000  }
0x2d: {  	s19 =	simm.s32 $0x40;
	s20 =	sor.u32 s31, s21;
	[bflag:$0x0] =	sbarrier.arrive $0xFFFF  }
.LBB2_4:
0x2e: {  	p0 =	sne.s32 s19, $0xFFC0  }
0x2f: {  	[tilespmem:s20+$0x2800] =	vst v1;
	s18 =	sadd.s32 $0x10, s18;
	s20 =	smov.u32 s19;
	s19 =	sadd.s32 $0x40, s19  }
.Ltmp1:
0x30: {  	(pc) =	sbr.rel @p0 .LBB2_4-.Ltmp1, $4  }
0x31: {  	_ = 	snop  }
0x32: {  	s20 =	sand.u32 $0xFE00, s20  }
0x33: {  	s21 =	sand.u32 $0x70, s18;
	s20 =	sshrl.u32 s20, $0x2  }
0x34: {  	s20 =	sor.u32 s21, s20  }
0x35: {  	[tilespmem:s20+$0x2800] =	vst v1;
	s18 =	simm.s32 $0x0  }
0x36: {  	[tilespmem:s18], [sflag:$0x1] =	stream.linear.gather [hbm4b:s9+s18], $0x2800, $0x38;
	[tilespmem:$0x1A400] =	vst v63  }
0x37: {  	_ =	swait.ge [sflag:s13], $0x2800  }
0x38: {  	[sflag:s13] =	ssyncset.done $0x0  }
0x39: {  	s31 =	simm.s32 $0x0;
	[sflag:s13] =	ssyncadd.s32 $0xFFFFD800  }
0x3a: {  	[spmem:s2] =	stream.indirect.scatter.add.f32 [tilespmem:s12], [sflag:$0x1], $0x80, s31, s14, $0xb8;
	[tilespmem:$0x1A400] =	vst v63  }
0x3b: {  	_ =	swait.ge [sflag:s13], $0x4000  }
0x3c: {  	s18 =	simm.s32 $0x200;
	[sflag:s13] =	ssyncset.done $0x0  }
.LBB2_6:
0x3d: {  	s19 =	sshra.s32 s18, $0x2;
	[sflag:s13] =	ssyncadd.s32 $0xFFFFC000;
	p0 =	sne.s32 s18, $0x9E00  }
0x3e: {  	[spmem:s2] =	stream.indirect.scatter.add.f32 [tilespmem:s12], [sflag:$0x1], $0x80, s19, s14, $0xb8;
	[tilespmem:$0x1A400] =	vst v63  }
.Ltmp2:
0x3f: {  	_ = 	snop;
	(pc) =	sbr.rel @p0 .LBB2_6-.Ltmp2, $4  }
0x40: {  	_ = 	snop  }
0x41: {  	s18 =	sadd.s32 $0x200, s18  }
0x42: {  	_ =	swait.ge [sflag:s13], $0x4000  }
0x43: {  	[sflag:s13] =	ssyncset.done $0x0  }
0x44: {  	s17 =	sadd.s32 $0x1, s17  }
0x45: {  	[sflag:s13] =	ssyncadd.s32 $0xFFFFC000;
	p0 =	sne.s32 s17, s11  }
.Ltmp3:
0x46: {  	[bflag:$0x0] =	sbarrier.arrive $0xFFFF;
	(pc) =	sbr.rel @p0 .LBB2_1-.Ltmp3, $4  }
0x47: {  	[hbm:s10], [sflag:s15] =	dma.local [spmem:s16], $0x2780  }
0x48: {  	_ =	swait.ge [sflag:s13], $0x2780  }
0x49: {  	[sflag:s13] =	ssyncset.done $0x0  }
0x4a: {  	[sflag:s13] =	ssyncadd.s32 $0xFFFFD880  }
0x4b: {  	_ =	sfence.sel $0x180000  }
0x4c: {  	[bflag:$0x0] =	sbarrier.arrive $0xFFFF  }
0x4d: {  	p0 =	sne.s32 s0, $0x0;
	_ =	strace $0x90000047  }
0x4e: {  	s0 =	sadd.s32 @!p0 $0x100000, s1;
	[bflag:$0x2] =	sbarrier.arrive $0xFFFF  }
0x4f: {  	[sflag:s0] =	ssyncadd.tile.s32 @!p0 $0x1;
	_ =	shalt  }
.Lfunc_end2:
_tile_overlayer_lowered:
.L_overlay_start_2:
0x50: {  	(tag) =	ssettag $0x2  }
0x51: {  	s0 =	rddreg [dreg:$0x0];
	s2 =	stileid.u32  }
0x52: {  	s1 =	rddreg [dreg:$0x1];
	p0 =	sne.s32 s2, $0x0  }
0x53: {  	s3 =	rddreg [dreg:$0x2];
	[bflag:$0x3] =	sbarrier.arrive $0xFFFF;
	s2 =	simm.s32 @!p0 $0x1C01  }
0x54: {  	[timem:s3], [sflag:s2] =	dma.local @!p0 [hbm:s0], s1  }
0x55: {  	s0 =	simm.s32 @!p0 $0x1  }
0x56: {  	_ =	swait.ge @!p0 [sflag:s0], s1  }
0x57: {  	s1 =	ssub.s32 @!p0 $0x0, s1;
	[sflag:s0] =	ssyncset.done @!p0 $0x0  }
0x58: {  	[sflag:s0] =	ssyncadd.s32 @!p0 s1  }
0x59: {  	[bflag:$0x3] =	sbarrier.arrive $0xFFFF  }
0x5a: {  	_ =	shalt  }

</sc_bundles>
